<compile_context>
chip_gen: v7x
topology: tpu7x:2x2x1
jax: 0.10.2.dev20260603
libtpu: 0.0.44.dev20260713+nightly
codegen_flags: <defaults>
</compile_context>

<pallas_src>
import functools

import jax
import jax.numpy as jnp
from jax import lax
from jax.experimental import pallas as pl
from jax.experimental.pallas import tpu as pltpu
from jax.experimental.pallas import tpu_sc as plsc

B = 16384
D = 32
H = 128
NC = 2
NS = 16
NW = NC * NS
BPW = B // NW

NU = 1000000
CW = 768
NFULL = NU // CW
PART_R0 = NFULL * CW
PART_W = NU - PART_R0
W_HI = 22
CPW_HI = 41
CPW_LO = 40
PAIRS = (CPW_HI + 1) // 2
CAP = 96
TRASH = B
LCAP = B + 16
SENTINEL = 0x7FFFFFF0


def _iota16():
    return lax.iota(jnp.int32, 16)


def _full16(v):
    return jnp.full((16,), v, jnp.int32)



def _sc_user_body(u_idx, ut, out, uidx_v, jl, rl, chunk0, chunk1, partbuf,
                  staging, jslots, sem_c0, sem_c1, sem_s):
    wid = lax.axis_index("s") * NC + lax.axis_index("c")
    chunk_lo = jnp.where(wid < W_HI, wid * CPW_HI,
                         W_HI * CPW_HI + (wid - W_HI) * CPW_LO)
    n_full = jnp.where(wid < W_HI, CPW_HI, CPW_LO)
    r_lo = chunk_lo * CW
    r_hi = r_lo + n_full * CW + jnp.where(wid == NW - 1, PART_W, 0)
    bufs = (chunk0, chunk1)

    sems = (sem_c0, sem_c1)
    pltpu.async_copy(ut.at[:, pl.ds(chunk_lo * CW, CW)], chunk0, sem_c0)
    pltpu.async_copy(ut.at[:, pl.ds((chunk_lo + 1) * CW, CW)], chunk1, sem_c1)

    pltpu.sync_copy(u_idx, uidx_v)

    def sel_body(c, cnt):
        v = uidx_v[pl.ds(c * 16, 16)]
        j = _iota16() + c * 16
        m = (v >= r_lo) & (v < r_hi)
        plsc.store_compressed(jl.at[pl.ds(cnt, 16)], j, mask=m)
        plsc.store_compressed(rl.at[pl.ds(cnt, 16)], v, mask=m)
        return cnt + plsc.all_reduce_population_count(m)[0]

    cnt_list = lax.fori_loop(0, B // 16, sel_body, jnp.int32(0))
    rl[pl.ds(cnt_list, 16)] = _full16(SENTINEL)

    for q in range(CAP // 16):
        jslots[pl.ds(q * 16, 16)] = _full16(TRASH)

    def flush():
        pltpu.async_copy(staging, out.at[jslots], sem_s).wait()
        for q in range(CAP // 16):
            jslots[pl.ds(q * 16, 16)] = _full16(TRASH)

    ngroups = (cnt_list + 15) // 16

    def extract(buf, width, r0, cs):
        def gbody(g, cs):
            rv = rl[pl.ds(g * 16, 16)]
            m = (rv >= r0) & (rv < r0 + width)
            npc = plsc.all_reduce_population_count(m)[0]

            @pl.when(npc > 0)
            def _():
                jv = jl[pl.ds(g * 16, 16)]
                pos = plsc.cumsum(jnp.where(m, 1, 0).astype(jnp.int32))
                slots = cs + pos - 1
                col = jnp.where(m, rv - r0, 0)
                for d in range(D):
                    vals = plsc.load_gather(buf, [_full16(d), col], mask=m)
                    plsc.store_scatter(staging, [slots, _full16(d)], vals,
                                       mask=m)
                plsc.store_scatter(jslots, [slots], jv, mask=m)

            cs = cs + npc

            def do_flush(c):
                flush()
                return jnp.int32(0)

            return lax.cond(cs >= CAP - 16, do_flush, lambda c: c, cs)

        return lax.fori_loop(0, ngroups, gbody, cs)

    def pair_body(p, cs):
        for b in range(2):
            c = 2 * p + b
            buf = bufs[b]
            sem_b = sems[b]

            def process(cs):
                pltpu.make_async_copy(
                    ut.at[:, pl.ds(0, CW)], buf, sem_b).wait()
                cs = extract(buf, CW, (chunk_lo + c) * CW, cs)

                @pl.when(c + 2 < n_full)
                def _():
                    pltpu.async_copy(
                        ut.at[:, pl.ds((chunk_lo + c + 2) * CW, CW)],
                        buf, sem_b)

                return cs

            cs = lax.cond(c < n_full, process, lambda c_: c_, cs)
        return cs

    cs = lax.fori_loop(0, PAIRS, pair_body, jnp.int32(0))

    def do_partial(cs):
        pltpu.sync_copy(ut.at[:, pl.ds(PART_R0, PART_W)], partbuf)
        return extract(partbuf, PART_W, jnp.int32(PART_R0), cs)

    cs = lax.cond(wid == NW - 1, do_partial, lambda c: c, cs)
    flush()


def _sc_user(u_idx, ut):
    mesh = plsc.VectorSubcoreMesh(core_axis_name="c", subcore_axis_name="s")
    scratch = [
        pltpu.VMEM((B,), jnp.int32),
        pltpu.VMEM((LCAP,), jnp.int32),
        pltpu.VMEM((LCAP,), jnp.int32),
        pltpu.VMEM((D, CW), jnp.float32),
        pltpu.VMEM((D, CW), jnp.float32),
        pltpu.VMEM((D, PART_W), jnp.float32),
        pltpu.VMEM((CAP, H), jnp.float32),
        pltpu.VMEM((CAP,), jnp.int32),
        pltpu.SemaphoreType.DMA,
        pltpu.SemaphoreType.DMA,
        pltpu.SemaphoreType.DMA,
    ]
    k = pl.kernel(
        _sc_user_body,
        out_type=jax.ShapeDtypeStruct((B + 2048, H), jnp.float32),
        mesh=mesh,
        scratch_types=scratch,
        compiler_params=pltpu.CompilerParams(needs_layout_passes=False),
    )
    return k(u_idx, ut)



def _sc_small_body(i_idx, l_idx, c_idx, it, lt, ct, out, idxb, rows, sem):
    wid = lax.axis_index("s") * NC + lax.axis_index("c")
    base = wid * BPW
    idxs = (i_idx, l_idx, c_idx)
    tables = (it, lt, ct)
    for t in range(3):
        pltpu.sync_copy(idxs[t].at[pl.ds(base, BPW)], idxb)
        pltpu.async_copy(tables[t].at[idxb], rows, sem).wait()
        pltpu.sync_copy(rows, out.at[t, pl.ds(base, BPW)])


def _sc_small(i_idx, l_idx, c_idx, it, lt, ct):
    mesh = plsc.VectorSubcoreMesh(core_axis_name="c", subcore_axis_name="s")
    scratch = [
        pltpu.VMEM((BPW,), jnp.int32),
        pltpu.VMEM((BPW, D), jnp.float32),
        pltpu.SemaphoreType.DMA,
    ]
    k = pl.kernel(
        _sc_small_body,
        out_type=jax.ShapeDtypeStruct((3, B, D), jnp.float32),
        mesh=mesh,
        scratch_types=scratch,
        compiler_params=pltpu.CompilerParams(use_tc_tiling_on_sc=False),
    )
    return k(i_idx, l_idx, c_idx, it, lt, ct)



BM = 2048


def _mlp_body(gu_ref, g3_ref, w1_ref, b1_ref, w2_ref, b2_ref, out_ref):
    h = jnp.dot(gu_ref[:, 0:D], w1_ref[0:D, :],
                preferred_element_type=jnp.float32)
    for t in range(3):
        h = h + jnp.dot(g3_ref[t], w1_ref[(t + 1) * D:(t + 2) * D, :],
                        preferred_element_type=jnp.float32)
    h = jnp.maximum(h + b1_ref[0, :][None, :], 0.0)
    out_ref[...] = (
        jnp.sum(h * w2_ref[0, :][None, :], axis=1, keepdims=True)
        + b2_ref[0, 0]
    )


def _mlp(gu, g3, W1, b1, W2, b2):
    w2_row = W2.reshape(1, H)
    b1_row = b1.reshape(1, H)
    b2_s = b2.reshape(1, 1)
    out = pl.pallas_call(
        _mlp_body,
        grid=(B // BM,),
        in_specs=[
            pl.BlockSpec((BM, H), lambda i: (i, 0)),
            pl.BlockSpec((3, BM, D), lambda i: (0, i, 0)),
            pl.BlockSpec((H, H), lambda i: (0, 0)),
            pl.BlockSpec((1, H), lambda i: (0, 0)),
            pl.BlockSpec((1, H), lambda i: (0, 0)),
            pl.BlockSpec((1, 1), lambda i: (0, 0)),
        ],
        out_specs=pl.BlockSpec((BM, 1), lambda i: (i, 0)),
        out_shape=jax.ShapeDtypeStruct((B, 1), jnp.float32),
    )(gu, g3, W1, b1_row, w2_row, b2_s)
    return out[:, 0]


def kernel(user, item, language, category,
           user_emb, item_emb, language_emb, category_emb,
           W1, b1, W2, b2):
    user = user.astype(jnp.int32)
    item = item.astype(jnp.int32)
    language = language.astype(jnp.int32)
    category = category.astype(jnp.int32)
    gu = _sc_user(user, user_emb.T)
    g3 = _sc_small(item, language, category,
                   item_emb, language_emb, category_emb)
    return _mlp(gu, g3, W1, b1, W2, b2)

# --- scband reference (transcript-rebuilt; emitter-appended) ---
"""Pipeline reference for scband-ncf-68564857913973 (READ-ONLY COPY).

The authoritative reference and input builder live on the scoring server;
editing this copy changes nothing except your own understanding.
"""

import jax, jax.numpy as jnp
import numpy as np

NUM_USERS = 1000000
NUM_ITEMS = 100000
NUM_LANGS = 1000
NUM_CATS = 1000
D = 32
B = 16384


def setup_inputs(seed: int = 0) -> dict:
    key = jax.random.key(seed)
    ks = jax.random.split(key, 10)
    user = jax.random.randint(ks[0], (B,), 0, NUM_USERS)
    item = jax.random.randint(ks[1], (B,), 0, NUM_ITEMS)
    language = jax.random.randint(ks[2], (B,), 0, NUM_LANGS)
    category = jax.random.randint(ks[3], (B,), 0, NUM_CATS)
    user_emb = jax.random.normal(ks[4], (NUM_USERS, D), dtype=jnp.float32) * 0.02
    item_emb = jax.random.normal(ks[5], (NUM_ITEMS, D), dtype=jnp.float32) * 0.02
    language_emb = jax.random.normal(ks[6], (NUM_LANGS, D), dtype=jnp.float32) * 0.02
    category_emb = jax.random.normal(ks[7], (NUM_CATS, D), dtype=jnp.float32) * 0.02
    W1 = jax.random.normal(ks[8], (D * 4, 128), dtype=jnp.float32) * (1.0 / np.sqrt(D * 4))
    b1 = jnp.zeros((128,), dtype=jnp.float32)
    W2 = jax.random.normal(ks[9], (128, 1), dtype=jnp.float32) * (1.0 / np.sqrt(128))
    b2 = jnp.zeros((1,), dtype=jnp.float32)
    return {
        "user": user, "item": item, "language": language, "category": category,
        "user_emb": user_emb, "item_emb": item_emb,
        "language_emb": language_emb, "category_emb": category_emb,
        "W1": W1, "b1": b1, "W2": W2, "b2": b2,
    }


def reference(user, item, language, category,
              user_emb, item_emb, language_emb, category_emb,
              W1, b1, W2, b2):
    u = jnp.take(user_emb, user, axis=0)
    i = jnp.take(item_emb, item, axis=0)
    l = jnp.take(language_emb, language, axis=0)
    c = jnp.take(category_emb, category, axis=0)
    x = jnp.concatenate([u, i, l, c], axis=1)
    h = jax.nn.relu(x @ W1 + b1)
    out = h @ W2 + b2
    return jnp.squeeze(out, axis=-1)

if __name__ == "__main__":
    import jax
    _d = setup_inputs()
    print(jax.jit(kernel)(*tuple(_d.values())))

</pallas_src>

<mosaic_0001>
#map = affine_map<(d0, d1) -> (0)>
#map1 = affine_map<(d0, d1) -> (0, 0)>
module attributes {stable_mosaic.version = 14 : i64} {
  func.func @_sc_user_body(%arg0: i32, %arg1: i32, %arg2: memref<16384xi32, #tpu.memory_space<hbm>>, %arg3: memref<32x1000000xf32, #tpu.memory_space<hbm>>, %arg4: memref<18432x128xf32, #tpu.memory_space<hbm>>, %arg5: memref<16384xi32, #tpu.memory_space<vmem>>, %arg6: memref<16400xi32, #tpu.memory_space<vmem>>, %arg7: memref<16400xi32, #tpu.memory_space<vmem>>, %arg8: memref<32x768xf32, #tpu.memory_space<vmem>>, %arg9: memref<32x768xf32, #tpu.memory_space<vmem>>, %arg10: memref<32x64xf32, #tpu.memory_space<vmem>>, %arg11: memref<96x128xf32, #tpu.memory_space<vmem>>, %arg12: memref<96xi32, #tpu.memory_space<vmem>>, %arg13: memref<!tpu.dma_semaphore, #tpu.memory_space<semaphore_mem>>, %arg14: memref<!tpu.dma_semaphore, #tpu.memory_space<semaphore_mem>>, %arg15: memref<!tpu.dma_semaphore, #tpu.memory_space<semaphore_mem>>) attributes {dimension_semantics = [#tpu.dimension_semantics<core_parallel>, #tpu.dimension_semantics<subcore_parallel>], iteration_bounds = array<i64: 2, 16>, scalar_prefetch = 0 : i64, scratch_operands = 11 : i64, tpu.core_type = #tpu.core_type<sc_vector_subcore>, window_params = [{transform_indices = #map}, {transform_indices = #map1}, {transform_indices = #map1}]} {
    %mul3A = arith.constant 2 : i32
    %mul3A_0 = arith.muli %arg1, %mul3A : i32
    %add3A = arith.addi %mul3A_0, %arg0 : i32
    %lt3A = arith.constant 22 : i32
    %lt3A_1 = arith.cmpi slt, %add3A, %lt3A : i32
    %mul3A_2 = arith.constant 41 : i32
    %mul3A_3 = arith.muli %add3A, %mul3A_2 : i32
    %sub3A = arith.constant 22 : i32
    %sub3A_4 = arith.subi %add3A, %sub3A : i32
    %mul3A_5 = arith.constant 40 : i32
    %mul3A_6 = arith.muli %sub3A_4, %mul3A_5 : i32
    %add3A_7 = arith.constant 902 : i32
    %add3A_8 = arith.addi %add3A_7, %mul3A_6 : i32
    %select_n3A = arith.select %lt3A_1, %mul3A_3, %add3A_8 : i32
    %lt3A_9 = arith.constant 22 : i32
    %lt3A_10 = arith.cmpi slt, %add3A, %lt3A_9 : i32
    %jit3A = arith.constant 41 : i32
    %jit3A_11 = arith.constant 40 : i32
    %select_n3A_12 = arith.select %lt3A_10, %jit3A, %jit3A_11 : i32
    %mul3A_13 = arith.constant 768 : i32
    %mul3A_14 = arith.muli %select_n3A, %mul3A_13 : i32
    %mul3A_15 = arith.constant 768 : i32
    %mul3A_16 = arith.muli %select_n3A_12, %mul3A_15 : i32
    %add3A_17 = arith.addi %mul3A_14, %mul3A_16 : i32
    %eq3A = arith.constant 31 : i32
    %eq3A_18 = arith.cmpi eq, %add3A, %eq3A : i32
    %jit3A_19 = arith.constant 64 : i32
    %jit3A_20 = arith.constant 0 : i32
    %select_n3A_21 = arith.select %eq3A_18, %jit3A_19, %jit3A_20 : i32
    %add3A_22 = arith.addi %add3A_17, %select_n3A_21 : i32
    %mul3A_23 = arith.constant 768 : i32
    %mul3A_24 = arith.muli %select_n3A, %mul3A_23 : i32
    %dma_start3A = arith.constant 0 : i32
    %dma_start3A_25 = tpu.memref_slice %arg3[%dma_start3A, %mul3A_24] : memref<32x1000000xf32, #tpu.memory_space<hbm>> -> memref<32x768xf32, #tpu.memory_space<hbm>>
    %dma_start3A_26 = arith.constant 0 : i32
    %dma_start3A_27 = tpu.memref_slice %arg3[%dma_start3A_26, %mul3A_24] : memref<32x1000000xf32, #tpu.memory_space<hbm>> -> memref<32x768xf32, #tpu.memory_space<hbm>>
    tpu.enqueue_dma source(%dma_start3A_27 : memref<32x768xf32, #tpu.memory_space<hbm>>) target(%arg8 : memref<32x768xf32, #tpu.memory_space<vmem>>) target_semaphore(%arg13 : memref<!tpu.dma_semaphore, #tpu.memory_space<semaphore_mem>>)
    %add3A_28 = arith.constant 1 : i32
    %add3A_29 = arith.addi %select_n3A, %add3A_28 : i32
    %mul3A_30 = arith.constant 768 : i32
    %mul3A_31 = arith.muli %add3A_29, %mul3A_30 : i32
    %dma_start3A_32 = arith.constant 0 : i32
    %dma_start3A_33 = tpu.memref_slice %arg3[%dma_start3A_32, %mul3A_31] : memref<32x1000000xf32, #tpu.memory_space<hbm>> -> memref<32x768xf32, #tpu.memory_space<hbm>>
    %dma_start3A_34 = arith.constant 0 : i32
    %dma_start3A_35 = tpu.memref_slice %arg3[%dma_start3A_34, %mul3A_31] : memref<32x1000000xf32, #tpu.memory_space<hbm>> -> memref<32x768xf32, #tpu.memory_space<hbm>>
    tpu.enqueue_dma source(%dma_start3A_35 : memref<32x768xf32, #tpu.memory_space<hbm>>) target(%arg9 : memref<32x768xf32, #tpu.memory_space<vmem>>) target_semaphore(%arg14 : memref<!tpu.dma_semaphore, #tpu.memory_space<semaphore_mem>>)
    "tpu.region"() ({
      %run_scoped3A = tpu.sem_alloc : memref<!tpu.dma_semaphore, #tpu.memory_space<semaphore_mem>>
      tpu.enqueue_dma source(%arg2 : memref<16384xi32, #tpu.memory_space<hbm>>) target(%arg5 : memref<16384xi32, #tpu.memory_space<vmem>>) target_semaphore(%run_scoped3A : memref<!tpu.dma_semaphore, #tpu.memory_space<semaphore_mem>>)
      tpu.wait_dma2 semaphore(%run_scoped3A : memref<!tpu.dma_semaphore, #tpu.memory_space<semaphore_mem>>) src(%arg2 : memref<16384xi32, #tpu.memory_space<hbm>>) dst(%arg5 : memref<16384xi32, #tpu.memory_space<vmem>>)
      tpu.yield
    }) : () -> ()
    %scan3A = arith.constant 0 : i32
    %scan3A_36 = arith.constant 0 : i32
    %scan3A_37 = arith.constant 1024 : i32
    %scan3A_38 = arith.addi %scan3A_36, %scan3A_37 : i32
    %scan3A_39 = arith.constant 1 : i32
    %scan3A_40 = scf.for %scan3A_129 = %scan3A_36 to %scan3A_38 step %scan3A_39 iter_args(%scan3A_130 = %scan3A) -> (i32)  : i32 {
      %mul3A_131 = arith.constant 16 : i32
      %mul3A_132 = arith.muli %scan3A_129, %mul3A_131 : i32
      %get3A = arith.index_cast %mul3A_132 : i32 to index
      %get3A_133 = tpu.vector_load %arg5[%get3A] {strides = array<i32>} : memref<16384xi32, #tpu.memory_space<vmem>>, vector<16xi32>,
      %iota3A = tpu.iota {dimensions = array<i32: 0>} : vector<16xi32>
      %mul3A_134 = arith.constant 16 : i32
      %mul3A_135 = arith.muli %scan3A_129, %mul3A_134 : i32
      %add3A_136 = vector.broadcast %mul3A_135 : i32 to vector<16xi32>
      %add3A_137 = arith.addi %iota3A, %add3A_136 : vector<16xi32>
      %ge3A = vector.broadcast %mul3A_14 : i32 to vector<16xi32>
      %ge3A_138 = arith.cmpi sge, %get3A_133, %ge3A : vector<16xi32>
      %lt3A_139 = vector.broadcast %add3A_22 : i32 to vector<16xi32>
      %lt3A_140 = arith.cmpi slt, %get3A_133, %lt3A_139 : vector<16xi32>
      %and3A_141 = arith.andi %ge3A_138, %lt3A_140 : vector<16xi1>
      %swap3A_142 = arith.index_cast %scan3A_130 : i32 to index
      %swap3A_143 = tpu.vector_load %arg6[%swap3A_142] masked %and3A_141 {strides = array<i32>} : memref<16400xi32, #tpu.memory_space<vmem>>, vector<16xi32>, vector<16xi1>
      tpu.vector_store %arg6[%swap3A_142], %add3A_137 masked %and3A_141 {strides = array<i32>} : memref<16400xi32, #tpu.memory_space<vmem>>, vector<16xi32>, vector<16xi1>
      %swap3A_144 = arith.index_cast %scan3A_130 : i32 to index
      %swap3A_145 = tpu.vector_load %arg7[%swap3A_144] masked %and3A_141 {strides = array<i32>} : memref<16400xi32, #tpu.memory_space<vmem>>, vector<16xi32>, vector<16xi1>
      tpu.vector_store %arg7[%swap3A_144], %get3A_133 masked %and3A_141 {strides = array<i32>} : memref<16400xi32, #tpu.memory_space<vmem>>, vector<16xi32>, vector<16xi1>
      %all_reduce_population_count3A = tpu.all_reduce %and3A_141 {dim = 0 : i64, kind = #tpu.reduction_kind<sum>} : vector<16xi1> -> vector<16xi32>
      %slice3A = vector.extract_strided_slice %all_reduce_population_count3A {offsets = [0], sizes = [1], strides = [1]} : vector<16xi32> to vector<1xi32>
      %squeeze3A = vector.extract %slice3A[0] : i32 from vector<1xi32>
      %add3A_146 = arith.addi %scan3A_130, %squeeze3A : i32
      scf.yield %add3A_146 : i32
    }
    %scan3A_41 = arith.constant 1024 : i32
    %broadcast_in_dim3A = arith.constant 2147483632 : i32
    %broadcast_in_dim3A_42 = vector.broadcast %broadcast_in_dim3A : i32 to vector<16xi32>
    %swap3A = arith.index_cast %scan3A_40 : i32 to index
    %swap3A_43 = tpu.vector_load %arg7[%swap3A] {strides = array<i32>} : memref<16400xi32, #tpu.memory_space<vmem>>, vector<16xi32>,
    tpu.vector_store %arg7[%swap3A], %broadcast_in_dim3A_42 {strides = array<i32>} : memref<16400xi32, #tpu.memory_space<vmem>>, vector<16xi32>,
    %broadcast_in_dim3A_44 = arith.constant 16384 : i32
    %broadcast_in_dim3A_45 = vector.broadcast %broadcast_in_dim3A_44 : i32 to vector<16xi32>
    %swap3A_46 = arith.constant 0 : index
    %swap3A_47 = tpu.vector_load %arg12[%swap3A_46] {strides = array<i32>} : memref<96xi32, #tpu.memory_space<vmem>>, vector<16xi32>,
    tpu.vector_store %arg12[%swap3A_46], %broadcast_in_dim3A_45 {strides = array<i32>} : memref<96xi32, #tpu.memory_space<vmem>>, vector<16xi32>,
    %broadcast_in_dim3A_48 = arith.constant 16384 : i32
    %broadcast_in_dim3A_49 = vector.broadcast %broadcast_in_dim3A_48 : i32 to vector<16xi32>
    %swap3A_50 = arith.constant 16 : index
    %swap3A_51 = tpu.vector_load %arg12[%swap3A_50] {strides = array<i32>} : memref<96xi32, #tpu.memory_space<vmem>>, vector<16xi32>,
    tpu.vector_store %arg12[%swap3A_50], %broadcast_in_dim3A_49 {strides = array<i32>} : memref<96xi32, #tpu.memory_space<vmem>>, vector<16xi32>,
    %broadcast_in_dim3A_52 = arith.constant 16384 : i32
    %broadcast_in_dim3A_53 = vector.broadcast %broadcast_in_dim3A_52 : i32 to vector<16xi32>
    %swap3A_54 = arith.constant 32 : index
    %swap3A_55 = tpu.vector_load %arg12[%swap3A_54] {strides = array<i32>} : memref<96xi32, #tpu.memory_space<vmem>>, vector<16xi32>,
    tpu.vector_store %arg12[%swap3A_54], %broadcast_in_dim3A_53 {strides = array<i32>} : memref<96xi32, #tpu.memory_space<vmem>>, vector<16xi32>,
    %broadcast_in_dim3A_56 = arith.constant 16384 : i32
    %broadcast_in_dim3A_57 = vector.broadcast %broadcast_in_dim3A_56 : i32 to vector<16xi32>
    %swap3A_58 = arith.constant 48 : index
    %swap3A_59 = tpu.vector_load %arg12[%swap3A_58] {strides = array<i32>} : memref<96xi32, #tpu.memory_space<vmem>>, vector<16xi32>,
    tpu.vector_store %arg12[%swap3A_58], %broadcast_in_dim3A_57 {strides = array<i32>} : memref<96xi32, #tpu.memory_space<vmem>>, vector<16xi32>,
    %broadcast_in_dim3A_60 = arith.constant 16384 : i32
    %broadcast_in_dim3A_61 = vector.broadcast %broadcast_in_dim3A_60 : i32 to vector<16xi32>
    %swap3A_62 = arith.constant 64 : index
    %swap3A_63 = tpu.vector_load %arg12[%swap3A_62] {strides = array<i32>} : memref<96xi32, #tpu.memory_space<vmem>>, vector<16xi32>,
    tpu.vector_store %arg12[%swap3A_62], %broadcast_in_dim3A_61 {strides = array<i32>} : memref<96xi32, #tpu.memory_space<vmem>>, vector<16xi32>,
    %broadcast_in_dim3A_64 = arith.constant 16384 : i32
    %broadcast_in_dim3A_65 = vector.broadcast %broadcast_in_dim3A_64 : i32 to vector<16xi32>
    %swap3A_66 = arith.constant 80 : index
    %swap3A_67 = tpu.vector_load %arg12[%swap3A_66] {strides = array<i32>} : memref<96xi32, #tpu.memory_space<vmem>>, vector<16xi32>,
    tpu.vector_store %arg12[%swap3A_66], %broadcast_in_dim3A_65 {strides = array<i32>} : memref<96xi32, #tpu.memory_space<vmem>>, vector<16xi32>,
    %add3A_68 = arith.constant 15 : i32
    %add3A_69 = arith.addi %scan3A_40, %add3A_68 : i32
    %jit3A_70 = arith.constant 16 : i32
    %div3A = arith.divsi %add3A_69, %jit3A_70 : i32
    %sign3A = arith.constant 0 : i32
    %sign3A_71 = arith.cmpi sgt, %add3A_69, %sign3A : i32
    %sign3A_72 = arith.extui %sign3A_71 : i1 to i32
    %sign3A_73 = arith.constant 0 : i32
    %sign3A_74 = arith.cmpi slt, %add3A_69, %sign3A_73 : i32
    %sign3A_75 = arith.extui %sign3A_74 : i1 to i32
    %sign3A_76 = arith.subi %sign3A_72, %sign3A_75 : i32
    %sign3A_77 = arith.constant 0 : i32
    %sign3A_78 = arith.cmpi sgt, %jit3A_70, %sign3A_77 : i32
    %sign3A_79 = arith.extui %sign3A_78 : i1 to i32
    %sign3A_80 = arith.constant 0 : i32
    %sign3A_81 = arith.cmpi slt, %jit3A_70, %sign3A_80 : i32
    %sign3A_82 = arith.extui %sign3A_81 : i1 to i32
    %sign3A_83 = arith.subi %sign3A_79, %sign3A_82 : i32
    %ne3A = arith.cmpi ne, %sign3A_76, %sign3A_83 : i32
    %rem3A = arith.remsi %add3A_69, %jit3A_70 : i32
    %ne3A_84 = arith.constant 0 : i32
    %ne3A_85 = arith.cmpi ne, %rem3A, %ne3A_84 : i32
    %and3A = arith.andi %ne3A, %ne3A_85 : i1
    %sub3A_86 = arith.constant 1 : i32
    %sub3A_87 = arith.subi %div3A, %sub3A_86 : i32
    %select_n3A_88 = arith.select %and3A, %sub3A_87, %div3A : i32
    %scan3A_89 = arith.constant 0 : i32
    %scan3A_90 = arith.constant 0 : i32
    %scan3A_91 = arith.constant 21 : i32
    %scan3A_92 = arith.addi %scan3A_90, %scan3A_91 : i32
    %scan3A_93 = arith.constant 1 : i32
    %scan3A_94 = scf.for %scan3A_129 = %scan3A_90 to %scan3A_92 step %scan3A_93 iter_args(%scan3A_130 = %scan3A_89) -> (i32)  : i32 {
      %mul3A_131 = arith.constant 2 : i32
      %mul3A_132 = arith.muli %mul3A_131, %scan3A_129 : i32
      %add3A_133 = arith.constant 0 : i32
      %add3A_134 = arith.addi %mul3A_132, %add3A_133 : i32
      %lt3A_135 = arith.cmpi slt, %add3A_134, %select_n3A_12 : i32
      %convert_element_type3A_136 = arith.extui %lt3A_135 : i1 to i32
      %cond3A_137 = arith.constant 0 : i32
      %cond3A_138 = arith.cmpi ne, %convert_element_type3A_136, %cond3A_137 : i32
      %cond3A_139 = scf.if %cond3A_138 -> (i32) {
        %dma_wait3A_149 = arith.constant 0 : i32
        %dma_wait3A_150 = arith.constant 0 : i32
        %dma_wait3A_151 = tpu.memref_slice %arg3[%dma_wait3A_149, %dma_wait3A_150] : memref<32x1000000xf32, #tpu.memory_space<hbm>> -> memref<32x768xf32, #tpu.memory_space<hbm>>
        %dma_wait3A_152 = arith.constant 0 : i32
        %dma_wait3A_153 = arith.constant 0 : i32
        %dma_wait3A_154 = tpu.memref_slice %arg3[%dma_wait3A_152, %dma_wait3A_153] : memref<32x1000000xf32, #tpu.memory_space<hbm>> -> memref<32x768xf32, #tpu.memory_space<hbm>>
        tpu.wait_dma2 semaphore(%arg13 : memref<!tpu.dma_semaphore, #tpu.memory_space<semaphore_mem>>) src(%dma_wait3A_154 : memref<32x768xf32, #tpu.memory_space<hbm>>) dst(%arg8 : memref<32x768xf32, #tpu.memory_space<vmem>>)
        %add3A_155 = arith.addi %select_n3A, %add3A_134 : i32
        %mul3A_156 = arith.constant 768 : i32
        %mul3A_157 = arith.muli %add3A_155, %mul3A_156 : i32
        %while3A = arith.constant 0 : i32
        %while3A_158 = arith.subi %select_n3A_88, %while3A : i32
        %while3A_159 = arith.addi %while3A, %while3A_158 : i32
        %while3A_160 = arith.constant 1 : i32
        %while3A_161 = arith.divsi %while3A_158, %while3A_160 : i32
        %while3A_162 = arith.muli %while3A_161, %while3A_160 : i32
        %while3A_163 = arith.addi %while3A, %while3A_162 : i32
        %while3A_164 = arith.constant 1 : i32
        %while3A_165 = scf.for %while3A_174 = %while3A to %while3A_163 step %while3A_164 iter_args(%while3A_175 = %scan3A_130) -> (i32)  : i32 {
          %mul3A_176 = arith.constant 16 : i32
          %mul3A_177 = arith.muli %while3A_174, %mul3A_176 : i32
          %get3A = arith.index_cast %mul3A_177 : i32 to index
          %get3A_178 = tpu.vector_load %arg7[%get3A] {strides = array<i32>} : memref<16400xi32, #tpu.memory_space<vmem>>, vector<16xi32>,
          %ge3A = vector.broadcast %mul3A_157 : i32 to vector<16xi32>
          %ge3A_179 = arith.cmpi sge, %get3A_178, %ge3A : vector<16xi32>
          %add3A_180 = arith.constant 768 : i32
          %add3A_181 = arith.addi %mul3A_157, %add3A_180 : i32
          %lt3A_182 = vector.broadcast %add3A_181 : i32 to vector<16xi32>
          %lt3A_183 = arith.cmpi slt, %get3A_178, %lt3A_182 : vector<16xi32>
          %and3A_184 = arith.andi %ge3A_179, %lt3A_183 : vector<16xi1>
          %all_reduce_population_count3A = tpu.all_reduce %and3A_184 {dim = 0 : i64, kind = #tpu.reduction_kind<sum>} : vector<16xi1> -> vector<16xi32>
          %slice3A = vector.extract_strided_slice %all_reduce_population_count3A {offsets = [0], sizes = [1], strides = [1]} : vector<16xi32> to vector<1xi32>
          %squeeze3A = vector.extract %slice3A[0] : i32 from vector<1xi32>
          %gt3A = arith.constant 0 : i32
          %gt3A_185 = arith.cmpi sgt, %squeeze3A, %gt3A : i32
          %convert_element_type3A_186 = arith.extui %gt3A_185 : i1 to i32
          %cond3A_187 = arith.constant 0 : i32
          %cond3A_188 = arith.cmpi ne, %convert_element_type3A_186, %cond3A_187 : i32
          scf.if %cond3A_188 {
            %mul3A_196 = arith.constant 16 : i32
            %mul3A_197 = arith.muli %while3A_174, %mul3A_196 : i32
            %get3A_198 = arith.index_cast %mul3A_197 : i32 to index
            %get3A_199 = tpu.vector_load %arg6[%get3A_198] {strides = array<i32>} : memref<16400xi32, #tpu.memory_space<vmem>>, vector<16xi32>,
            %jit3A_200 = arith.constant 1 : i32
            %jit3A_201 = arith.constant 0 : i32
            %broadcast_in_dim3A_202 = vector.broadcast %jit3A_200 : i32 to vector<16xi32>
            %broadcast_in_dim3A_203 = vector.broadcast %jit3A_201 : i32 to vector<16xi32>
            %select_n3A_204 = arith.select %and3A_184, %broadcast_in_dim3A_202, %broadcast_in_dim3A_203 : vector<16xi1>, vector<16xi32>
            %broadcast_in_dim3A_205 = arith.constant true
            %broadcast_in_dim3A_206 = vector.broadcast %broadcast_in_dim3A_205 : i1 to vector<16xi1>
            %masked_cumsum3A = tpu.scan <sum>, %select_n3A_204 masked %broadcast_in_dim3A_206 : vector<16xi32>, vector<16xi1> -> vector<16xi32>
            %add3A_207 = vector.broadcast %while3A_175 : i32 to vector<16xi32>
            %add3A_208 = arith.addi %add3A_207, %masked_cumsum3A : vector<16xi32>
            %sub3A_209 = arith.constant 1 : i32
            %sub3A_210 = vector.broadcast %sub3A_209 : i32 to vector<16xi32>
            %sub3A_211 = arith.subi %add3A_208, %sub3A_210 : vector<16xi32>
            %sub3A_212 = vector.broadcast %mul3A_157 : i32 to vector<16xi32>
            %sub3A_213 = arith.subi %get3A_178, %sub3A_212 : vector<16xi32>
            %jit3A_214 = arith.constant 0 : i32
            %broadcast_in_dim3A_215 = vector.broadcast %jit3A_214 : i32 to vector<16xi32>
            %select_n3A_216 = arith.select %and3A_184, %sub3A_213, %broadcast_in_dim3A_215 : vector<16xi1>, vector<16xi32>
            %broadcast_in_dim3A_217 = arith.constant 0 : i32
            %broadcast_in_dim3A_218 = vector.broadcast %broadcast_in_dim3A_217 : i32 to vector<16xi32>
            %gather3A = tpu.vector_load_idx %arg8[%broadcast_in_dim3A_218, %select_n3A_216] masked %and3A_184 : memref<32x768xf32, #tpu.memory_space<vmem>>[vector<16xi32>, vector<16xi32>], vector<16xf32>, vector<16xi1>
            %broadcast_in_dim3A_219 = arith.constant 0 : i32
            %broadcast_in_dim3A_220 = vector.broadcast %broadcast_in_dim3A_219 : i32 to vector<16xi32>
            tpu.vector_store_idx %arg11[%sub3A_211, %broadcast_in_dim3A_220], %gather3A masked %and3A_184 : memref<96x128xf32, #tpu.memory_space<vmem>>[vector<16xi32>, vector<16xi32>], vector<16xf32>, vector<16xi1>
            %broadcast_in_dim3A_221 = arith.constant 1 : i32
            %broadcast_in_dim3A_222 = vector.broadcast %broadcast_in_dim3A_221 : i32 to vector<16xi32>
            %gather3A_223 = tpu.vector_load_idx %arg8[%broadcast_in_dim3A_222, %select_n3A_216] masked %and3A_184 : memref<32x768xf32, #tpu.memory_space<vmem>>[vector<16xi32>, vector<16xi32>], vector<16xf32>, vector<16xi1>
            %broadcast_in_dim3A_224 = arith.constant 1 : i32
            %broadcast_in_dim3A_225 = vector.broadcast %broadcast_in_dim3A_224 : i32 to vector<16xi32>
            tpu.vector_store_idx %arg11[%sub3A_211, %broadcast_in_dim3A_225], %gather3A_223 masked %and3A_184 : memref<96x128xf32, #tpu.memory_space<vmem>>[vector<16xi32>, vector<16xi32>], vector<16xf32>, vector<16xi1>
            %broadcast_in_dim3A_226 = arith.constant 2 : i32
            %broadcast_in_dim3A_227 = vector.broadcast %broadcast_in_dim3A_226 : i32 to vector<16xi32>
            %gather3A_228 = tpu.vector_load_idx %arg8[%broadcast_in_dim3A_227, %select_n3A_216] masked %and3A_184 : memref<32x768xf32, #tpu.memory_space<vmem>>[vector<16xi32>, vector<16xi32>], vector<16xf32>, vector<16xi1>
            %broadcast_in_dim3A_229 = arith.constant 2 : i32
            %broadcast_in_dim3A_230 = vector.broadcast %broadcast_in_dim3A_229 : i32 to vector<16xi32>
            tpu.vector_store_idx %arg11[%sub3A_211, %broadcast_in_dim3A_230], %gather3A_228 masked %and3A_184 : memref<96x128xf32, #tpu.memory_space<vmem>>[vector<16xi32>, vector<16xi32>], vector<16xf32>, vector<16xi1>
            %broadcast_in_dim3A_231 = arith.constant 3 : i32
            %broadcast_in_dim3A_232 = vector.broadcast %broadcast_in_dim3A_231 : i32 to vector<16xi32>
            %gather3A_233 = tpu.vector_load_idx %arg8[%broadcast_in_dim3A_232, %select_n3A_216] masked %and3A_184 : memref<32x768xf32, #tpu.memory_space<vmem>>[vector<16xi32>, vector<16xi32>], vector<16xf32>, vector<16xi1>
            %broadcast_in_dim3A_234 = arith.constant 3 : i32
            %broadcast_in_dim3A_235 = vector.broadcast %broadcast_in_dim3A_234 : i32 to vector<16xi32>
            tpu.vector_store_idx %arg11[%sub3A_211, %broadcast_in_dim3A_235], %gather3A_233 masked %and3A_184 : memref<96x128xf32, #tpu.memory_space<vmem>>[vector<16xi32>, vector<16xi32>], vector<16xf32>, vector<16xi1>
            %broadcast_in_dim3A_236 = arith.constant 4 : i32
            %broadcast_in_dim3A_237 = vector.broadcast %broadcast_in_dim3A_236 : i32 to vector<16xi32>
            %gather3A_238 = tpu.vector_load_idx %arg8[%broadcast_in_dim3A_237, %select_n3A_216] masked %and3A_184 : memref<32x768xf32, #tpu.memory_space<vmem>>[vector<16xi32>, vector<16xi32>], vector<16xf32>, vector<16xi1>
            %broadcast_in_dim3A_239 = arith.constant 4 : i32
            %broadcast_in_dim3A_240 = vector.broadcast %broadcast_in_dim3A_239 : i32 to vector<16xi32>
            tpu.vector_store_idx %arg11[%sub3A_211, %broadcast_in_dim3A_240], %gather3A_238 masked %and3A_184 : memref<96x128xf32, #tpu.memory_space<vmem>>[vector<16xi32>, vector<16xi32>], vector<16xf32>, vector<16xi1>
            %broadcast_in_dim3A_241 = arith.constant 5 : i32
            %broadcast_in_dim3A_242 = vector.broadcast %broadcast_in_dim3A_241 : i32 to vector<16xi32>
            %gather3A_243 = tpu.vector_load_idx %arg8[%broadcast_in_dim3A_242, %select_n3A_216] masked %and3A_184 : memref<32x768xf32, #tpu.memory_space<vmem>>[vector<16xi32>, vector<16xi32>], vector<16xf32>, vector<16xi1>
            %broadcast_in_dim3A_244 = arith.constant 5 : i32
            %broadcast_in_dim3A_245 = vector.broadcast %broadcast_in_dim3A_244 : i32 to vector<16xi32>
            tpu.vector_store_idx %arg11[%sub3A_211, %broadcast_in_dim3A_245], %gather3A_243 masked %and3A_184 : memref<96x128xf32, #tpu.memory_space<vmem>>[vector<16xi32>, vector<16xi32>], vector<16xf32>, vector<16xi1>
            %broadcast_in_dim3A_246 = arith.constant 6 : i32
            %broadcast_in_dim3A_247 = vector.broadcast %broadcast_in_dim3A_246 : i32 to vector<16xi32>
            %gather3A_248 = tpu.vector_load_idx %arg8[%broadcast_in_dim3A_247, %select_n3A_216] masked %and3A_184 : memref<32x768xf32, #tpu.memory_space<vmem>>[vector<16xi32>, vector<16xi32>], vector<16xf32>, vector<16xi1>
            %broadcast_in_dim3A_249 = arith.constant 6 : i32
            %broadcast_in_dim3A_250 = vector.broadcast %broadcast_in_dim3A_249 : i32 to vector<16xi32>
            tpu.vector_store_idx %arg11[%sub3A_211, %broadcast_in_dim3A_250], %gather3A_248 masked %and3A_184 : memref<96x128xf32, #tpu.memory_space<vmem>>[vector<16xi32>, vector<16xi32>], vector<16xf32>, vector<16xi1>
            %broadcast_in_dim3A_251 = arith.constant 7 : i32
            %broadcast_in_dim3A_252 = vector.broadcast %broadcast_in_dim3A_251 : i32 to vector<16xi32>
            %gather3A_253 = tpu.vector_load_idx %arg8[%broadcast_in_dim3A_252, %select_n3A_216] masked %and3A_184 : memref<32x768xf32, #tpu.memory_space<vmem>>[vector<16xi32>, vector<16xi32>], vector<16xf32>, vector<16xi1>
            %broadcast_in_dim3A_254 = arith.constant 7 : i32
            %broadcast_in_dim3A_255 = vector.broadcast %broadcast_in_dim3A_254 : i32 to vector<16xi32>
            tpu.vector_store_idx %arg11[%sub3A_211, %broadcast_in_dim3A_255], %gather3A_253 masked %and3A_184 : memref<96x128xf32, #tpu.memory_space<vmem>>[vector<16xi32>, vector<16xi32>], vector<16xf32>, vector<16xi1>
            %broadcast_in_dim3A_256 = arith.constant 8 : i32
            %broadcast_in_dim3A_257 = vector.broadcast %broadcast_in_dim3A_256 : i32 to vector<16xi32>
            %gather3A_258 = tpu.vector_load_idx %arg8[%broadcast_in_dim3A_257, %select_n3A_216] masked %and3A_184 : memref<32x768xf32, #tpu.memory_space<vmem>>[vector<16xi32>, vector<16xi32>], vector<16xf32>, vector<16xi1>
            %broadcast_in_dim3A_259 = arith.constant 8 : i32
            %broadcast_in_dim3A_260 = vector.broadcast %broadcast_in_dim3A_259 : i32 to vector<16xi32>
            tpu.vector_store_idx %arg11[%sub3A_211, %broadcast_in_dim3A_260], %gather3A_258 masked %and3A_184 : memref<96x128xf32, #tpu.memory_space<vmem>>[vector<16xi32>, vector<16xi32>], vector<16xf32>, vector<16xi1>
            %broadcast_in_dim3A_261 = arith.constant 9 : i32
            %broadcast_in_dim3A_262 = vector.broadcast %broadcast_in_dim3A_261 : i32 to vector<16xi32>
            %gather3A_263 = tpu.vector_load_idx %arg8[%broadcast_in_dim3A_262, %select_n3A_216] masked %and3A_184 : memref<32x768xf32, #tpu.memory_space<vmem>>[vector<16xi32>, vector<16xi32>], vector<16xf32>, vector<16xi1>
            %broadcast_in_dim3A_264 = arith.constant 9 : i32
            %broadcast_in_dim3A_265 = vector.broadcast %broadcast_in_dim3A_264 : i32 to vector<16xi32>
            tpu.vector_store_idx %arg11[%sub3A_211, %broadcast_in_dim3A_265], %gather3A_263 masked %and3A_184 : memref<96x128xf32, #tpu.memory_space<vmem>>[vector<16xi32>, vector<16xi32>], vector<16xf32>, vector<16xi1>
            %broadcast_in_dim3A_266 = arith.constant 10 : i32
            %broadcast_in_dim3A_267 = vector.broadcast %broadcast_in_dim3A_266 : i32 to vector<16xi32>
            %gather3A_268 = tpu.vector_load_idx %arg8[%broadcast_in_dim3A_267, %select_n3A_216] masked %and3A_184 : memref<32x768xf32, #tpu.memory_space<vmem>>[vector<16xi32>, vector<16xi32>], vector<16xf32>, vector<16xi1>
            %broadcast_in_dim3A_269 = arith.constant 10 : i32
            %broadcast_in_dim3A_270 = vector.broadcast %broadcast_in_dim3A_269 : i32 to vector<16xi32>
            tpu.vector_store_idx %arg11[%sub3A_211, %broadcast_in_dim3A_270], %gather3A_268 masked %and3A_184 : memref<96x128xf32, #tpu.memory_space<vmem>>[vector<16xi32>, vector<16xi32>], vector<16xf32>, vector<16xi1>
            %broadcast_in_dim3A_271 = arith.constant 11 : i32
            %broadcast_in_dim3A_272 = vector.broadcast %broadcast_in_dim3A_271 : i32 to vector<16xi32>
            %gather3A_273 = tpu.vector_load_idx %arg8[%broadcast_in_dim3A_272, %select_n3A_216] masked %and3A_184 : memref<32x768xf32, #tpu.memory_space<vmem>>[vector<16xi32>, vector<16xi32>], vector<16xf32>, vector<16xi1>
            %broadcast_in_dim3A_274 = arith.constant 11 : i32
            %broadcast_in_dim3A_275 = vector.broadcast %broadcast_in_dim3A_274 : i32 to vector<16xi32>
            tpu.vector_store_idx %arg11[%sub3A_211, %broadcast_in_dim3A_275], %gather3A_273 masked %and3A_184 : memref<96x128xf32, #tpu.memory_space<vmem>>[vector<16xi32>, vector<16xi32>], vector<16xf32>, vector<16xi1>
            %broadcast_in_dim3A_276 = arith.constant 12 : i32
            %broadcast_in_dim3A_277 = vector.broadcast %broadcast_in_dim3A_276 : i32 to vector<16xi32>
            %gather3A_278 = tpu.vector_load_idx %arg8[%broadcast_in_dim3A_277, %select_n3A_216] masked %and3A_184 : memref<32x768xf32, #tpu.memory_space<vmem>>[vector<16xi32>, vector<16xi32>], vector<16xf32>, vector<16xi1>
            %broadcast_in_dim3A_279 = arith.constant 12 : i32
            %broadcast_in_dim3A_280 = vector.broadcast %broadcast_in_dim3A_279 : i32 to vector<16xi32>
            tpu.vector_store_idx %arg11[%sub3A_211, %broadcast_in_dim3A_280], %gather3A_278 masked %and3A_184 : memref<96x128xf32, #tpu.memory_space<vmem>>[vector<16xi32>, vector<16xi32>], vector<16xf32>, vector<16xi1>
            %broadcast_in_dim3A_281 = arith.constant 13 : i32
            %broadcast_in_dim3A_282 = vector.broadcast %broadcast_in_dim3A_281 : i32 to vector<16xi32>
            %gather3A_283 = tpu.vector_load_idx %arg8[%broadcast_in_dim3A_282, %select_n3A_216] masked %and3A_184 : memref<32x768xf32, #tpu.memory_space<vmem>>[vector<16xi32>, vector<16xi32>], vector<16xf32>, vector<16xi1>
            %broadcast_in_dim3A_284 = arith.constant 13 : i32
            %broadcast_in_dim3A_285 = vector.broadcast %broadcast_in_dim3A_284 : i32 to vector<16xi32>
            tpu.vector_store_idx %arg11[%sub3A_211, %broadcast_in_dim3A_285], %gather3A_283 masked %and3A_184 : memref<96x128xf32, #tpu.memory_space<vmem>>[vector<16xi32>, vector<16xi32>], vector<16xf32>, vector<16xi1>
            %broadcast_in_dim3A_286 = arith.constant 14 : i32
            %broadcast_in_dim3A_287 = vector.broadcast %broadcast_in_dim3A_286 : i32 to vector<16xi32>
            %gather3A_288 = tpu.vector_load_idx %arg8[%broadcast_in_dim3A_287, %select_n3A_216] masked %and3A_184 : memref<32x768xf32, #tpu.memory_space<vmem>>[vector<16xi32>, vector<16xi32>], vector<16xf32>, vector<16xi1>
            %broadcast_in_dim3A_289 = arith.constant 14 : i32
            %broadcast_in_dim3A_290 = vector.broadcast %broadcast_in_dim3A_289 : i32 to vector<16xi32>
            tpu.vector_store_idx %arg11[%sub3A_211, %broadcast_in_dim3A_290], %gather3A_288 masked %and3A_184 : memref<96x128xf32, #tpu.memory_space<vmem>>[vector<16xi32>, vector<16xi32>], vector<16xf32>, vector<16xi1>
            %broadcast_in_dim3A_291 = arith.constant 15 : i32
            %broadcast_in_dim3A_292 = vector.broadcast %broadcast_in_dim3A_291 : i32 to vector<16xi32>
            %gather3A_293 = tpu.vector_load_idx %arg8[%broadcast_in_dim3A_292, %select_n3A_216] masked %and3A_184 : memref<32x768xf32, #tpu.memory_space<vmem>>[vector<16xi32>, vector<16xi32>], vector<16xf32>, vector<16xi1>
            %broadcast_in_dim3A_294 = arith.constant 15 : i32
            %broadcast_in_dim3A_295 = vector.broadcast %broadcast_in_dim3A_294 : i32 to vector<16xi32>
            tpu.vector_store_idx %arg11[%sub3A_211, %broadcast_in_dim3A_295], %gather3A_293 masked %and3A_184 : memref<96x128xf32, #tpu.memory_space<vmem>>[vector<16xi32>, vector<16xi32>], vector<16xf32>, vector<16xi1>
            %broadcast_in_dim3A_296 = arith.constant 16 : i32
            %broadcast_in_dim3A_297 = vector.broadcast %broadcast_in_dim3A_296 : i32 to vector<16xi32>
            %gather3A_298 = tpu.vector_load_idx %arg8[%broadcast_in_dim3A_297, %select_n3A_216] masked %and3A_184 : memref<32x768xf32, #tpu.memory_space<vmem>>[vector<16xi32>, vector<16xi32>], vector<16xf32>, vector<16xi1>
            %broadcast_in_dim3A_299 = arith.constant 16 : i32
            %broadcast_in_dim3A_300 = vector.broadcast %broadcast_in_dim3A_299 : i32 to vector<16xi32>
            tpu.vector_store_idx %arg11[%sub3A_211, %broadcast_in_dim3A_300], %gather3A_298 masked %and3A_184 : memref<96x128xf32, #tpu.memory_space<vmem>>[vector<16xi32>, vector<16xi32>], vector<16xf32>, vector<16xi1>
            %broadcast_in_dim3A_301 = arith.constant 17 : i32
            %broadcast_in_dim3A_302 = vector.broadcast %broadcast_in_dim3A_301 : i32 to vector<16xi32>
            %gather3A_303 = tpu.vector_load_idx %arg8[%broadcast_in_dim3A_302, %select_n3A_216] masked %and3A_184 : memref<32x768xf32, #tpu.memory_space<vmem>>[vector<16xi32>, vector<16xi32>], vector<16xf32>, vector<16xi1>
            %broadcast_in_dim3A_304 = arith.constant 17 : i32
            %broadcast_in_dim3A_305 = vector.broadcast %broadcast_in_dim3A_304 : i32 to vector<16xi32>
            tpu.vector_store_idx %arg11[%sub3A_211, %broadcast_in_dim3A_305], %gather3A_303 masked %and3A_184 : memref<96x128xf32, #tpu.memory_space<vmem>>[vector<16xi32>, vector<16xi32>], vector<16xf32>, vector<16xi1>
            %broadcast_in_dim3A_306 = arith.constant 18 : i32
            %broadcast_in_dim3A_307 = vector.broadcast %broadcast_in_dim3A_306 : i32 to vector<16xi32>
            %gather3A_308 = tpu.vector_load_idx %arg8[%broadcast_in_dim3A_307, %select_n3A_216] masked %and3A_184 : memref<32x768xf32, #tpu.memory_space<vmem>>[vector<16xi32>, vector<16xi32>], vector<16xf32>, vector<16xi1>
            %broadcast_in_dim3A_309 = arith.constant 18 : i32
            %broadcast_in_dim3A_310 = vector.broadcast %broadcast_in_dim3A_309 : i32 to vector<16xi32>
            tpu.vector_store_idx %arg11[%sub3A_211, %broadcast_in_dim3A_310], %gather3A_308 masked %and3A_184 : memref<96x128xf32, #tpu.memory_space<vmem>>[vector<16xi32>, vector<16xi32>], vector<16xf32>, vector<16xi1>
            %broadcast_in_dim3A_311 = arith.constant 19 : i32
            %broadcast_in_dim3A_312 = vector.broadcast %broadcast_in_dim3A_311 : i32 to vector<16xi32>
            %gather3A_313 = tpu.vector_load_idx %arg8[%broadcast_in_dim3A_312, %select_n3A_216] masked %and3A_184 : memref<32x768xf32, #tpu.memory_space<vmem>>[vector<16xi32>, vector<16xi32>], vector<16xf32>, vector<16xi1>
            %broadcast_in_dim3A_314 = arith.constant 19 : i32
            %broadcast_in_dim3A_315 = vector.broadcast %broadcast_in_dim3A_314 : i32 to vector<16xi32>
            tpu.vector_store_idx %arg11[%sub3A_211, %broadcast_in_dim3A_315], %gather3A_313 masked %and3A_184 : memref<96x128xf32, #tpu.memory_space<vmem>>[vector<16xi32>, vector<16xi32>], vector<16xf32>, vector<16xi1>
            %broadcast_in_dim3A_316 = arith.constant 20 : i32
            %broadcast_in_dim3A_317 = vector.broadcast %broadcast_in_dim3A_316 : i32 to vector<16xi32>
            %gather3A_318 = tpu.vector_load_idx %arg8[%broadcast_in_dim3A_317, %select_n3A_216] masked %and3A_184 : memref<32x768xf32, #tpu.memory_space<vmem>>[vector<16xi32>, vector<16xi32>], vector<16xf32>, vector<16xi1>
            %broadcast_in_dim3A_319 = arith.constant 20 : i32
            %broadcast_in_dim3A_320 = vector.broadcast %broadcast_in_dim3A_319 : i32 to vector<16xi32>
            tpu.vector_store_idx %arg11[%sub3A_211, %broadcast_in_dim3A_320], %gather3A_318 masked %and3A_184 : memref<96x128xf32, #tpu.memory_space<vmem>>[vector<16xi32>, vector<16xi32>], vector<16xf32>, vector<16xi1>
            %broadcast_in_dim3A_321 = arith.constant 21 : i32
            %broadcast_in_dim3A_322 = vector.broadcast %broadcast_in_dim3A_321 : i32 to vector<16xi32>
            %gather3A_323 = tpu.vector_load_idx %arg8[%broadcast_in_dim3A_322, %select_n3A_216] masked %and3A_184 : memref<32x768xf32, #tpu.memory_space<vmem>>[vector<16xi32>, vector<16xi32>], vector<16xf32>, vector<16xi1>
            %broadcast_in_dim3A_324 = arith.constant 21 : i32
            %broadcast_in_dim3A_325 = vector.broadcast %broadcast_in_dim3A_324 : i32 to vector<16xi32>
            tpu.vector_store_idx %arg11[%sub3A_211, %broadcast_in_dim3A_325], %gather3A_323 masked %and3A_184 : memref<96x128xf32, #tpu.memory_space<vmem>>[vector<16xi32>, vector<16xi32>], vector<16xf32>, vector<16xi1>
            %broadcast_in_dim3A_326 = arith.constant 22 : i32
            %broadcast_in_dim3A_327 = vector.broadcast %broadcast_in_dim3A_326 : i32 to vector<16xi32>
            %gather3A_328 = tpu.vector_load_idx %arg8[%broadcast_in_dim3A_327, %select_n3A_216] masked %and3A_184 : memref<32x768xf32, #tpu.memory_space<vmem>>[vector<16xi32>, vector<16xi32>], vector<16xf32>, vector<16xi1>
            %broadcast_in_dim3A_329 = arith.constant 22 : i32
            %broadcast_in_dim3A_330 = vector.broadcast %broadcast_in_dim3A_329 : i32 to vector<16xi32>
            tpu.vector_store_idx %arg11[%sub3A_211, %broadcast_in_dim3A_330], %gather3A_328 masked %and3A_184 : memref<96x128xf32, #tpu.memory_space<vmem>>[vector<16xi32>, vector<16xi32>], vector<16xf32>, vector<16xi1>
            %broadcast_in_dim3A_331 = arith.constant 23 : i32
            %broadcast_in_dim3A_332 = vector.broadcast %broadcast_in_dim3A_331 : i32 to vector<16xi32>
            %gather3A_333 = tpu.vector_load_idx %arg8[%broadcast_in_dim3A_332, %select_n3A_216] masked %and3A_184 : memref<32x768xf32, #tpu.memory_space<vmem>>[vector<16xi32>, vector<16xi32>], vector<16xf32>, vector<16xi1>
            %broadcast_in_dim3A_334 = arith.constant 23 : i32
            %broadcast_in_dim3A_335 = vector.broadcast %broadcast_in_dim3A_334 : i32 to vector<16xi32>
            tpu.vector_store_idx %arg11[%sub3A_211, %broadcast_in_dim3A_335], %gather3A_333 masked %and3A_184 : memref<96x128xf32, #tpu.memory_space<vmem>>[vector<16xi32>, vector<16xi32>], vector<16xf32>, vector<16xi1>
            %broadcast_in_dim3A_336 = arith.constant 24 : i32
            %broadcast_in_dim3A_337 = vector.broadcast %broadcast_in_dim3A_336 : i32 to vector<16xi32>
            %gather3A_338 = tpu.vector_load_idx %arg8[%broadcast_in_dim3A_337, %select_n3A_216] masked %and3A_184 : memref<32x768xf32, #tpu.memory_space<vmem>>[vector<16xi32>, vector<16xi32>], vector<16xf32>, vector<16xi1>
            %broadcast_in_dim3A_339 = arith.constant 24 : i32
            %broadcast_in_dim3A_340 = vector.broadcast %broadcast_in_dim3A_339 : i32 to vector<16xi32>
            tpu.vector_store_idx %arg11[%sub3A_211, %broadcast_in_dim3A_340], %gather3A_338 masked %and3A_184 : memref<96x128xf32, #tpu.memory_space<vmem>>[vector<16xi32>, vector<16xi32>], vector<16xf32>, vector<16xi1>
            %broadcast_in_dim3A_341 = arith.constant 25 : i32
            %broadcast_in_dim3A_342 = vector.broadcast %broadcast_in_dim3A_341 : i32 to vector<16xi32>
            %gather3A_343 = tpu.vector_load_idx %arg8[%broadcast_in_dim3A_342, %select_n3A_216] masked %and3A_184 : memref<32x768xf32, #tpu.memory_space<vmem>>[vector<16xi32>, vector<16xi32>], vector<16xf32>, vector<16xi1>
            %broadcast_in_dim3A_344 = arith.constant 25 : i32
            %broadcast_in_dim3A_345 = vector.broadcast %broadcast_in_dim3A_344 : i32 to vector<16xi32>
            tpu.vector_store_idx %arg11[%sub3A_211, %broadcast_in_dim3A_345], %gather3A_343 masked %and3A_184 : memref<96x128xf32, #tpu.memory_space<vmem>>[vector<16xi32>, vector<16xi32>], vector<16xf32>, vector<16xi1>
            %broadcast_in_dim3A_346 = arith.constant 26 : i32
            %broadcast_in_dim3A_347 = vector.broadcast %broadcast_in_dim3A_346 : i32 to vector<16xi32>
            %gather3A_348 = tpu.vector_load_idx %arg8[%broadcast_in_dim3A_347, %select_n3A_216] masked %and3A_184 : memref<32x768xf32, #tpu.memory_space<vmem>>[vector<16xi32>, vector<16xi32>], vector<16xf32>, vector<16xi1>
            %broadcast_in_dim3A_349 = arith.constant 26 : i32
            %broadcast_in_dim3A_350 = vector.broadcast %broadcast_in_dim3A_349 : i32 to vector<16xi32>
            tpu.vector_store_idx %arg11[%sub3A_211, %broadcast_in_dim3A_350], %gather3A_348 masked %and3A_184 : memref<96x128xf32, #tpu.memory_space<vmem>>[vector<16xi32>, vector<16xi32>], vector<16xf32>, vector<16xi1>
            %broadcast_in_dim3A_351 = arith.constant 27 : i32
            %broadcast_in_dim3A_352 = vector.broadcast %broadcast_in_dim3A_351 : i32 to vector<16xi32>
            %gather3A_353 = tpu.vector_load_idx %arg8[%broadcast_in_dim3A_352, %select_n3A_216] masked %and3A_184 : memref<32x768xf32, #tpu.memory_space<vmem>>[vector<16xi32>, vector<16xi32>], vector<16xf32>, vector<16xi1>
            %broadcast_in_dim3A_354 = arith.constant 27 : i32
            %broadcast_in_dim3A_355 = vector.broadcast %broadcast_in_dim3A_354 : i32 to vector<16xi32>
            tpu.vector_store_idx %arg11[%sub3A_211, %broadcast_in_dim3A_355], %gather3A_353 masked %and3A_184 : memref<96x128xf32, #tpu.memory_space<vmem>>[vector<16xi32>, vector<16xi32>], vector<16xf32>, vector<16xi1>
            %broadcast_in_dim3A_356 = arith.constant 28 : i32
            %broadcast_in_dim3A_357 = vector.broadcast %broadcast_in_dim3A_356 : i32 to vector<16xi32>
            %gather3A_358 = tpu.vector_load_idx %arg8[%broadcast_in_dim3A_357, %select_n3A_216] masked %and3A_184 : memref<32x768xf32, #tpu.memory_space<vmem>>[vector<16xi32>, vector<16xi32>], vector<16xf32>, vector<16xi1>
            %broadcast_in_dim3A_359 = arith.constant 28 : i32
            %broadcast_in_dim3A_360 = vector.broadcast %broadcast_in_dim3A_359 : i32 to vector<16xi32>
            tpu.vector_store_idx %arg11[%sub3A_211, %broadcast_in_dim3A_360], %gather3A_358 masked %and3A_184 : memref<96x128xf32, #tpu.memory_space<vmem>>[vector<16xi32>, vector<16xi32>], vector<16xf32>, vector<16xi1>
            %broadcast_in_dim3A_361 = arith.constant 29 : i32
            %broadcast_in_dim3A_362 = vector.broadcast %broadcast_in_dim3A_361 : i32 to vector<16xi32>
            %gather3A_363 = tpu.vector_load_idx %arg8[%broadcast_in_dim3A_362, %select_n3A_216] masked %and3A_184 : memref<32x768xf32, #tpu.memory_space<vmem>>[vector<16xi32>, vector<16xi32>], vector<16xf32>, vector<16xi1>
            %broadcast_in_dim3A_364 = arith.constant 29 : i32
            %broadcast_in_dim3A_365 = vector.broadcast %broadcast_in_dim3A_364 : i32 to vector<16xi32>
            tpu.vector_store_idx %arg11[%sub3A_211, %broadcast_in_dim3A_365], %gather3A_363 masked %and3A_184 : memref<96x128xf32, #tpu.memory_space<vmem>>[vector<16xi32>, vector<16xi32>], vector<16xf32>, vector<16xi1>
            %broadcast_in_dim3A_366 = arith.constant 30 : i32
            %broadcast_in_dim3A_367 = vector.broadcast %broadcast_in_dim3A_366 : i32 to vector<16xi32>
            %gather3A_368 = tpu.vector_load_idx %arg8[%broadcast_in_dim3A_367, %select_n3A_216] masked %and3A_184 : memref<32x768xf32, #tpu.memory_space<vmem>>[vector<16xi32>, vector<16xi32>], vector<16xf32>, vector<16xi1>
            %broadcast_in_dim3A_369 = arith.constant 30 : i32
            %broadcast_in_dim3A_370 = vector.broadcast %broadcast_in_dim3A_369 : i32 to vector<16xi32>
            tpu.vector_store_idx %arg11[%sub3A_211, %broadcast_in_dim3A_370], %gather3A_368 masked %and3A_184 : memref<96x128xf32, #tpu.memory_space<vmem>>[vector<16xi32>, vector<16xi32>], vector<16xf32>, vector<16xi1>
            %broadcast_in_dim3A_371 = arith.constant 31 : i32
            %broadcast_in_dim3A_372 = vector.broadcast %broadcast_in_dim3A_371 : i32 to vector<16xi32>
            %gather3A_373 = tpu.vector_load_idx %arg8[%broadcast_in_dim3A_372, %select_n3A_216] masked %and3A_184 : memref<32x768xf32, #tpu.memory_space<vmem>>[vector<16xi32>, vector<16xi32>], vector<16xf32>, vector<16xi1>
            %broadcast_in_dim3A_374 = arith.constant 31 : i32
            %broadcast_in_dim3A_375 = vector.broadcast %broadcast_in_dim3A_374 : i32 to vector<16xi32>
            tpu.vector_store_idx %arg11[%sub3A_211, %broadcast_in_dim3A_375], %gather3A_373 masked %and3A_184 : memref<96x128xf32, #tpu.memory_space<vmem>>[vector<16xi32>, vector<16xi32>], vector<16xf32>, vector<16xi1>
            tpu.vector_store_idx %arg12[%sub3A_211], %get3A_199 masked %and3A_184 : memref<96xi32, #tpu.memory_space<vmem>>[vector<16xi32>], vector<16xi32>, vector<16xi1>
          } else {
          }
          %add3A_189 = arith.addi %while3A_175, %squeeze3A : i32
          %ge3A_190 = arith.constant 80 : i32
          %ge3A_191 = arith.cmpi sge, %add3A_189, %ge3A_190 : i32
          %convert_element_type3A_192 = arith.extui %ge3A_191 : i1 to i32
          %cond3A_193 = arith.constant 0 : i32
          %cond3A_194 = arith.cmpi ne, %convert_element_type3A_192, %cond3A_193 : i32
          %cond3A_195 = scf.if %cond3A_194 -> (i32) {
            %dma_start3A_196 = arith.constant 0 : i32
            %dma_start3A_197 = arith.constant 0 : i32
            %dma_start3A_198 = tpu.memref_slice %arg4[%dma_start3A_196, %dma_start3A_197] : memref<18432x128xf32, #tpu.memory_space<hbm>> -> memref<18432x128xf32, #tpu.memory_space<hbm>>
            tpu.enqueue_indirect_dma source(%arg11 : memref<96x128xf32, #tpu.memory_space<vmem>>) target(%dma_start3A_198 : memref<18432x128xf32, #tpu.memory_space<hbm>>) offsets(%arg12 : memref<96xi32, #tpu.memory_space<vmem>>) semaphore(%arg15 : memref<!tpu.dma_semaphore, #tpu.memory_space<semaphore_mem>>)
            %dma_wait3A_199 = arith.constant 0 : i32
            %dma_wait3A_200 = arith.constant 0 : i32
            %dma_wait3A_201 = tpu.memref_slice %arg4[%dma_wait3A_199, %dma_wait3A_200] : memref<18432x128xf32, #tpu.memory_space<hbm>> -> memref<18432x128xf32, #tpu.memory_space<hbm>>
            tpu.wait_indirect_dma semaphore(%arg15 : memref<!tpu.dma_semaphore, #tpu.memory_space<semaphore_mem>>) src(%arg11 : memref<96x128xf32, #tpu.memory_space<vmem>>) dst(%dma_wait3A_201 : memref<18432x128xf32, #tpu.memory_space<hbm>>)
            %broadcast_in_dim3A_202 = arith.constant 16384 : i32
            %broadcast_in_dim3A_203 = vector.broadcast %broadcast_in_dim3A_202 : i32 to vector<16xi32>
            %swap3A_204 = arith.constant 0 : index
            %swap3A_205 = tpu.vector_load %arg12[%swap3A_204] {strides = array<i32>} : memref<96xi32, #tpu.memory_space<vmem>>, vector<16xi32>,
            tpu.vector_store %arg12[%swap3A_204], %broadcast_in_dim3A_203 {strides = array<i32>} : memref<96xi32, #tpu.memory_space<vmem>>, vector<16xi32>,
            %broadcast_in_dim3A_206 = arith.constant 16384 : i32
            %broadcast_in_dim3A_207 = vector.broadcast %broadcast_in_dim3A_206 : i32 to vector<16xi32>
            %swap3A_208 = arith.constant 16 : index
            %swap3A_209 = tpu.vector_load %arg12[%swap3A_208] {strides = array<i32>} : memref<96xi32, #tpu.memory_space<vmem>>, vector<16xi32>,
            tpu.vector_store %arg12[%swap3A_208], %broadcast_in_dim3A_207 {strides = array<i32>} : memref<96xi32, #tpu.memory_space<vmem>>, vector<16xi32>,
            %broadcast_in_dim3A_210 = arith.constant 16384 : i32
            %broadcast_in_dim3A_211 = vector.broadcast %broadcast_in_dim3A_210 : i32 to vector<16xi32>
            %swap3A_212 = arith.constant 32 : index
            %swap3A_213 = tpu.vector_load %arg12[%swap3A_212] {strides = array<i32>} : memref<96xi32, #tpu.memory_space<vmem>>, vector<16xi32>,
            tpu.vector_store %arg12[%swap3A_212], %broadcast_in_dim3A_211 {strides = array<i32>} : memref<96xi32, #tpu.memory_space<vmem>>, vector<16xi32>,
            %broadcast_in_dim3A_214 = arith.constant 16384 : i32
            %broadcast_in_dim3A_215 = vector.broadcast %broadcast_in_dim3A_214 : i32 to vector<16xi32>
            %swap3A_216 = arith.constant 48 : index
            %swap3A_217 = tpu.vector_load %arg12[%swap3A_216] {strides = array<i32>} : memref<96xi32, #tpu.memory_space<vmem>>, vector<16xi32>,
            tpu.vector_store %arg12[%swap3A_216], %broadcast_in_dim3A_215 {strides = array<i32>} : memref<96xi32, #tpu.memory_space<vmem>>, vector<16xi32>,
            %broadcast_in_dim3A_218 = arith.constant 16384 : i32
            %broadcast_in_dim3A_219 = vector.broadcast %broadcast_in_dim3A_218 : i32 to vector<16xi32>
            %swap3A_220 = arith.constant 64 : index
            %swap3A_221 = tpu.vector_load %arg12[%swap3A_220] {strides = array<i32>} : memref<96xi32, #tpu.memory_space<vmem>>, vector<16xi32>,
            tpu.vector_store %arg12[%swap3A_220], %broadcast_in_dim3A_219 {strides = array<i32>} : memref<96xi32, #tpu.memory_space<vmem>>, vector<16xi32>,
            %broadcast_in_dim3A_222 = arith.constant 16384 : i32
            %broadcast_in_dim3A_223 = vector.broadcast %broadcast_in_dim3A_222 : i32 to vector<16xi32>
            %swap3A_224 = arith.constant 80 : index
            %swap3A_225 = tpu.vector_load %arg12[%swap3A_224] {strides = array<i32>} : memref<96xi32, #tpu.memory_space<vmem>>, vector<16xi32>,
            tpu.vector_store %arg12[%swap3A_224], %broadcast_in_dim3A_223 {strides = array<i32>} : memref<96xi32, #tpu.memory_space<vmem>>, vector<16xi32>,
            %cond3A_226 = arith.constant 0 : i32
            scf.yield %cond3A_226 : i32
          } else {
            scf.yield %add3A_189 : i32
          }
          scf.yield %cond3A_195 : i32
        }
        %while3A_166 = arith.constant 1 : i32
        %while3A_167 = scf.for %while3A_174 = %while3A_163 to %while3A_159 step %while3A_166 iter_args(%while3A_175 = %while3A_165) -> (i32)  : i32 {
          %mul3A_176 = arith.constant 16 : i32
          %mul3A_177 = arith.muli %while3A_174, %mul3A_176 : i32
          %get3A = arith.index_cast %mul3A_177 : i32 to index
          %get3A_178 = tpu.vector_load %arg7[%get3A] {strides = array<i32>} : memref<16400xi32, #tpu.memory_space<vmem>>, vector<16xi32>,
          %ge3A = vector.broadcast %mul3A_157 : i32 to vector<16xi32>
          %ge3A_179 = arith.cmpi sge, %get3A_178, %ge3A : vector<16xi32>
          %add3A_180 = arith.constant 768 : i32
          %add3A_181 = arith.addi %mul3A_157, %add3A_180 : i32
          %lt3A_182 = vector.broadcast %add3A_181 : i32 to vector<16xi32>
          %lt3A_183 = arith.cmpi slt, %get3A_178, %lt3A_182 : vector<16xi32>
          %and3A_184 = arith.andi %ge3A_179, %lt3A_183 : vector<16xi1>
          %all_reduce_population_count3A = tpu.all_reduce %and3A_184 {dim = 0 : i64, kind = #tpu.reduction_kind<sum>} : vector<16xi1> -> vector<16xi32>
          %slice3A = vector.extract_strided_slice %all_reduce_population_count3A {offsets = [0], sizes = [1], strides = [1]} : vector<16xi32> to vector<1xi32>
          %squeeze3A = vector.extract %slice3A[0] : i32 from vector<1xi32>
          %gt3A = arith.constant 0 : i32
          %gt3A_185 = arith.cmpi sgt, %squeeze3A, %gt3A : i32
          %convert_element_type3A_186 = arith.extui %gt3A_185 : i1 to i32
          %cond3A_187 = arith.constant 0 : i32
          %cond3A_188 = arith.cmpi ne, %convert_element_type3A_186, %cond3A_187 : i32
          scf.if %cond3A_188 {
            %mul3A_196 = arith.constant 16 : i32
            %mul3A_197 = arith.muli %while3A_174, %mul3A_196 : i32
            %get3A_198 = arith.index_cast %mul3A_197 : i32 to index
            %get3A_199 = tpu.vector_load %arg6[%get3A_198] {strides = array<i32>} : memref<16400xi32, #tpu.memory_space<vmem>>, vector<16xi32>,
            %jit3A_200 = arith.constant 1 : i32
            %jit3A_201 = arith.constant 0 : i32
            %broadcast_in_dim3A_202 = vector.broadcast %jit3A_200 : i32 to vector<16xi32>
            %broadcast_in_dim3A_203 = vector.broadcast %jit3A_201 : i32 to vector<16xi32>
            %select_n3A_204 = arith.select %and3A_184, %broadcast_in_dim3A_202, %broadcast_in_dim3A_203 : vector<16xi1>, vector<16xi32>
            %broadcast_in_dim3A_205 = arith.constant true
            %broadcast_in_dim3A_206 = vector.broadcast %broadcast_in_dim3A_205 : i1 to vector<16xi1>
            %masked_cumsum3A = tpu.scan <sum>, %select_n3A_204 masked %broadcast_in_dim3A_206 : vector<16xi32>, vector<16xi1> -> vector<16xi32>
            %add3A_207 = vector.broadcast %while3A_175 : i32 to vector<16xi32>
            %add3A_208 = arith.addi %add3A_207, %masked_cumsum3A : vector<16xi32>
            %sub3A_209 = arith.constant 1 : i32
            %sub3A_210 = vector.broadcast %sub3A_209 : i32 to vector<16xi32>
            %sub3A_211 = arith.subi %add3A_208, %sub3A_210 : vector<16xi32>
            %sub3A_212 = vector.broadcast %mul3A_157 : i32 to vector<16xi32>
            %sub3A_213 = arith.subi %get3A_178, %sub3A_212 : vector<16xi32>
            %jit3A_214 = arith.constant 0 : i32
            %broadcast_in_dim3A_215 = vector.broadcast %jit3A_214 : i32 to vector<16xi32>
            %select_n3A_216 = arith.select %and3A_184, %sub3A_213, %broadcast_in_dim3A_215 : vector<16xi1>, vector<16xi32>
            %broadcast_in_dim3A_217 = arith.constant 0 : i32
            %broadcast_in_dim3A_218 = vector.broadcast %broadcast_in_dim3A_217 : i32 to vector<16xi32>
            %gather3A = tpu.vector_load_idx %arg8[%broadcast_in_dim3A_218, %select_n3A_216] masked %and3A_184 : memref<32x768xf32, #tpu.memory_space<vmem>>[vector<16xi32>, vector<16xi32>], vector<16xf32>, vector<16xi1>
            %broadcast_in_dim3A_219 = arith.constant 0 : i32
            %broadcast_in_dim3A_220 = vector.broadcast %broadcast_in_dim3A_219 : i32 to vector<16xi32>
            tpu.vector_store_idx %arg11[%sub3A_211, %broadcast_in_dim3A_220], %gather3A masked %and3A_184 : memref<96x128xf32, #tpu.memory_space<vmem>>[vector<16xi32>, vector<16xi32>], vector<16xf32>, vector<16xi1>
            %broadcast_in_dim3A_221 = arith.constant 1 : i32
            %broadcast_in_dim3A_222 = vector.broadcast %broadcast_in_dim3A_221 : i32 to vector<16xi32>
            %gather3A_223 = tpu.vector_load_idx %arg8[%broadcast_in_dim3A_222, %select_n3A_216] masked %and3A_184 : memref<32x768xf32, #tpu.memory_space<vmem>>[vector<16xi32>, vector<16xi32>], vector<16xf32>, vector<16xi1>
            %broadcast_in_dim3A_224 = arith.constant 1 : i32
            %broadcast_in_dim3A_225 = vector.broadcast %broadcast_in_dim3A_224 : i32 to vector<16xi32>
            tpu.vector_store_idx %arg11[%sub3A_211, %broadcast_in_dim3A_225], %gather3A_223 masked %and3A_184 : memref<96x128xf32, #tpu.memory_space<vmem>>[vector<16xi32>, vector<16xi32>], vector<16xf32>, vector<16xi1>
            %broadcast_in_dim3A_226 = arith.constant 2 : i32
            %broadcast_in_dim3A_227 = vector.broadcast %broadcast_in_dim3A_226 : i32 to vector<16xi32>
            %gather3A_228 = tpu.vector_load_idx %arg8[%broadcast_in_dim3A_227, %select_n3A_216] masked %and3A_184 : memref<32x768xf32, #tpu.memory_space<vmem>>[vector<16xi32>, vector<16xi32>], vector<16xf32>, vector<16xi1>
            %broadcast_in_dim3A_229 = arith.constant 2 : i32
            %broadcast_in_dim3A_230 = vector.broadcast %broadcast_in_dim3A_229 : i32 to vector<16xi32>
            tpu.vector_store_idx %arg11[%sub3A_211, %broadcast_in_dim3A_230], %gather3A_228 masked %and3A_184 : memref<96x128xf32, #tpu.memory_space<vmem>>[vector<16xi32>, vector<16xi32>], vector<16xf32>, vector<16xi1>
            %broadcast_in_dim3A_231 = arith.constant 3 : i32
            %broadcast_in_dim3A_232 = vector.broadcast %broadcast_in_dim3A_231 : i32 to vector<16xi32>
            %gather3A_233 = tpu.vector_load_idx %arg8[%broadcast_in_dim3A_232, %select_n3A_216] masked %and3A_184 : memref<32x768xf32, #tpu.memory_space<vmem>>[vector<16xi32>, vector<16xi32>], vector<16xf32>, vector<16xi1>
            %broadcast_in_dim3A_234 = arith.constant 3 : i32
            %broadcast_in_dim3A_235 = vector.broadcast %broadcast_in_dim3A_234 : i32 to vector<16xi32>
            tpu.vector_store_idx %arg11[%sub3A_211, %broadcast_in_dim3A_235], %gather3A_233 masked %and3A_184 : memref<96x128xf32, #tpu.memory_space<vmem>>[vector<16xi32>, vector<16xi32>], vector<16xf32>, vector<16xi1>
            %broadcast_in_dim3A_236 = arith.constant 4 : i32
            %broadcast_in_dim3A_237 = vector.broadcast %broadcast_in_dim3A_236 : i32 to vector<16xi32>
            %gather3A_238 = tpu.vector_load_idx %arg8[%broadcast_in_dim3A_237, %select_n3A_216] masked %and3A_184 : memref<32x768xf32, #tpu.memory_space<vmem>>[vector<16xi32>, vector<16xi32>], vector<16xf32>, vector<16xi1>
            %broadcast_in_dim3A_239 = arith.constant 4 : i32
            %broadcast_in_dim3A_240 = vector.broadcast %broadcast_in_dim3A_239 : i32 to vector<16xi32>
            tpu.vector_store_idx %arg11[%sub3A_211, %broadcast_in_dim3A_240], %gather3A_238 masked %and3A_184 : memref<96x128xf32, #tpu.memory_space<vmem>>[vector<16xi32>, vector<16xi32>], vector<16xf32>, vector<16xi1>
            %broadcast_in_dim3A_241 = arith.constant 5 : i32
            %broadcast_in_dim3A_242 = vector.broadcast %broadcast_in_dim3A_241 : i32 to vector<16xi32>
            %gather3A_243 = tpu.vector_load_idx %arg8[%broadcast_in_dim3A_242, %select_n3A_216] masked %and3A_184 : memref<32x768xf32, #tpu.memory_space<vmem>>[vector<16xi32>, vector<16xi32>], vector<16xf32>, vector<16xi1>
            %broadcast_in_dim3A_244 = arith.constant 5 : i32
            %broadcast_in_dim3A_245 = vector.broadcast %broadcast_in_dim3A_244 : i32 to vector<16xi32>
            tpu.vector_store_idx %arg11[%sub3A_211, %broadcast_in_dim3A_245], %gather3A_243 masked %and3A_184 : memref<96x128xf32, #tpu.memory_space<vmem>>[vector<16xi32>, vector<16xi32>], vector<16xf32>, vector<16xi1>
            %broadcast_in_dim3A_246 = arith.constant 6 : i32
            %broadcast_in_dim3A_247 = vector.broadcast %broadcast_in_dim3A_246 : i32 to vector<16xi32>
            %gather3A_248 = tpu.vector_load_idx %arg8[%broadcast_in_dim3A_247, %select_n3A_216] masked %and3A_184 : memref<32x768xf32, #tpu.memory_space<vmem>>[vector<16xi32>, vector<16xi32>], vector<16xf32>, vector<16xi1>
            %broadcast_in_dim3A_249 = arith.constant 6 : i32
            %broadcast_in_dim3A_250 = vector.broadcast %broadcast_in_dim3A_249 : i32 to vector<16xi32>
            tpu.vector_store_idx %arg11[%sub3A_211, %broadcast_in_dim3A_250], %gather3A_248 masked %and3A_184 : memref<96x128xf32, #tpu.memory_space<vmem>>[vector<16xi32>, vector<16xi32>], vector<16xf32>, vector<16xi1>
            %broadcast_in_dim3A_251 = arith.constant 7 : i32
            %broadcast_in_dim3A_252 = vector.broadcast %broadcast_in_dim3A_251 : i32 to vector<16xi32>
            %gather3A_253 = tpu.vector_load_idx %arg8[%broadcast_in_dim3A_252, %select_n3A_216] masked %and3A_184 : memref<32x768xf32, #tpu.memory_space<vmem>>[vector<16xi32>, vector<16xi32>], vector<16xf32>, vector<16xi1>
            %broadcast_in_dim3A_254 = arith.constant 7 : i32
            %broadcast_in_dim3A_255 = vector.broadcast %broadcast_in_dim3A_254 : i32 to vector<16xi32>
            tpu.vector_store_idx %arg11[%sub3A_211, %broadcast_in_dim3A_255], %gather3A_253 masked %and3A_184 : memref<96x128xf32, #tpu.memory_space<vmem>>[vector<16xi32>, vector<16xi32>], vector<16xf32>, vector<16xi1>
            %broadcast_in_dim3A_256 = arith.constant 8 : i32
            %broadcast_in_dim3A_257 = vector.broadcast %broadcast_in_dim3A_256 : i32 to vector<16xi32>
            %gather3A_258 = tpu.vector_load_idx %arg8[%broadcast_in_dim3A_257, %select_n3A_216] masked %and3A_184 : memref<32x768xf32, #tpu.memory_space<vmem>>[vector<16xi32>, vector<16xi32>], vector<16xf32>, vector<16xi1>
            %broadcast_in_dim3A_259 = arith.constant 8 : i32
            %broadcast_in_dim3A_260 = vector.broadcast %broadcast_in_dim3A_259 : i32 to vector<16xi32>
            tpu.vector_store_idx %arg11[%sub3A_211, %broadcast_in_dim3A_260], %gather3A_258 masked %and3A_184 : memref<96x128xf32, #tpu.memory_space<vmem>>[vector<16xi32>, vector<16xi32>], vector<16xf32>, vector<16xi1>
            %broadcast_in_dim3A_261 = arith.constant 9 : i32
            %broadcast_in_dim3A_262 = vector.broadcast %broadcast_in_dim3A_261 : i32 to vector<16xi32>
            %gather3A_263 = tpu.vector_load_idx %arg8[%broadcast_in_dim3A_262, %select_n3A_216] masked %and3A_184 : memref<32x768xf32, #tpu.memory_space<vmem>>[vector<16xi32>, vector<16xi32>], vector<16xf32>, vector<16xi1>
            %broadcast_in_dim3A_264 = arith.constant 9 : i32
            %broadcast_in_dim3A_265 = vector.broadcast %broadcast_in_dim3A_264 : i32 to vector<16xi32>
            tpu.vector_store_idx %arg11[%sub3A_211, %broadcast_in_dim3A_265], %gather3A_263 masked %and3A_184 : memref<96x128xf32, #tpu.memory_space<vmem>>[vector<16xi32>, vector<16xi32>], vector<16xf32>, vector<16xi1>
            %broadcast_in_dim3A_266 = arith.constant 10 : i32
            %broadcast_in_dim3A_267 = vector.broadcast %broadcast_in_dim3A_266 : i32 to vector<16xi32>
            %gather3A_268 = tpu.vector_load_idx %arg8[%broadcast_in_dim3A_267, %select_n3A_216] masked %and3A_184 : memref<32x768xf32, #tpu.memory_space<vmem>>[vector<16xi32>, vector<16xi32>], vector<16xf32>, vector<16xi1>
            %broadcast_in_dim3A_269 = arith.constant 10 : i32
            %broadcast_in_dim3A_270 = vector.broadcast %broadcast_in_dim3A_269 : i32 to vector<16xi32>
            tpu.vector_store_idx %arg11[%sub3A_211, %broadcast_in_dim3A_270], %gather3A_268 masked %and3A_184 : memref<96x128xf32, #tpu.memory_space<vmem>>[vector<16xi32>, vector<16xi32>], vector<16xf32>, vector<16xi1>
            %broadcast_in_dim3A_271 = arith.constant 11 : i32
            %broadcast_in_dim3A_272 = vector.broadcast %broadcast_in_dim3A_271 : i32 to vector<16xi32>
            %gather3A_273 = tpu.vector_load_idx %arg8[%broadcast_in_dim3A_272, %select_n3A_216] masked %and3A_184 : memref<32x768xf32, #tpu.memory_space<vmem>>[vector<16xi32>, vector<16xi32>], vector<16xf32>, vector<16xi1>
            %broadcast_in_dim3A_274 = arith.constant 11 : i32
            %broadcast_in_dim3A_275 = vector.broadcast %broadcast_in_dim3A_274 : i32 to vector<16xi32>
            tpu.vector_store_idx %arg11[%sub3A_211, %broadcast_in_dim3A_275], %gather3A_273 masked %and3A_184 : memref<96x128xf32, #tpu.memory_space<vmem>>[vector<16xi32>, vector<16xi32>], vector<16xf32>, vector<16xi1>
            %broadcast_in_dim3A_276 = arith.constant 12 : i32
            %broadcast_in_dim3A_277 = vector.broadcast %broadcast_in_dim3A_276 : i32 to vector<16xi32>
            %gather3A_278 = tpu.vector_load_idx %arg8[%broadcast_in_dim3A_277, %select_n3A_216] masked %and3A_184 : memref<32x768xf32, #tpu.memory_space<vmem>>[vector<16xi32>, vector<16xi32>], vector<16xf32>, vector<16xi1>
            %broadcast_in_dim3A_279 = arith.constant 12 : i32
            %broadcast_in_dim3A_280 = vector.broadcast %broadcast_in_dim3A_279 : i32 to vector<16xi32>
            tpu.vector_store_idx %arg11[%sub3A_211, %broadcast_in_dim3A_280], %gather3A_278 masked %and3A_184 : memref<96x128xf32, #tpu.memory_space<vmem>>[vector<16xi32>, vector<16xi32>], vector<16xf32>, vector<16xi1>
            %broadcast_in_dim3A_281 = arith.constant 13 : i32
            %broadcast_in_dim3A_282 = vector.broadcast %broadcast_in_dim3A_281 : i32 to vector<16xi32>
            %gather3A_283 = tpu.vector_load_idx %arg8[%broadcast_in_dim3A_282, %select_n3A_216] masked %and3A_184 : memref<32x768xf32, #tpu.memory_space<vmem>>[vector<16xi32>, vector<16xi32>], vector<16xf32>, vector<16xi1>
            %broadcast_in_dim3A_284 = arith.constant 13 : i32
            %broadcast_in_dim3A_285 = vector.broadcast %broadcast_in_dim3A_284 : i32 to vector<16xi32>
            tpu.vector_store_idx %arg11[%sub3A_211, %broadcast_in_dim3A_285], %gather3A_283 masked %and3A_184 : memref<96x128xf32, #tpu.memory_space<vmem>>[vector<16xi32>, vector<16xi32>], vector<16xf32>, vector<16xi1>
            %broadcast_in_dim3A_286 = arith.constant 14 : i32
            %broadcast_in_dim3A_287 = vector.broadcast %broadcast_in_dim3A_286 : i32 to vector<16xi32>
            %gather3A_288 = tpu.vector_load_idx %arg8[%broadcast_in_dim3A_287, %select_n3A_216] masked %and3A_184 : memref<32x768xf32, #tpu.memory_space<vmem>>[vector<16xi32>, vector<16xi32>], vector<16xf32>, vector<16xi1>
            %broadcast_in_dim3A_289 = arith.constant 14 : i32
            %broadcast_in_dim3A_290 = vector.broadcast %broadcast_in_dim3A_289 : i32 to vector<16xi32>
            tpu.vector_store_idx %arg11[%sub3A_211, %broadcast_in_dim3A_290], %gather3A_288 masked %and3A_184 : memref<96x128xf32, #tpu.memory_space<vmem>>[vector<16xi32>, vector<16xi32>], vector<16xf32>, vector<16xi1>
            %broadcast_in_dim3A_291 = arith.constant 15 : i32
            %broadcast_in_dim3A_292 = vector.broadcast %broadcast_in_dim3A_291 : i32 to vector<16xi32>
            %gather3A_293 = tpu.vector_load_idx %arg8[%broadcast_in_dim3A_292, %select_n3A_216] masked %and3A_184 : memref<32x768xf32, #tpu.memory_space<vmem>>[vector<16xi32>, vector<16xi32>], vector<16xf32>, vector<16xi1>
            %broadcast_in_dim3A_294 = arith.constant 15 : i32
            %broadcast_in_dim3A_295 = vector.broadcast %broadcast_in_dim3A_294 : i32 to vector<16xi32>
            tpu.vector_store_idx %arg11[%sub3A_211, %broadcast_in_dim3A_295], %gather3A_293 masked %and3A_184 : memref<96x128xf32, #tpu.memory_space<vmem>>[vector<16xi32>, vector<16xi32>], vector<16xf32>, vector<16xi1>
            %broadcast_in_dim3A_296 = arith.constant 16 : i32
            %broadcast_in_dim3A_297 = vector.broadcast %broadcast_in_dim3A_296 : i32 to vector<16xi32>
            %gather3A_298 = tpu.vector_load_idx %arg8[%broadcast_in_dim3A_297, %select_n3A_216] masked %and3A_184 : memref<32x768xf32, #tpu.memory_space<vmem>>[vector<16xi32>, vector<16xi32>], vector<16xf32>, vector<16xi1>
            %broadcast_in_dim3A_299 = arith.constant 16 : i32
            %broadcast_in_dim3A_300 = vector.broadcast %broadcast_in_dim3A_299 : i32 to vector<16xi32>
            tpu.vector_store_idx %arg11[%sub3A_211, %broadcast_in_dim3A_300], %gather3A_298 masked %and3A_184 : memref<96x128xf32, #tpu.memory_space<vmem>>[vector<16xi32>, vector<16xi32>], vector<16xf32>, vector<16xi1>
            %broadcast_in_dim3A_301 = arith.constant 17 : i32
            %broadcast_in_dim3A_302 = vector.broadcast %broadcast_in_dim3A_301 : i32 to vector<16xi32>
            %gather3A_303 = tpu.vector_load_idx %arg8[%broadcast_in_dim3A_302, %select_n3A_216] masked %and3A_184 : memref<32x768xf32, #tpu.memory_space<vmem>>[vector<16xi32>, vector<16xi32>], vector<16xf32>, vector<16xi1>
            %broadcast_in_dim3A_304 = arith.constant 17 : i32
            %broadcast_in_dim3A_305 = vector.broadcast %broadcast_in_dim3A_304 : i32 to vector<16xi32>
            tpu.vector_store_idx %arg11[%sub3A_211, %broadcast_in_dim3A_305], %gather3A_303 masked %and3A_184 : memref<96x128xf32, #tpu.memory_space<vmem>>[vector<16xi32>, vector<16xi32>], vector<16xf32>, vector<16xi1>
            %broadcast_in_dim3A_306 = arith.constant 18 : i32
            %broadcast_in_dim3A_307 = vector.broadcast %broadcast_in_dim3A_306 : i32 to vector<16xi32>
            %gather3A_308 = tpu.vector_load_idx %arg8[%broadcast_in_dim3A_307, %select_n3A_216] masked %and3A_184 : memref<32x768xf32, #tpu.memory_space<vmem>>[vector<16xi32>, vector<16xi32>], vector<16xf32>, vector<16xi1>
            %broadcast_in_dim3A_309 = arith.constant 18 : i32
            %broadcast_in_dim3A_310 = vector.broadcast %broadcast_in_dim3A_309 : i32 to vector<16xi32>
            tpu.vector_store_idx %arg11[%sub3A_211, %broadcast_in_dim3A_310], %gather3A_308 masked %and3A_184 : memref<96x128xf32, #tpu.memory_space<vmem>>[vector<16xi32>, vector<16xi32>], vector<16xf32>, vector<16xi1>
            %broadcast_in_dim3A_311 = arith.constant 19 : i32
            %broadcast_in_dim3A_312 = vector.broadcast %broadcast_in_dim3A_311 : i32 to vector<16xi32>
            %gather3A_313 = tpu.vector_load_idx %arg8[%broadcast_in_dim3A_312, %select_n3A_216] masked %and3A_184 : memref<32x768xf32, #tpu.memory_space<vmem>>[vector<16xi32>, vector<16xi32>], vector<16xf32>, vector<16xi1>
            %broadcast_in_dim3A_314 = arith.constant 19 : i32
            %broadcast_in_dim3A_315 = vector.broadcast %broadcast_in_dim3A_314 : i32 to vector<16xi32>
            tpu.vector_store_idx %arg11[%sub3A_211, %broadcast_in_dim3A_315], %gather3A_313 masked %and3A_184 : memref<96x128xf32, #tpu.memory_space<vmem>>[vector<16xi32>, vector<16xi32>], vector<16xf32>, vector<16xi1>
            %broadcast_in_dim3A_316 = arith.constant 20 : i32
            %broadcast_in_dim3A_317 = vector.broadcast %broadcast_in_dim3A_316 : i32 to vector<16xi32>
            %gather3A_318 = tpu.vector_load_idx %arg8[%broadcast_in_dim3A_317, %select_n3A_216] masked %and3A_184 : memref<32x768xf32, #tpu.memory_space<vmem>>[vector<16xi32>, vector<16xi32>], vector<16xf32>, vector<16xi1>
            %broadcast_in_dim3A_319 = arith.constant 20 : i32
            %broadcast_in_dim3A_320 = vector.broadcast %broadcast_in_dim3A_319 : i32 to vector<16xi32>
            tpu.vector_store_idx %arg11[%sub3A_211, %broadcast_in_dim3A_320], %gather3A_318 masked %and3A_184 : memref<96x128xf32, #tpu.memory_space<vmem>>[vector<16xi32>, vector<16xi32>], vector<16xf32>, vector<16xi1>
            %broadcast_in_dim3A_321 = arith.constant 21 : i32
            %broadcast_in_dim3A_322 = vector.broadcast %broadcast_in_dim3A_321 : i32 to vector<16xi32>
            %gather3A_323 = tpu.vector_load_idx %arg8[%broadcast_in_dim3A_322, %select_n3A_216] masked %and3A_184 : memref<32x768xf32, #tpu.memory_space<vmem>>[vector<16xi32>, vector<16xi32>], vector<16xf32>, vector<16xi1>
            %broadcast_in_dim3A_324 = arith.constant 21 : i32
            %broadcast_in_dim3A_325 = vector.broadcast %broadcast_in_dim3A_324 : i32 to vector<16xi32>
            tpu.vector_store_idx %arg11[%sub3A_211, %broadcast_in_dim3A_325], %gather3A_323 masked %and3A_184 : memref<96x128xf32, #tpu.memory_space<vmem>>[vector<16xi32>, vector<16xi32>], vector<16xf32>, vector<16xi1>
            %broadcast_in_dim3A_326 = arith.constant 22 : i32
            %broadcast_in_dim3A_327 = vector.broadcast %broadcast_in_dim3A_326 : i32 to vector<16xi32>
            %gather3A_328 = tpu.vector_load_idx %arg8[%broadcast_in_dim3A_327, %select_n3A_216] masked %and3A_184 : memref<32x768xf32, #tpu.memory_space<vmem>>[vector<16xi32>, vector<16xi32>], vector<16xf32>, vector<16xi1>
            %broadcast_in_dim3A_329 = arith.constant 22 : i32
            %broadcast_in_dim3A_330 = vector.broadcast %broadcast_in_dim3A_329 : i32 to vector<16xi32>
            tpu.vector_store_idx %arg11[%sub3A_211, %broadcast_in_dim3A_330], %gather3A_328 masked %and3A_184 : memref<96x128xf32, #tpu.memory_space<vmem>>[vector<16xi32>, vector<16xi32>], vector<16xf32>, vector<16xi1>
            %broadcast_in_dim3A_331 = arith.constant 23 : i32
            %broadcast_in_dim3A_332 = vector.broadcast %broadcast_in_dim3A_331 : i32 to vector<16xi32>
            %gather3A_333 = tpu.vector_load_idx %arg8[%broadcast_in_dim3A_332, %select_n3A_216] masked %and3A_184 : memref<32x768xf32, #tpu.memory_space<vmem>>[vector<16xi32>, vector<16xi32>], vector<16xf32>, vector<16xi1>
            %broadcast_in_dim3A_334 = arith.constant 23 : i32
            %broadcast_in_dim3A_335 = vector.broadcast %broadcast_in_dim3A_334 : i32 to vector<16xi32>
            tpu.vector_store_idx %arg11[%sub3A_211, %broadcast_in_dim3A_335], %gather3A_333 masked %and3A_184 : memref<96x128xf32, #tpu.memory_space<vmem>>[vector<16xi32>, vector<16xi32>], vector<16xf32>, vector<16xi1>
            %broadcast_in_dim3A_336 = arith.constant 24 : i32
            %broadcast_in_dim3A_337 = vector.broadcast %broadcast_in_dim3A_336 : i32 to vector<16xi32>
            %gather3A_338 = tpu.vector_load_idx %arg8[%broadcast_in_dim3A_337, %select_n3A_216] masked %and3A_184 : memref<32x768xf32, #tpu.memory_space<vmem>>[vector<16xi32>, vector<16xi32>], vector<16xf32>, vector<16xi1>
            %broadcast_in_dim3A_339 = arith.constant 24 : i32
            %broadcast_in_dim3A_340 = vector.broadcast %broadcast_in_dim3A_339 : i32 to vector<16xi32>
            tpu.vector_store_idx %arg11[%sub3A_211, %broadcast_in_dim3A_340], %gather3A_338 masked %and3A_184 : memref<96x128xf32, #tpu.memory_space<vmem>>[vector<16xi32>, vector<16xi32>], vector<16xf32>, vector<16xi1>
            %broadcast_in_dim3A_341 = arith.constant 25 : i32
            %broadcast_in_dim3A_342 = vector.broadcast %broadcast_in_dim3A_341 : i32 to vector<16xi32>
            %gather3A_343 = tpu.vector_load_idx %arg8[%broadcast_in_dim3A_342, %select_n3A_216] masked %and3A_184 : memref<32x768xf32, #tpu.memory_space<vmem>>[vector<16xi32>, vector<16xi32>], vector<16xf32>, vector<16xi1>
            %broadcast_in_dim3A_344 = arith.constant 25 : i32
            %broadcast_in_dim3A_345 = vector.broadcast %broadcast_in_dim3A_344 : i32 to vector<16xi32>
            tpu.vector_store_idx %arg11[%sub3A_211, %broadcast_in_dim3A_345], %gather3A_343 masked %and3A_184 : memref<96x128xf32, #tpu.memory_space<vmem>>[vector<16xi32>, vector<16xi32>], vector<16xf32>, vector<16xi1>
            %broadcast_in_dim3A_346 = arith.constant 26 : i32
            %broadcast_in_dim3A_347 = vector.broadcast %broadcast_in_dim3A_346 : i32 to vector<16xi32>
            %gather3A_348 = tpu.vector_load_idx %arg8[%broadcast_in_dim3A_347, %select_n3A_216] masked %and3A_184 : memref<32x768xf32, #tpu.memory_space<vmem>>[vector<16xi32>, vector<16xi32>], vector<16xf32>, vector<16xi1>
            %broadcast_in_dim3A_349 = arith.constant 26 : i32
            %broadcast_in_dim3A_350 = vector.broadcast %broadcast_in_dim3A_349 : i32 to vector<16xi32>
            tpu.vector_store_idx %arg11[%sub3A_211, %broadcast_in_dim3A_350], %gather3A_348 masked %and3A_184 : memref<96x128xf32, #tpu.memory_space<vmem>>[vector<16xi32>, vector<16xi32>], vector<16xf32>, vector<16xi1>
            %broadcast_in_dim3A_351 = arith.constant 27 : i32
            %broadcast_in_dim3A_352 = vector.broadcast %broadcast_in_dim3A_351 : i32 to vector<16xi32>
            %gather3A_353 = tpu.vector_load_idx %arg8[%broadcast_in_dim3A_352, %select_n3A_216] masked %and3A_184 : memref<32x768xf32, #tpu.memory_space<vmem>>[vector<16xi32>, vector<16xi32>], vector<16xf32>, vector<16xi1>
            %broadcast_in_dim3A_354 = arith.constant 27 : i32
            %broadcast_in_dim3A_355 = vector.broadcast %broadcast_in_dim3A_354 : i32 to vector<16xi32>
            tpu.vector_store_idx %arg11[%sub3A_211, %broadcast_in_dim3A_355], %gather3A_353 masked %and3A_184 : memref<96x128xf32, #tpu.memory_space<vmem>>[vector<16xi32>, vector<16xi32>], vector<16xf32>, vector<16xi1>
            %broadcast_in_dim3A_356 = arith.constant 28 : i32
            %broadcast_in_dim3A_357 = vector.broadcast %broadcast_in_dim3A_356 : i32 to vector<16xi32>
            %gather3A_358 = tpu.vector_load_idx %arg8[%broadcast_in_dim3A_357, %select_n3A_216] masked %and3A_184 : memref<32x768xf32, #tpu.memory_space<vmem>>[vector<16xi32>, vector<16xi32>], vector<16xf32>, vector<16xi1>
            %broadcast_in_dim3A_359 = arith.constant 28 : i32
            %broadcast_in_dim3A_360 = vector.broadcast %broadcast_in_dim3A_359 : i32 to vector<16xi32>
            tpu.vector_store_idx %arg11[%sub3A_211, %broadcast_in_dim3A_360], %gather3A_358 masked %and3A_184 : memref<96x128xf32, #tpu.memory_space<vmem>>[vector<16xi32>, vector<16xi32>], vector<16xf32>, vector<16xi1>
            %broadcast_in_dim3A_361 = arith.constant 29 : i32
            %broadcast_in_dim3A_362 = vector.broadcast %broadcast_in_dim3A_361 : i32 to vector<16xi32>
            %gather3A_363 = tpu.vector_load_idx %arg8[%broadcast_in_dim3A_362, %select_n3A_216] masked %and3A_184 : memref<32x768xf32, #tpu.memory_space<vmem>>[vector<16xi32>, vector<16xi32>], vector<16xf32>, vector<16xi1>
            %broadcast_in_dim3A_364 = arith.constant 29 : i32
            %broadcast_in_dim3A_365 = vector.broadcast %broadcast_in_dim3A_364 : i32 to vector<16xi32>
            tpu.vector_store_idx %arg11[%sub3A_211, %broadcast_in_dim3A_365], %gather3A_363 masked %and3A_184 : memref<96x128xf32, #tpu.memory_space<vmem>>[vector<16xi32>, vector<16xi32>], vector<16xf32>, vector<16xi1>
            %broadcast_in_dim3A_366 = arith.constant 30 : i32
            %broadcast_in_dim3A_367 = vector.broadcast %broadcast_in_dim3A_366 : i32 to vector<16xi32>
            %gather3A_368 = tpu.vector_load_idx %arg8[%broadcast_in_dim3A_367, %select_n3A_216] masked %and3A_184 : memref<32x768xf32, #tpu.memory_space<vmem>>[vector<16xi32>, vector<16xi32>], vector<16xf32>, vector<16xi1>
            %broadcast_in_dim3A_369 = arith.constant 30 : i32
            %broadcast_in_dim3A_370 = vector.broadcast %broadcast_in_dim3A_369 : i32 to vector<16xi32>
            tpu.vector_store_idx %arg11[%sub3A_211, %broadcast_in_dim3A_370], %gather3A_368 masked %and3A_184 : memref<96x128xf32, #tpu.memory_space<vmem>>[vector<16xi32>, vector<16xi32>], vector<16xf32>, vector<16xi1>
            %broadcast_in_dim3A_371 = arith.constant 31 : i32
            %broadcast_in_dim3A_372 = vector.broadcast %broadcast_in_dim3A_371 : i32 to vector<16xi32>
            %gather3A_373 = tpu.vector_load_idx %arg8[%broadcast_in_dim3A_372, %select_n3A_216] masked %and3A_184 : memref<32x768xf32, #tpu.memory_space<vmem>>[vector<16xi32>, vector<16xi32>], vector<16xf32>, vector<16xi1>
            %broadcast_in_dim3A_374 = arith.constant 31 : i32
            %broadcast_in_dim3A_375 = vector.broadcast %broadcast_in_dim3A_374 : i32 to vector<16xi32>
            tpu.vector_store_idx %arg11[%sub3A_211, %broadcast_in_dim3A_375], %gather3A_373 masked %and3A_184 : memref<96x128xf32, #tpu.memory_space<vmem>>[vector<16xi32>, vector<16xi32>], vector<16xf32>, vector<16xi1>
            tpu.vector_store_idx %arg12[%sub3A_211], %get3A_199 masked %and3A_184 : memref<96xi32, #tpu.memory_space<vmem>>[vector<16xi32>], vector<16xi32>, vector<16xi1>
          } else {
          }
          %add3A_189 = arith.addi %while3A_175, %squeeze3A : i32
          %ge3A_190 = arith.constant 80 : i32
          %ge3A_191 = arith.cmpi sge, %add3A_189, %ge3A_190 : i32
          %convert_element_type3A_192 = arith.extui %ge3A_191 : i1 to i32
          %cond3A_193 = arith.constant 0 : i32
          %cond3A_194 = arith.cmpi ne, %convert_element_type3A_192, %cond3A_193 : i32
          %cond3A_195 = scf.if %cond3A_194 -> (i32) {
            %dma_start3A_196 = arith.constant 0 : i32
            %dma_start3A_197 = arith.constant 0 : i32
            %dma_start3A_198 = tpu.memref_slice %arg4[%dma_start3A_196, %dma_start3A_197] : memref<18432x128xf32, #tpu.memory_space<hbm>> -> memref<18432x128xf32, #tpu.memory_space<hbm>>
            tpu.enqueue_indirect_dma source(%arg11 : memref<96x128xf32, #tpu.memory_space<vmem>>) target(%dma_start3A_198 : memref<18432x128xf32, #tpu.memory_space<hbm>>) offsets(%arg12 : memref<96xi32, #tpu.memory_space<vmem>>) semaphore(%arg15 : memref<!tpu.dma_semaphore, #tpu.memory_space<semaphore_mem>>)
            %dma_wait3A_199 = arith.constant 0 : i32
            %dma_wait3A_200 = arith.constant 0 : i32
            %dma_wait3A_201 = tpu.memref_slice %arg4[%dma_wait3A_199, %dma_wait3A_200] : memref<18432x128xf32, #tpu.memory_space<hbm>> -> memref<18432x128xf32, #tpu.memory_space<hbm>>
            tpu.wait_indirect_dma semaphore(%arg15 : memref<!tpu.dma_semaphore, #tpu.memory_space<semaphore_mem>>) src(%arg11 : memref<96x128xf32, #tpu.memory_space<vmem>>) dst(%dma_wait3A_201 : memref<18432x128xf32, #tpu.memory_space<hbm>>)
            %broadcast_in_dim3A_202 = arith.constant 16384 : i32
            %broadcast_in_dim3A_203 = vector.broadcast %broadcast_in_dim3A_202 : i32 to vector<16xi32>
            %swap3A_204 = arith.constant 0 : index
            %swap3A_205 = tpu.vector_load %arg12[%swap3A_204] {strides = array<i32>} : memref<96xi32, #tpu.memory_space<vmem>>, vector<16xi32>,
            tpu.vector_store %arg12[%swap3A_204], %broadcast_in_dim3A_203 {strides = array<i32>} : memref<96xi32, #tpu.memory_space<vmem>>, vector<16xi32>,
            %broadcast_in_dim3A_206 = arith.constant 16384 : i32
            %broadcast_in_dim3A_207 = vector.broadcast %broadcast_in_dim3A_206 : i32 to vector<16xi32>
            %swap3A_208 = arith.constant 16 : index
            %swap3A_209 = tpu.vector_load %arg12[%swap3A_208] {strides = array<i32>} : memref<96xi32, #tpu.memory_space<vmem>>, vector<16xi32>,
            tpu.vector_store %arg12[%swap3A_208], %broadcast_in_dim3A_207 {strides = array<i32>} : memref<96xi32, #tpu.memory_space<vmem>>, vector<16xi32>,
            %broadcast_in_dim3A_210 = arith.constant 16384 : i32
            %broadcast_in_dim3A_211 = vector.broadcast %broadcast_in_dim3A_210 : i32 to vector<16xi32>
            %swap3A_212 = arith.constant 32 : index
            %swap3A_213 = tpu.vector_load %arg12[%swap3A_212] {strides = array<i32>} : memref<96xi32, #tpu.memory_space<vmem>>, vector<16xi32>,
            tpu.vector_store %arg12[%swap3A_212], %broadcast_in_dim3A_211 {strides = array<i32>} : memref<96xi32, #tpu.memory_space<vmem>>, vector<16xi32>,
            %broadcast_in_dim3A_214 = arith.constant 16384 : i32
            %broadcast_in_dim3A_215 = vector.broadcast %broadcast_in_dim3A_214 : i32 to vector<16xi32>
            %swap3A_216 = arith.constant 48 : index
            %swap3A_217 = tpu.vector_load %arg12[%swap3A_216] {strides = array<i32>} : memref<96xi32, #tpu.memory_space<vmem>>, vector<16xi32>,
            tpu.vector_store %arg12[%swap3A_216], %broadcast_in_dim3A_215 {strides = array<i32>} : memref<96xi32, #tpu.memory_space<vmem>>, vector<16xi32>,
            %broadcast_in_dim3A_218 = arith.constant 16384 : i32
            %broadcast_in_dim3A_219 = vector.broadcast %broadcast_in_dim3A_218 : i32 to vector<16xi32>
            %swap3A_220 = arith.constant 64 : index
            %swap3A_221 = tpu.vector_load %arg12[%swap3A_220] {strides = array<i32>} : memref<96xi32, #tpu.memory_space<vmem>>, vector<16xi32>,
            tpu.vector_store %arg12[%swap3A_220], %broadcast_in_dim3A_219 {strides = array<i32>} : memref<96xi32, #tpu.memory_space<vmem>>, vector<16xi32>,
            %broadcast_in_dim3A_222 = arith.constant 16384 : i32
            %broadcast_in_dim3A_223 = vector.broadcast %broadcast_in_dim3A_222 : i32 to vector<16xi32>
            %swap3A_224 = arith.constant 80 : index
            %swap3A_225 = tpu.vector_load %arg12[%swap3A_224] {strides = array<i32>} : memref<96xi32, #tpu.memory_space<vmem>>, vector<16xi32>,
            tpu.vector_store %arg12[%swap3A_224], %broadcast_in_dim3A_223 {strides = array<i32>} : memref<96xi32, #tpu.memory_space<vmem>>, vector<16xi32>,
            %cond3A_226 = arith.constant 0 : i32
            scf.yield %cond3A_226 : i32
          } else {
            scf.yield %add3A_189 : i32
          }
          scf.yield %cond3A_195 : i32
        }
        %add3A_168 = arith.constant 2 : i32
        %add3A_169 = arith.addi %add3A_134, %add3A_168 : i32
        %lt3A_170 = arith.cmpi slt, %add3A_169, %select_n3A_12 : i32
        %convert_element_type3A_171 = arith.extui %lt3A_170 : i1 to i32
        %cond3A_172 = arith.constant 0 : i32
        %cond3A_173 = arith.cmpi ne, %convert_element_type3A_171, %cond3A_172 : i32
        scf.if %cond3A_173 {
          %add3A_174 = arith.addi %select_n3A, %add3A_134 : i32
          %add3A_175 = arith.constant 2 : i32
          %add3A_176 = arith.addi %add3A_174, %add3A_175 : i32
          %mul3A_177 = arith.constant 768 : i32
          %mul3A_178 = arith.muli %add3A_176, %mul3A_177 : i32
          %dma_start3A_179 = arith.constant 0 : i32
          %dma_start3A_180 = tpu.memref_slice %arg3[%dma_start3A_179, %mul3A_178] : memref<32x1000000xf32, #tpu.memory_space<hbm>> -> memref<32x768xf32, #tpu.memory_space<hbm>>
          %dma_start3A_181 = arith.constant 0 : i32
          %dma_start3A_182 = tpu.memref_slice %arg3[%dma_start3A_181, %mul3A_178] : memref<32x1000000xf32, #tpu.memory_space<hbm>> -> memref<32x768xf32, #tpu.memory_space<hbm>>
          tpu.enqueue_dma source(%dma_start3A_182 : memref<32x768xf32, #tpu.memory_space<hbm>>) target(%arg8 : memref<32x768xf32, #tpu.memory_space<vmem>>) target_semaphore(%arg13 : memref<!tpu.dma_semaphore, #tpu.memory_space<semaphore_mem>>)
        } else {
        }
        scf.yield %while3A_167 : i32
      } else {
        scf.yield %scan3A_130 : i32
      }
      %mul3A_140 = arith.constant 2 : i32
      %mul3A_141 = arith.muli %mul3A_140, %scan3A_129 : i32
      %add3A_142 = arith.constant 1 : i32
      %add3A_143 = arith.addi %mul3A_141, %add3A_142 : i32
      %lt3A_144 = arith.cmpi slt, %add3A_143, %select_n3A_12 : i32
      %convert_element_type3A_145 = arith.extui %lt3A_144 : i1 to i32
      %cond3A_146 = arith.constant 0 : i32
      %cond3A_147 = arith.cmpi ne, %convert_element_type3A_145, %cond3A_146 : i32
      %cond3A_148 = scf.if %cond3A_147 -> (i32) {
        %dma_wait3A_149 = arith.constant 0 : i32
        %dma_wait3A_150 = arith.constant 0 : i32
        %dma_wait3A_151 = tpu.memref_slice %arg3[%dma_wait3A_149, %dma_wait3A_150] : memref<32x1000000xf32, #tpu.memory_space<hbm>> -> memref<32x768xf32, #tpu.memory_space<hbm>>
        %dma_wait3A_152 = arith.constant 0 : i32
        %dma_wait3A_153 = arith.constant 0 : i32
        %dma_wait3A_154 = tpu.memref_slice %arg3[%dma_wait3A_152, %dma_wait3A_153] : memref<32x1000000xf32, #tpu.memory_space<hbm>> -> memref<32x768xf32, #tpu.memory_space<hbm>>
        tpu.wait_dma2 semaphore(%arg14 : memref<!tpu.dma_semaphore, #tpu.memory_space<semaphore_mem>>) src(%dma_wait3A_154 : memref<32x768xf32, #tpu.memory_space<hbm>>) dst(%arg9 : memref<32x768xf32, #tpu.memory_space<vmem>>)
        %add3A_155 = arith.addi %select_n3A, %add3A_143 : i32
        %mul3A_156 = arith.constant 768 : i32
        %mul3A_157 = arith.muli %add3A_155, %mul3A_156 : i32
        %while3A = arith.constant 0 : i32
        %while3A_158 = arith.subi %select_n3A_88, %while3A : i32
        %while3A_159 = arith.addi %while3A, %while3A_158 : i32
        %while3A_160 = arith.constant 1 : i32
        %while3A_161 = arith.divsi %while3A_158, %while3A_160 : i32
        %while3A_162 = arith.muli %while3A_161, %while3A_160 : i32
        %while3A_163 = arith.addi %while3A, %while3A_162 : i32
        %while3A_164 = arith.constant 1 : i32
        %while3A_165 = scf.for %while3A_174 = %while3A to %while3A_163 step %while3A_164 iter_args(%while3A_175 = %cond3A_139) -> (i32)  : i32 {
          %mul3A_176 = arith.constant 16 : i32
          %mul3A_177 = arith.muli %while3A_174, %mul3A_176 : i32
          %get3A = arith.index_cast %mul3A_177 : i32 to index
          %get3A_178 = tpu.vector_load %arg7[%get3A] {strides = array<i32>} : memref<16400xi32, #tpu.memory_space<vmem>>, vector<16xi32>,
          %ge3A = vector.broadcast %mul3A_157 : i32 to vector<16xi32>
          %ge3A_179 = arith.cmpi sge, %get3A_178, %ge3A : vector<16xi32>
          %add3A_180 = arith.constant 768 : i32
          %add3A_181 = arith.addi %mul3A_157, %add3A_180 : i32
          %lt3A_182 = vector.broadcast %add3A_181 : i32 to vector<16xi32>
          %lt3A_183 = arith.cmpi slt, %get3A_178, %lt3A_182 : vector<16xi32>
          %and3A_184 = arith.andi %ge3A_179, %lt3A_183 : vector<16xi1>
          %all_reduce_population_count3A = tpu.all_reduce %and3A_184 {dim = 0 : i64, kind = #tpu.reduction_kind<sum>} : vector<16xi1> -> vector<16xi32>
          %slice3A = vector.extract_strided_slice %all_reduce_population_count3A {offsets = [0], sizes = [1], strides = [1]} : vector<16xi32> to vector<1xi32>
          %squeeze3A = vector.extract %slice3A[0] : i32 from vector<1xi32>
          %gt3A = arith.constant 0 : i32
          %gt3A_185 = arith.cmpi sgt, %squeeze3A, %gt3A : i32
          %convert_element_type3A_186 = arith.extui %gt3A_185 : i1 to i32
          %cond3A_187 = arith.constant 0 : i32
          %cond3A_188 = arith.cmpi ne, %convert_element_type3A_186, %cond3A_187 : i32
          scf.if %cond3A_188 {
            %mul3A_196 = arith.constant 16 : i32
            %mul3A_197 = arith.muli %while3A_174, %mul3A_196 : i32
            %get3A_198 = arith.index_cast %mul3A_197 : i32 to index
            %get3A_199 = tpu.vector_load %arg6[%get3A_198] {strides = array<i32>} : memref<16400xi32, #tpu.memory_space<vmem>>, vector<16xi32>,
            %jit3A_200 = arith.constant 1 : i32
            %jit3A_201 = arith.constant 0 : i32
            %broadcast_in_dim3A_202 = vector.broadcast %jit3A_200 : i32 to vector<16xi32>
            %broadcast_in_dim3A_203 = vector.broadcast %jit3A_201 : i32 to vector<16xi32>
            %select_n3A_204 = arith.select %and3A_184, %broadcast_in_dim3A_202, %broadcast_in_dim3A_203 : vector<16xi1>, vector<16xi32>
            %broadcast_in_dim3A_205 = arith.constant true
            %broadcast_in_dim3A_206 = vector.broadcast %broadcast_in_dim3A_205 : i1 to vector<16xi1>
            %masked_cumsum3A = tpu.scan <sum>, %select_n3A_204 masked %broadcast_in_dim3A_206 : vector<16xi32>, vector<16xi1> -> vector<16xi32>
            %add3A_207 = vector.broadcast %while3A_175 : i32 to vector<16xi32>
            %add3A_208 = arith.addi %add3A_207, %masked_cumsum3A : vector<16xi32>
            %sub3A_209 = arith.constant 1 : i32
            %sub3A_210 = vector.broadcast %sub3A_209 : i32 to vector<16xi32>
            %sub3A_211 = arith.subi %add3A_208, %sub3A_210 : vector<16xi32>
            %sub3A_212 = vector.broadcast %mul3A_157 : i32 to vector<16xi32>
            %sub3A_213 = arith.subi %get3A_178, %sub3A_212 : vector<16xi32>
            %jit3A_214 = arith.constant 0 : i32
            %broadcast_in_dim3A_215 = vector.broadcast %jit3A_214 : i32 to vector<16xi32>
            %select_n3A_216 = arith.select %and3A_184, %sub3A_213, %broadcast_in_dim3A_215 : vector<16xi1>, vector<16xi32>
            %broadcast_in_dim3A_217 = arith.constant 0 : i32
            %broadcast_in_dim3A_218 = vector.broadcast %broadcast_in_dim3A_217 : i32 to vector<16xi32>
            %gather3A = tpu.vector_load_idx %arg9[%broadcast_in_dim3A_218, %select_n3A_216] masked %and3A_184 : memref<32x768xf32, #tpu.memory_space<vmem>>[vector<16xi32>, vector<16xi32>], vector<16xf32>, vector<16xi1>
            %broadcast_in_dim3A_219 = arith.constant 0 : i32
            %broadcast_in_dim3A_220 = vector.broadcast %broadcast_in_dim3A_219 : i32 to vector<16xi32>
            tpu.vector_store_idx %arg11[%sub3A_211, %broadcast_in_dim3A_220], %gather3A masked %and3A_184 : memref<96x128xf32, #tpu.memory_space<vmem>>[vector<16xi32>, vector<16xi32>], vector<16xf32>, vector<16xi1>
            %broadcast_in_dim3A_221 = arith.constant 1 : i32
            %broadcast_in_dim3A_222 = vector.broadcast %broadcast_in_dim3A_221 : i32 to vector<16xi32>
            %gather3A_223 = tpu.vector_load_idx %arg9[%broadcast_in_dim3A_222, %select_n3A_216] masked %and3A_184 : memref<32x768xf32, #tpu.memory_space<vmem>>[vector<16xi32>, vector<16xi32>], vector<16xf32>, vector<16xi1>
            %broadcast_in_dim3A_224 = arith.constant 1 : i32
            %broadcast_in_dim3A_225 = vector.broadcast %broadcast_in_dim3A_224 : i32 to vector<16xi32>
            tpu.vector_store_idx %arg11[%sub3A_211, %broadcast_in_dim3A_225], %gather3A_223 masked %and3A_184 : memref<96x128xf32, #tpu.memory_space<vmem>>[vector<16xi32>, vector<16xi32>], vector<16xf32>, vector<16xi1>
            %broadcast_in_dim3A_226 = arith.constant 2 : i32
            %broadcast_in_dim3A_227 = vector.broadcast %broadcast_in_dim3A_226 : i32 to vector<16xi32>
            %gather3A_228 = tpu.vector_load_idx %arg9[%broadcast_in_dim3A_227, %select_n3A_216] masked %and3A_184 : memref<32x768xf32, #tpu.memory_space<vmem>>[vector<16xi32>, vector<16xi32>], vector<16xf32>, vector<16xi1>
            %broadcast_in_dim3A_229 = arith.constant 2 : i32
            %broadcast_in_dim3A_230 = vector.broadcast %broadcast_in_dim3A_229 : i32 to vector<16xi32>
            tpu.vector_store_idx %arg11[%sub3A_211, %broadcast_in_dim3A_230], %gather3A_228 masked %and3A_184 : memref<96x128xf32, #tpu.memory_space<vmem>>[vector<16xi32>, vector<16xi32>], vector<16xf32>, vector<16xi1>
            %broadcast_in_dim3A_231 = arith.constant 3 : i32
            %broadcast_in_dim3A_232 = vector.broadcast %broadcast_in_dim3A_231 : i32 to vector<16xi32>
            %gather3A_233 = tpu.vector_load_idx %arg9[%broadcast_in_dim3A_232, %select_n3A_216] masked %and3A_184 : memref<32x768xf32, #tpu.memory_space<vmem>>[vector<16xi32>, vector<16xi32>], vector<16xf32>, vector<16xi1>
            %broadcast_in_dim3A_234 = arith.constant 3 : i32
            %broadcast_in_dim3A_235 = vector.broadcast %broadcast_in_dim3A_234 : i32 to vector<16xi32>
            tpu.vector_store_idx %arg11[%sub3A_211, %broadcast_in_dim3A_235], %gather3A_233 masked %and3A_184 : memref<96x128xf32, #tpu.memory_space<vmem>>[vector<16xi32>, vector<16xi32>], vector<16xf32>, vector<16xi1>
            %broadcast_in_dim3A_236 = arith.constant 4 : i32
            %broadcast_in_dim3A_237 = vector.broadcast %broadcast_in_dim3A_236 : i32 to vector<16xi32>
            %gather3A_238 = tpu.vector_load_idx %arg9[%broadcast_in_dim3A_237, %select_n3A_216] masked %and3A_184 : memref<32x768xf32, #tpu.memory_space<vmem>>[vector<16xi32>, vector<16xi32>], vector<16xf32>, vector<16xi1>
            %broadcast_in_dim3A_239 = arith.constant 4 : i32
            %broadcast_in_dim3A_240 = vector.broadcast %broadcast_in_dim3A_239 : i32 to vector<16xi32>
            tpu.vector_store_idx %arg11[%sub3A_211, %broadcast_in_dim3A_240], %gather3A_238 masked %and3A_184 : memref<96x128xf32, #tpu.memory_space<vmem>>[vector<16xi32>, vector<16xi32>], vector<16xf32>, vector<16xi1>
            %broadcast_in_dim3A_241 = arith.constant 5 : i32
            %broadcast_in_dim3A_242 = vector.broadcast %broadcast_in_dim3A_241 : i32 to vector<16xi32>
            %gather3A_243 = tpu.vector_load_idx %arg9[%broadcast_in_dim3A_242, %select_n3A_216] masked %and3A_184 : memref<32x768xf32, #tpu.memory_space<vmem>>[vector<16xi32>, vector<16xi32>], vector<16xf32>, vector<16xi1>
            %broadcast_in_dim3A_244 = arith.constant 5 : i32
            %broadcast_in_dim3A_245 = vector.broadcast %broadcast_in_dim3A_244 : i32 to vector<16xi32>
            tpu.vector_store_idx %arg11[%sub3A_211, %broadcast_in_dim3A_245], %gather3A_243 masked %and3A_184 : memref<96x128xf32, #tpu.memory_space<vmem>>[vector<16xi32>, vector<16xi32>], vector<16xf32>, vector<16xi1>
            %broadcast_in_dim3A_246 = arith.constant 6 : i32
            %broadcast_in_dim3A_247 = vector.broadcast %broadcast_in_dim3A_246 : i32 to vector<16xi32>
            %gather3A_248 = tpu.vector_load_idx %arg9[%broadcast_in_dim3A_247, %select_n3A_216] masked %and3A_184 : memref<32x768xf32, #tpu.memory_space<vmem>>[vector<16xi32>, vector<16xi32>], vector<16xf32>, vector<16xi1>
            %broadcast_in_dim3A_249 = arith.constant 6 : i32
            %broadcast_in_dim3A_250 = vector.broadcast %broadcast_in_dim3A_249 : i32 to vector<16xi32>
            tpu.vector_store_idx %arg11[%sub3A_211, %broadcast_in_dim3A_250], %gather3A_248 masked %and3A_184 : memref<96x128xf32, #tpu.memory_space<vmem>>[vector<16xi32>, vector<16xi32>], vector<16xf32>, vector<16xi1>
            %broadcast_in_dim3A_251 = arith.constant 7 : i32
            %broadcast_in_dim3A_252 = vector.broadcast %broadcast_in_dim3A_251 : i32 to vector<16xi32>
            %gather3A_253 = tpu.vector_load_idx %arg9[%broadcast_in_dim3A_252, %select_n3A_216] masked %and3A_184 : memref<32x768xf32, #tpu.memory_space<vmem>>[vector<16xi32>, vector<16xi32>], vector<16xf32>, vector<16xi1>
            %broadcast_in_dim3A_254 = arith.constant 7 : i32
            %broadcast_in_dim3A_255 = vector.broadcast %broadcast_in_dim3A_254 : i32 to vector<16xi32>
            tpu.vector_store_idx %arg11[%sub3A_211, %broadcast_in_dim3A_255], %gather3A_253 masked %and3A_184 : memref<96x128xf32, #tpu.memory_space<vmem>>[vector<16xi32>, vector<16xi32>], vector<16xf32>, vector<16xi1>
            %broadcast_in_dim3A_256 = arith.constant 8 : i32
            %broadcast_in_dim3A_257 = vector.broadcast %broadcast_in_dim3A_256 : i32 to vector<16xi32>
            %gather3A_258 = tpu.vector_load_idx %arg9[%broadcast_in_dim3A_257, %select_n3A_216] masked %and3A_184 : memref<32x768xf32, #tpu.memory_space<vmem>>[vector<16xi32>, vector<16xi32>], vector<16xf32>, vector<16xi1>
            %broadcast_in_dim3A_259 = arith.constant 8 : i32
            %broadcast_in_dim3A_260 = vector.broadcast %broadcast_in_dim3A_259 : i32 to vector<16xi32>
            tpu.vector_store_idx %arg11[%sub3A_211, %broadcast_in_dim3A_260], %gather3A_258 masked %and3A_184 : memref<96x128xf32, #tpu.memory_space<vmem>>[vector<16xi32>, vector<16xi32>], vector<16xf32>, vector<16xi1>
            %broadcast_in_dim3A_261 = arith.constant 9 : i32
            %broadcast_in_dim3A_262 = vector.broadcast %broadcast_in_dim3A_261 : i32 to vector<16xi32>
            %gather3A_263 = tpu.vector_load_idx %arg9[%broadcast_in_dim3A_262, %select_n3A_216] masked %and3A_184 : memref<32x768xf32, #tpu.memory_space<vmem>>[vector<16xi32>, vector<16xi32>], vector<16xf32>, vector<16xi1>
            %broadcast_in_dim3A_264 = arith.constant 9 : i32
            %broadcast_in_dim3A_265 = vector.broadcast %broadcast_in_dim3A_264 : i32 to vector<16xi32>
            tpu.vector_store_idx %arg11[%sub3A_211, %broadcast_in_dim3A_265], %gather3A_263 masked %and3A_184 : memref<96x128xf32, #tpu.memory_space<vmem>>[vector<16xi32>, vector<16xi32>], vector<16xf32>, vector<16xi1>
            %broadcast_in_dim3A_266 = arith.constant 10 : i32
            %broadcast_in_dim3A_267 = vector.broadcast %broadcast_in_dim3A_266 : i32 to vector<16xi32>
            %gather3A_268 = tpu.vector_load_idx %arg9[%broadcast_in_dim3A_267, %select_n3A_216] masked %and3A_184 : memref<32x768xf32, #tpu.memory_space<vmem>>[vector<16xi32>, vector<16xi32>], vector<16xf32>, vector<16xi1>
            %broadcast_in_dim3A_269 = arith.constant 10 : i32
            %broadcast_in_dim3A_270 = vector.broadcast %broadcast_in_dim3A_269 : i32 to vector<16xi32>
            tpu.vector_store_idx %arg11[%sub3A_211, %broadcast_in_dim3A_270], %gather3A_268 masked %and3A_184 : memref<96x128xf32, #tpu.memory_space<vmem>>[vector<16xi32>, vector<16xi32>], vector<16xf32>, vector<16xi1>
            %broadcast_in_dim3A_271 = arith.constant 11 : i32
            %broadcast_in_dim3A_272 = vector.broadcast %broadcast_in_dim3A_271 : i32 to vector<16xi32>
            %gather3A_273 = tpu.vector_load_idx %arg9[%broadcast_in_dim3A_272, %select_n3A_216] masked %and3A_184 : memref<32x768xf32, #tpu.memory_space<vmem>>[vector<16xi32>, vector<16xi32>], vector<16xf32>, vector<16xi1>
            %broadcast_in_dim3A_274 = arith.constant 11 : i32
            %broadcast_in_dim3A_275 = vector.broadcast %broadcast_in_dim3A_274 : i32 to vector<16xi32>
            tpu.vector_store_idx %arg11[%sub3A_211, %broadcast_in_dim3A_275], %gather3A_273 masked %and3A_184 : memref<96x128xf32, #tpu.memory_space<vmem>>[vector<16xi32>, vector<16xi32>], vector<16xf32>, vector<16xi1>
            %broadcast_in_dim3A_276 = arith.constant 12 : i32
            %broadcast_in_dim3A_277 = vector.broadcast %broadcast_in_dim3A_276 : i32 to vector<16xi32>
            %gather3A_278 = tpu.vector_load_idx %arg9[%broadcast_in_dim3A_277, %select_n3A_216] masked %and3A_184 : memref<32x768xf32, #tpu.memory_space<vmem>>[vector<16xi32>, vector<16xi32>], vector<16xf32>, vector<16xi1>
            %broadcast_in_dim3A_279 = arith.constant 12 : i32
            %broadcast_in_dim3A_280 = vector.broadcast %broadcast_in_dim3A_279 : i32 to vector<16xi32>
            tpu.vector_store_idx %arg11[%sub3A_211, %broadcast_in_dim3A_280], %gather3A_278 masked %and3A_184 : memref<96x128xf32, #tpu.memory_space<vmem>>[vector<16xi32>, vector<16xi32>], vector<16xf32>, vector<16xi1>
            %broadcast_in_dim3A_281 = arith.constant 13 : i32
            %broadcast_in_dim3A_282 = vector.broadcast %broadcast_in_dim3A_281 : i32 to vector<16xi32>
            %gather3A_283 = tpu.vector_load_idx %arg9[%broadcast_in_dim3A_282, %select_n3A_216] masked %and3A_184 : memref<32x768xf32, #tpu.memory_space<vmem>>[vector<16xi32>, vector<16xi32>], vector<16xf32>, vector<16xi1>
            %broadcast_in_dim3A_284 = arith.constant 13 : i32
            %broadcast_in_dim3A_285 = vector.broadcast %broadcast_in_dim3A_284 : i32 to vector<16xi32>
            tpu.vector_store_idx %arg11[%sub3A_211, %broadcast_in_dim3A_285], %gather3A_283 masked %and3A_184 : memref<96x128xf32, #tpu.memory_space<vmem>>[vector<16xi32>, vector<16xi32>], vector<16xf32>, vector<16xi1>
            %broadcast_in_dim3A_286 = arith.constant 14 : i32
            %broadcast_in_dim3A_287 = vector.broadcast %broadcast_in_dim3A_286 : i32 to vector<16xi32>
            %gather3A_288 = tpu.vector_load_idx %arg9[%broadcast_in_dim3A_287, %select_n3A_216] masked %and3A_184 : memref<32x768xf32, #tpu.memory_space<vmem>>[vector<16xi32>, vector<16xi32>], vector<16xf32>, vector<16xi1>
            %broadcast_in_dim3A_289 = arith.constant 14 : i32
            %broadcast_in_dim3A_290 = vector.broadcast %broadcast_in_dim3A_289 : i32 to vector<16xi32>
            tpu.vector_store_idx %arg11[%sub3A_211, %broadcast_in_dim3A_290], %gather3A_288 masked %and3A_184 : memref<96x128xf32, #tpu.memory_space<vmem>>[vector<16xi32>, vector<16xi32>], vector<16xf32>, vector<16xi1>
            %broadcast_in_dim3A_291 = arith.constant 15 : i32
            %broadcast_in_dim3A_292 = vector.broadcast %broadcast_in_dim3A_291 : i32 to vector<16xi32>
            %gather3A_293 = tpu.vector_load_idx %arg9[%broadcast_in_dim3A_292, %select_n3A_216] masked %and3A_184 : memref<32x768xf32, #tpu.memory_space<vmem>>[vector<16xi32>, vector<16xi32>], vector<16xf32>, vector<16xi1>
            %broadcast_in_dim3A_294 = arith.constant 15 : i32
            %broadcast_in_dim3A_295 = vector.broadcast %broadcast_in_dim3A_294 : i32 to vector<16xi32>
            tpu.vector_store_idx %arg11[%sub3A_211, %broadcast_in_dim3A_295], %gather3A_293 masked %and3A_184 : memref<96x128xf32, #tpu.memory_space<vmem>>[vector<16xi32>, vector<16xi32>], vector<16xf32>, vector<16xi1>
            %broadcast_in_dim3A_296 = arith.constant 16 : i32
            %broadcast_in_dim3A_297 = vector.broadcast %broadcast_in_dim3A_296 : i32 to vector<16xi32>
            %gather3A_298 = tpu.vector_load_idx %arg9[%broadcast_in_dim3A_297, %select_n3A_216] masked %and3A_184 : memref<32x768xf32, #tpu.memory_space<vmem>>[vector<16xi32>, vector<16xi32>], vector<16xf32>, vector<16xi1>
            %broadcast_in_dim3A_299 = arith.constant 16 : i32
            %broadcast_in_dim3A_300 = vector.broadcast %broadcast_in_dim3A_299 : i32 to vector<16xi32>
            tpu.vector_store_idx %arg11[%sub3A_211, %broadcast_in_dim3A_300], %gather3A_298 masked %and3A_184 : memref<96x128xf32, #tpu.memory_space<vmem>>[vector<16xi32>, vector<16xi32>], vector<16xf32>, vector<16xi1>
            %broadcast_in_dim3A_301 = arith.constant 17 : i32
            %broadcast_in_dim3A_302 = vector.broadcast %broadcast_in_dim3A_301 : i32 to vector<16xi32>
            %gather3A_303 = tpu.vector_load_idx %arg9[%broadcast_in_dim3A_302, %select_n3A_216] masked %and3A_184 : memref<32x768xf32, #tpu.memory_space<vmem>>[vector<16xi32>, vector<16xi32>], vector<16xf32>, vector<16xi1>
            %broadcast_in_dim3A_304 = arith.constant 17 : i32
            %broadcast_in_dim3A_305 = vector.broadcast %broadcast_in_dim3A_304 : i32 to vector<16xi32>
            tpu.vector_store_idx %arg11[%sub3A_211, %broadcast_in_dim3A_305], %gather3A_303 masked %and3A_184 : memref<96x128xf32, #tpu.memory_space<vmem>>[vector<16xi32>, vector<16xi32>], vector<16xf32>, vector<16xi1>
            %broadcast_in_dim3A_306 = arith.constant 18 : i32
            %broadcast_in_dim3A_307 = vector.broadcast %broadcast_in_dim3A_306 : i32 to vector<16xi32>
            %gather3A_308 = tpu.vector_load_idx %arg9[%broadcast_in_dim3A_307, %select_n3A_216] masked %and3A_184 : memref<32x768xf32, #tpu.memory_space<vmem>>[vector<16xi32>, vector<16xi32>], vector<16xf32>, vector<16xi1>
            %broadcast_in_dim3A_309 = arith.constant 18 : i32
            %broadcast_in_dim3A_310 = vector.broadcast %broadcast_in_dim3A_309 : i32 to vector<16xi32>
            tpu.vector_store_idx %arg11[%sub3A_211, %broadcast_in_dim3A_310], %gather3A_308 masked %and3A_184 : memref<96x128xf32, #tpu.memory_space<vmem>>[vector<16xi32>, vector<16xi32>], vector<16xf32>, vector<16xi1>
            %broadcast_in_dim3A_311 = arith.constant 19 : i32
            %broadcast_in_dim3A_312 = vector.broadcast %broadcast_in_dim3A_311 : i32 to vector<16xi32>
            %gather3A_313 = tpu.vector_load_idx %arg9[%broadcast_in_dim3A_312, %select_n3A_216] masked %and3A_184 : memref<32x768xf32, #tpu.memory_space<vmem>>[vector<16xi32>, vector<16xi32>], vector<16xf32>, vector<16xi1>
            %broadcast_in_dim3A_314 = arith.constant 19 : i32
            %broadcast_in_dim3A_315 = vector.broadcast %broadcast_in_dim3A_314 : i32 to vector<16xi32>
            tpu.vector_store_idx %arg11[%sub3A_211, %broadcast_in_dim3A_315], %gather3A_313 masked %and3A_184 : memref<96x128xf32, #tpu.memory_space<vmem>>[vector<16xi32>, vector<16xi32>], vector<16xf32>, vector<16xi1>
            %broadcast_in_dim3A_316 = arith.constant 20 : i32
            %broadcast_in_dim3A_317 = vector.broadcast %broadcast_in_dim3A_316 : i32 to vector<16xi32>
            %gather3A_318 = tpu.vector_load_idx %arg9[%broadcast_in_dim3A_317, %select_n3A_216] masked %and3A_184 : memref<32x768xf32, #tpu.memory_space<vmem>>[vector<16xi32>, vector<16xi32>], vector<16xf32>, vector<16xi1>
            %broadcast_in_dim3A_319 = arith.constant 20 : i32
            %broadcast_in_dim3A_320 = vector.broadcast %broadcast_in_dim3A_319 : i32 to vector<16xi32>
            tpu.vector_store_idx %arg11[%sub3A_211, %broadcast_in_dim3A_320], %gather3A_318 masked %and3A_184 : memref<96x128xf32, #tpu.memory_space<vmem>>[vector<16xi32>, vector<16xi32>], vector<16xf32>, vector<16xi1>
            %broadcast_in_dim3A_321 = arith.constant 21 : i32
            %broadcast_in_dim3A_322 = vector.broadcast %broadcast_in_dim3A_321 : i32 to vector<16xi32>
            %gather3A_323 = tpu.vector_load_idx %arg9[%broadcast_in_dim3A_322, %select_n3A_216] masked %and3A_184 : memref<32x768xf32, #tpu.memory_space<vmem>>[vector<16xi32>, vector<16xi32>], vector<16xf32>, vector<16xi1>
            %broadcast_in_dim3A_324 = arith.constant 21 : i32
            %broadcast_in_dim3A_325 = vector.broadcast %broadcast_in_dim3A_324 : i32 to vector<16xi32>
            tpu.vector_store_idx %arg11[%sub3A_211, %broadcast_in_dim3A_325], %gather3A_323 masked %and3A_184 : memref<96x128xf32, #tpu.memory_space<vmem>>[vector<16xi32>, vector<16xi32>], vector<16xf32>, vector<16xi1>
            %broadcast_in_dim3A_326 = arith.constant 22 : i32
            %broadcast_in_dim3A_327 = vector.broadcast %broadcast_in_dim3A_326 : i32 to vector<16xi32>
            %gather3A_328 = tpu.vector_load_idx %arg9[%broadcast_in_dim3A_327, %select_n3A_216] masked %and3A_184 : memref<32x768xf32, #tpu.memory_space<vmem>>[vector<16xi32>, vector<16xi32>], vector<16xf32>, vector<16xi1>
            %broadcast_in_dim3A_329 = arith.constant 22 : i32
            %broadcast_in_dim3A_330 = vector.broadcast %broadcast_in_dim3A_329 : i32 to vector<16xi32>
            tpu.vector_store_idx %arg11[%sub3A_211, %broadcast_in_dim3A_330], %gather3A_328 masked %and3A_184 : memref<96x128xf32, #tpu.memory_space<vmem>>[vector<16xi32>, vector<16xi32>], vector<16xf32>, vector<16xi1>
            %broadcast_in_dim3A_331 = arith.constant 23 : i32
            %broadcast_in_dim3A_332 = vector.broadcast %broadcast_in_dim3A_331 : i32 to vector<16xi32>
            %gather3A_333 = tpu.vector_load_idx %arg9[%broadcast_in_dim3A_332, %select_n3A_216] masked %and3A_184 : memref<32x768xf32, #tpu.memory_space<vmem>>[vector<16xi32>, vector<16xi32>], vector<16xf32>, vector<16xi1>
            %broadcast_in_dim3A_334 = arith.constant 23 : i32
            %broadcast_in_dim3A_335 = vector.broadcast %broadcast_in_dim3A_334 : i32 to vector<16xi32>
            tpu.vector_store_idx %arg11[%sub3A_211, %broadcast_in_dim3A_335], %gather3A_333 masked %and3A_184 : memref<96x128xf32, #tpu.memory_space<vmem>>[vector<16xi32>, vector<16xi32>], vector<16xf32>, vector<16xi1>
            %broadcast_in_dim3A_336 = arith.constant 24 : i32
            %broadcast_in_dim3A_337 = vector.broadcast %broadcast_in_dim3A_336 : i32 to vector<16xi32>
            %gather3A_338 = tpu.vector_load_idx %arg9[%broadcast_in_dim3A_337, %select_n3A_216] masked %and3A_184 : memref<32x768xf32, #tpu.memory_space<vmem>>[vector<16xi32>, vector<16xi32>], vector<16xf32>, vector<16xi1>
            %broadcast_in_dim3A_339 = arith.constant 24 : i32
            %broadcast_in_dim3A_340 = vector.broadcast %broadcast_in_dim3A_339 : i32 to vector<16xi32>
            tpu.vector_store_idx %arg11[%sub3A_211, %broadcast_in_dim3A_340], %gather3A_338 masked %and3A_184 : memref<96x128xf32, #tpu.memory_space<vmem>>[vector<16xi32>, vector<16xi32>], vector<16xf32>, vector<16xi1>
            %broadcast_in_dim3A_341 = arith.constant 25 : i32
            %broadcast_in_dim3A_342 = vector.broadcast %broadcast_in_dim3A_341 : i32 to vector<16xi32>
            %gather3A_343 = tpu.vector_load_idx %arg9[%broadcast_in_dim3A_342, %select_n3A_216] masked %and3A_184 : memref<32x768xf32, #tpu.memory_space<vmem>>[vector<16xi32>, vector<16xi32>], vector<16xf32>, vector<16xi1>
            %broadcast_in_dim3A_344 = arith.constant 25 : i32
            %broadcast_in_dim3A_345 = vector.broadcast %broadcast_in_dim3A_344 : i32 to vector<16xi32>
            tpu.vector_store_idx %arg11[%sub3A_211, %broadcast_in_dim3A_345], %gather3A_343 masked %and3A_184 : memref<96x128xf32, #tpu.memory_space<vmem>>[vector<16xi32>, vector<16xi32>], vector<16xf32>, vector<16xi1>
            %broadcast_in_dim3A_346 = arith.constant 26 : i32
            %broadcast_in_dim3A_347 = vector.broadcast %broadcast_in_dim3A_346 : i32 to vector<16xi32>
            %gather3A_348 = tpu.vector_load_idx %arg9[%broadcast_in_dim3A_347, %select_n3A_216] masked %and3A_184 : memref<32x768xf32, #tpu.memory_space<vmem>>[vector<16xi32>, vector<16xi32>], vector<16xf32>, vector<16xi1>
            %broadcast_in_dim3A_349 = arith.constant 26 : i32
            %broadcast_in_dim3A_350 = vector.broadcast %broadcast_in_dim3A_349 : i32 to vector<16xi32>
            tpu.vector_store_idx %arg11[%sub3A_211, %broadcast_in_dim3A_350], %gather3A_348 masked %and3A_184 : memref<96x128xf32, #tpu.memory_space<vmem>>[vector<16xi32>, vector<16xi32>], vector<16xf32>, vector<16xi1>
            %broadcast_in_dim3A_351 = arith.constant 27 : i32
            %broadcast_in_dim3A_352 = vector.broadcast %broadcast_in_dim3A_351 : i32 to vector<16xi32>
            %gather3A_353 = tpu.vector_load_idx %arg9[%broadcast_in_dim3A_352, %select_n3A_216] masked %and3A_184 : memref<32x768xf32, #tpu.memory_space<vmem>>[vector<16xi32>, vector<16xi32>], vector<16xf32>, vector<16xi1>
            %broadcast_in_dim3A_354 = arith.constant 27 : i32
            %broadcast_in_dim3A_355 = vector.broadcast %broadcast_in_dim3A_354 : i32 to vector<16xi32>
            tpu.vector_store_idx %arg11[%sub3A_211, %broadcast_in_dim3A_355], %gather3A_353 masked %and3A_184 : memref<96x128xf32, #tpu.memory_space<vmem>>[vector<16xi32>, vector<16xi32>], vector<16xf32>, vector<16xi1>
            %broadcast_in_dim3A_356 = arith.constant 28 : i32
            %broadcast_in_dim3A_357 = vector.broadcast %broadcast_in_dim3A_356 : i32 to vector<16xi32>
            %gather3A_358 = tpu.vector_load_idx %arg9[%broadcast_in_dim3A_357, %select_n3A_216] masked %and3A_184 : memref<32x768xf32, #tpu.memory_space<vmem>>[vector<16xi32>, vector<16xi32>], vector<16xf32>, vector<16xi1>
            %broadcast_in_dim3A_359 = arith.constant 28 : i32
            %broadcast_in_dim3A_360 = vector.broadcast %broadcast_in_dim3A_359 : i32 to vector<16xi32>
            tpu.vector_store_idx %arg11[%sub3A_211, %broadcast_in_dim3A_360], %gather3A_358 masked %and3A_184 : memref<96x128xf32, #tpu.memory_space<vmem>>[vector<16xi32>, vector<16xi32>], vector<16xf32>, vector<16xi1>
            %broadcast_in_dim3A_361 = arith.constant 29 : i32
            %broadcast_in_dim3A_362 = vector.broadcast %broadcast_in_dim3A_361 : i32 to vector<16xi32>
            %gather3A_363 = tpu.vector_load_idx %arg9[%broadcast_in_dim3A_362, %select_n3A_216] masked %and3A_184 : memref<32x768xf32, #tpu.memory_space<vmem>>[vector<16xi32>, vector<16xi32>], vector<16xf32>, vector<16xi1>
            %broadcast_in_dim3A_364 = arith.constant 29 : i32
            %broadcast_in_dim3A_365 = vector.broadcast %broadcast_in_dim3A_364 : i32 to vector<16xi32>
            tpu.vector_store_idx %arg11[%sub3A_211, %broadcast_in_dim3A_365], %gather3A_363 masked %and3A_184 : memref<96x128xf32, #tpu.memory_space<vmem>>[vector<16xi32>, vector<16xi32>], vector<16xf32>, vector<16xi1>
            %broadcast_in_dim3A_366 = arith.constant 30 : i32
            %broadcast_in_dim3A_367 = vector.broadcast %broadcast_in_dim3A_366 : i32 to vector<16xi32>
            %gather3A_368 = tpu.vector_load_idx %arg9[%broadcast_in_dim3A_367, %select_n3A_216] masked %and3A_184 : memref<32x768xf32, #tpu.memory_space<vmem>>[vector<16xi32>, vector<16xi32>], vector<16xf32>, vector<16xi1>
            %broadcast_in_dim3A_369 = arith.constant 30 : i32
            %broadcast_in_dim3A_370 = vector.broadcast %broadcast_in_dim3A_369 : i32 to vector<16xi32>
            tpu.vector_store_idx %arg11[%sub3A_211, %broadcast_in_dim3A_370], %gather3A_368 masked %and3A_184 : memref<96x128xf32, #tpu.memory_space<vmem>>[vector<16xi32>, vector<16xi32>], vector<16xf32>, vector<16xi1>
            %broadcast_in_dim3A_371 = arith.constant 31 : i32
            %broadcast_in_dim3A_372 = vector.broadcast %broadcast_in_dim3A_371 : i32 to vector<16xi32>
            %gather3A_373 = tpu.vector_load_idx %arg9[%broadcast_in_dim3A_372, %select_n3A_216] masked %and3A_184 : memref<32x768xf32, #tpu.memory_space<vmem>>[vector<16xi32>, vector<16xi32>], vector<16xf32>, vector<16xi1>
            %broadcast_in_dim3A_374 = arith.constant 31 : i32
            %broadcast_in_dim3A_375 = vector.broadcast %broadcast_in_dim3A_374 : i32 to vector<16xi32>
            tpu.vector_store_idx %arg11[%sub3A_211, %broadcast_in_dim3A_375], %gather3A_373 masked %and3A_184 : memref<96x128xf32, #tpu.memory_space<vmem>>[vector<16xi32>, vector<16xi32>], vector<16xf32>, vector<16xi1>
            tpu.vector_store_idx %arg12[%sub3A_211], %get3A_199 masked %and3A_184 : memref<96xi32, #tpu.memory_space<vmem>>[vector<16xi32>], vector<16xi32>, vector<16xi1>
          } else {
          }
          %add3A_189 = arith.addi %while3A_175, %squeeze3A : i32
          %ge3A_190 = arith.constant 80 : i32
          %ge3A_191 = arith.cmpi sge, %add3A_189, %ge3A_190 : i32
          %convert_element_type3A_192 = arith.extui %ge3A_191 : i1 to i32
          %cond3A_193 = arith.constant 0 : i32
          %cond3A_194 = arith.cmpi ne, %convert_element_type3A_192, %cond3A_193 : i32
          %cond3A_195 = scf.if %cond3A_194 -> (i32) {
            %dma_start3A_196 = arith.constant 0 : i32
            %dma_start3A_197 = arith.constant 0 : i32
            %dma_start3A_198 = tpu.memref_slice %arg4[%dma_start3A_196, %dma_start3A_197] : memref<18432x128xf32, #tpu.memory_space<hbm>> -> memref<18432x128xf32, #tpu.memory_space<hbm>>
            tpu.enqueue_indirect_dma source(%arg11 : memref<96x128xf32, #tpu.memory_space<vmem>>) target(%dma_start3A_198 : memref<18432x128xf32, #tpu.memory_space<hbm>>) offsets(%arg12 : memref<96xi32, #tpu.memory_space<vmem>>) semaphore(%arg15 : memref<!tpu.dma_semaphore, #tpu.memory_space<semaphore_mem>>)
            %dma_wait3A_199 = arith.constant 0 : i32
            %dma_wait3A_200 = arith.constant 0 : i32
            %dma_wait3A_201 = tpu.memref_slice %arg4[%dma_wait3A_199, %dma_wait3A_200] : memref<18432x128xf32, #tpu.memory_space<hbm>> -> memref<18432x128xf32, #tpu.memory_space<hbm>>
            tpu.wait_indirect_dma semaphore(%arg15 : memref<!tpu.dma_semaphore, #tpu.memory_space<semaphore_mem>>) src(%arg11 : memref<96x128xf32, #tpu.memory_space<vmem>>) dst(%dma_wait3A_201 : memref<18432x128xf32, #tpu.memory_space<hbm>>)
            %broadcast_in_dim3A_202 = arith.constant 16384 : i32
            %broadcast_in_dim3A_203 = vector.broadcast %broadcast_in_dim3A_202 : i32 to vector<16xi32>
            %swap3A_204 = arith.constant 0 : index
            %swap3A_205 = tpu.vector_load %arg12[%swap3A_204] {strides = array<i32>} : memref<96xi32, #tpu.memory_space<vmem>>, vector<16xi32>,
            tpu.vector_store %arg12[%swap3A_204], %broadcast_in_dim3A_203 {strides = array<i32>} : memref<96xi32, #tpu.memory_space<vmem>>, vector<16xi32>,
            %broadcast_in_dim3A_206 = arith.constant 16384 : i32
            %broadcast_in_dim3A_207 = vector.broadcast %broadcast_in_dim3A_206 : i32 to vector<16xi32>
            %swap3A_208 = arith.constant 16 : index
            %swap3A_209 = tpu.vector_load %arg12[%swap3A_208] {strides = array<i32>} : memref<96xi32, #tpu.memory_space<vmem>>, vector<16xi32>,
            tpu.vector_store %arg12[%swap3A_208], %broadcast_in_dim3A_207 {strides = array<i32>} : memref<96xi32, #tpu.memory_space<vmem>>, vector<16xi32>,
            %broadcast_in_dim3A_210 = arith.constant 16384 : i32
            %broadcast_in_dim3A_211 = vector.broadcast %broadcast_in_dim3A_210 : i32 to vector<16xi32>
            %swap3A_212 = arith.constant 32 : index
            %swap3A_213 = tpu.vector_load %arg12[%swap3A_212] {strides = array<i32>} : memref<96xi32, #tpu.memory_space<vmem>>, vector<16xi32>,
            tpu.vector_store %arg12[%swap3A_212], %broadcast_in_dim3A_211 {strides = array<i32>} : memref<96xi32, #tpu.memory_space<vmem>>, vector<16xi32>,
            %broadcast_in_dim3A_214 = arith.constant 16384 : i32
            %broadcast_in_dim3A_215 = vector.broadcast %broadcast_in_dim3A_214 : i32 to vector<16xi32>
            %swap3A_216 = arith.constant 48 : index
            %swap3A_217 = tpu.vector_load %arg12[%swap3A_216] {strides = array<i32>} : memref<96xi32, #tpu.memory_space<vmem>>, vector<16xi32>,
            tpu.vector_store %arg12[%swap3A_216], %broadcast_in_dim3A_215 {strides = array<i32>} : memref<96xi32, #tpu.memory_space<vmem>>, vector<16xi32>,
            %broadcast_in_dim3A_218 = arith.constant 16384 : i32
            %broadcast_in_dim3A_219 = vector.broadcast %broadcast_in_dim3A_218 : i32 to vector<16xi32>
            %swap3A_220 = arith.constant 64 : index
            %swap3A_221 = tpu.vector_load %arg12[%swap3A_220] {strides = array<i32>} : memref<96xi32, #tpu.memory_space<vmem>>, vector<16xi32>,
            tpu.vector_store %arg12[%swap3A_220], %broadcast_in_dim3A_219 {strides = array<i32>} : memref<96xi32, #tpu.memory_space<vmem>>, vector<16xi32>,
            %broadcast_in_dim3A_222 = arith.constant 16384 : i32
            %broadcast_in_dim3A_223 = vector.broadcast %broadcast_in_dim3A_222 : i32 to vector<16xi32>
            %swap3A_224 = arith.constant 80 : index
            %swap3A_225 = tpu.vector_load %arg12[%swap3A_224] {strides = array<i32>} : memref<96xi32, #tpu.memory_space<vmem>>, vector<16xi32>,
            tpu.vector_store %arg12[%swap3A_224], %broadcast_in_dim3A_223 {strides = array<i32>} : memref<96xi32, #tpu.memory_space<vmem>>, vector<16xi32>,
            %cond3A_226 = arith.constant 0 : i32
            scf.yield %cond3A_226 : i32
          } else {
            scf.yield %add3A_189 : i32
          }
          scf.yield %cond3A_195 : i32
        }
        %while3A_166 = arith.constant 1 : i32
        %while3A_167 = scf.for %while3A_174 = %while3A_163 to %while3A_159 step %while3A_166 iter_args(%while3A_175 = %while3A_165) -> (i32)  : i32 {
          %mul3A_176 = arith.constant 16 : i32
          %mul3A_177 = arith.muli %while3A_174, %mul3A_176 : i32
          %get3A = arith.index_cast %mul3A_177 : i32 to index
          %get3A_178 = tpu.vector_load %arg7[%get3A] {strides = array<i32>} : memref<16400xi32, #tpu.memory_space<vmem>>, vector<16xi32>,
          %ge3A = vector.broadcast %mul3A_157 : i32 to vector<16xi32>
          %ge3A_179 = arith.cmpi sge, %get3A_178, %ge3A : vector<16xi32>
          %add3A_180 = arith.constant 768 : i32
          %add3A_181 = arith.addi %mul3A_157, %add3A_180 : i32
          %lt3A_182 = vector.broadcast %add3A_181 : i32 to vector<16xi32>
          %lt3A_183 = arith.cmpi slt, %get3A_178, %lt3A_182 : vector<16xi32>
          %and3A_184 = arith.andi %ge3A_179, %lt3A_183 : vector<16xi1>
          %all_reduce_population_count3A = tpu.all_reduce %and3A_184 {dim = 0 : i64, kind = #tpu.reduction_kind<sum>} : vector<16xi1> -> vector<16xi32>
          %slice3A = vector.extract_strided_slice %all_reduce_population_count3A {offsets = [0], sizes = [1], strides = [1]} : vector<16xi32> to vector<1xi32>
          %squeeze3A = vector.extract %slice3A[0] : i32 from vector<1xi32>
          %gt3A = arith.constant 0 : i32
          %gt3A_185 = arith.cmpi sgt, %squeeze3A, %gt3A : i32
          %convert_element_type3A_186 = arith.extui %gt3A_185 : i1 to i32
          %cond3A_187 = arith.constant 0 : i32
          %cond3A_188 = arith.cmpi ne, %convert_element_type3A_186, %cond3A_187 : i32
          scf.if %cond3A_188 {
            %mul3A_196 = arith.constant 16 : i32
            %mul3A_197 = arith.muli %while3A_174, %mul3A_196 : i32
            %get3A_198 = arith.index_cast %mul3A_197 : i32 to index
            %get3A_199 = tpu.vector_load %arg6[%get3A_198] {strides = array<i32>} : memref<16400xi32, #tpu.memory_space<vmem>>, vector<16xi32>,
            %jit3A_200 = arith.constant 1 : i32
            %jit3A_201 = arith.constant 0 : i32
            %broadcast_in_dim3A_202 = vector.broadcast %jit3A_200 : i32 to vector<16xi32>
            %broadcast_in_dim3A_203 = vector.broadcast %jit3A_201 : i32 to vector<16xi32>
            %select_n3A_204 = arith.select %and3A_184, %broadcast_in_dim3A_202, %broadcast_in_dim3A_203 : vector<16xi1>, vector<16xi32>
            %broadcast_in_dim3A_205 = arith.constant true
            %broadcast_in_dim3A_206 = vector.broadcast %broadcast_in_dim3A_205 : i1 to vector<16xi1>
            %masked_cumsum3A = tpu.scan <sum>, %select_n3A_204 masked %broadcast_in_dim3A_206 : vector<16xi32>, vector<16xi1> -> vector<16xi32>
            %add3A_207 = vector.broadcast %while3A_175 : i32 to vector<16xi32>
            %add3A_208 = arith.addi %add3A_207, %masked_cumsum3A : vector<16xi32>
            %sub3A_209 = arith.constant 1 : i32
            %sub3A_210 = vector.broadcast %sub3A_209 : i32 to vector<16xi32>
            %sub3A_211 = arith.subi %add3A_208, %sub3A_210 : vector<16xi32>
            %sub3A_212 = vector.broadcast %mul3A_157 : i32 to vector<16xi32>
            %sub3A_213 = arith.subi %get3A_178, %sub3A_212 : vector<16xi32>
            %jit3A_214 = arith.constant 0 : i32
            %broadcast_in_dim3A_215 = vector.broadcast %jit3A_214 : i32 to vector<16xi32>
            %select_n3A_216 = arith.select %and3A_184, %sub3A_213, %broadcast_in_dim3A_215 : vector<16xi1>, vector<16xi32>
            %broadcast_in_dim3A_217 = arith.constant 0 : i32
            %broadcast_in_dim3A_218 = vector.broadcast %broadcast_in_dim3A_217 : i32 to vector<16xi32>
            %gather3A = tpu.vector_load_idx %arg9[%broadcast_in_dim3A_218, %select_n3A_216] masked %and3A_184 : memref<32x768xf32, #tpu.memory_space<vmem>>[vector<16xi32>, vector<16xi32>], vector<16xf32>, vector<16xi1>
            %broadcast_in_dim3A_219 = arith.constant 0 : i32
            %broadcast_in_dim3A_220 = vector.broadcast %broadcast_in_dim3A_219 : i32 to vector<16xi32>
            tpu.vector_store_idx %arg11[%sub3A_211, %broadcast_in_dim3A_220], %gather3A masked %and3A_184 : memref<96x128xf32, #tpu.memory_space<vmem>>[vector<16xi32>, vector<16xi32>], vector<16xf32>, vector<16xi1>
            %broadcast_in_dim3A_221 = arith.constant 1 : i32
            %broadcast_in_dim3A_222 = vector.broadcast %broadcast_in_dim3A_221 : i32 to vector<16xi32>
            %gather3A_223 = tpu.vector_load_idx %arg9[%broadcast_in_dim3A_222, %select_n3A_216] masked %and3A_184 : memref<32x768xf32, #tpu.memory_space<vmem>>[vector<16xi32>, vector<16xi32>], vector<16xf32>, vector<16xi1>
            %broadcast_in_dim3A_224 = arith.constant 1 : i32
            %broadcast_in_dim3A_225 = vector.broadcast %broadcast_in_dim3A_224 : i32 to vector<16xi32>
            tpu.vector_store_idx %arg11[%sub3A_211, %broadcast_in_dim3A_225], %gather3A_223 masked %and3A_184 : memref<96x128xf32, #tpu.memory_space<vmem>>[vector<16xi32>, vector<16xi32>], vector<16xf32>, vector<16xi1>
            %broadcast_in_dim3A_226 = arith.constant 2 : i32
            %broadcast_in_dim3A_227 = vector.broadcast %broadcast_in_dim3A_226 : i32 to vector<16xi32>
            %gather3A_228 = tpu.vector_load_idx %arg9[%broadcast_in_dim3A_227, %select_n3A_216] masked %and3A_184 : memref<32x768xf32, #tpu.memory_space<vmem>>[vector<16xi32>, vector<16xi32>], vector<16xf32>, vector<16xi1>
            %broadcast_in_dim3A_229 = arith.constant 2 : i32
            %broadcast_in_dim3A_230 = vector.broadcast %broadcast_in_dim3A_229 : i32 to vector<16xi32>
            tpu.vector_store_idx %arg11[%sub3A_211, %broadcast_in_dim3A_230], %gather3A_228 masked %and3A_184 : memref<96x128xf32, #tpu.memory_space<vmem>>[vector<16xi32>, vector<16xi32>], vector<16xf32>, vector<16xi1>
            %broadcast_in_dim3A_231 = arith.constant 3 : i32
            %broadcast_in_dim3A_232 = vector.broadcast %broadcast_in_dim3A_231 : i32 to vector<16xi32>
            %gather3A_233 = tpu.vector_load_idx %arg9[%broadcast_in_dim3A_232, %select_n3A_216] masked %and3A_184 : memref<32x768xf32, #tpu.memory_space<vmem>>[vector<16xi32>, vector<16xi32>], vector<16xf32>, vector<16xi1>
            %broadcast_in_dim3A_234 = arith.constant 3 : i32
            %broadcast_in_dim3A_235 = vector.broadcast %broadcast_in_dim3A_234 : i32 to vector<16xi32>
            tpu.vector_store_idx %arg11[%sub3A_211, %broadcast_in_dim3A_235], %gather3A_233 masked %and3A_184 : memref<96x128xf32, #tpu.memory_space<vmem>>[vector<16xi32>, vector<16xi32>], vector<16xf32>, vector<16xi1>
            %broadcast_in_dim3A_236 = arith.constant 4 : i32
            %broadcast_in_dim3A_237 = vector.broadcast %broadcast_in_dim3A_236 : i32 to vector<16xi32>
            %gather3A_238 = tpu.vector_load_idx %arg9[%broadcast_in_dim3A_237, %select_n3A_216] masked %and3A_184 : memref<32x768xf32, #tpu.memory_space<vmem>>[vector<16xi32>, vector<16xi32>], vector<16xf32>, vector<16xi1>
            %broadcast_in_dim3A_239 = arith.constant 4 : i32
            %broadcast_in_dim3A_240 = vector.broadcast %broadcast_in_dim3A_239 : i32 to vector<16xi32>
            tpu.vector_store_idx %arg11[%sub3A_211, %broadcast_in_dim3A_240], %gather3A_238 masked %and3A_184 : memref<96x128xf32, #tpu.memory_space<vmem>>[vector<16xi32>, vector<16xi32>], vector<16xf32>, vector<16xi1>
            %broadcast_in_dim3A_241 = arith.constant 5 : i32
            %broadcast_in_dim3A_242 = vector.broadcast %broadcast_in_dim3A_241 : i32 to vector<16xi32>
            %gather3A_243 = tpu.vector_load_idx %arg9[%broadcast_in_dim3A_242, %select_n3A_216] masked %and3A_184 : memref<32x768xf32, #tpu.memory_space<vmem>>[vector<16xi32>, vector<16xi32>], vector<16xf32>, vector<16xi1>
            %broadcast_in_dim3A_244 = arith.constant 5 : i32
            %broadcast_in_dim3A_245 = vector.broadcast %broadcast_in_dim3A_244 : i32 to vector<16xi32>
            tpu.vector_store_idx %arg11[%sub3A_211, %broadcast_in_dim3A_245], %gather3A_243 masked %and3A_184 : memref<96x128xf32, #tpu.memory_space<vmem>>[vector<16xi32>, vector<16xi32>], vector<16xf32>, vector<16xi1>
            %broadcast_in_dim3A_246 = arith.constant 6 : i32
            %broadcast_in_dim3A_247 = vector.broadcast %broadcast_in_dim3A_246 : i32 to vector<16xi32>
            %gather3A_248 = tpu.vector_load_idx %arg9[%broadcast_in_dim3A_247, %select_n3A_216] masked %and3A_184 : memref<32x768xf32, #tpu.memory_space<vmem>>[vector<16xi32>, vector<16xi32>], vector<16xf32>, vector<16xi1>
            %broadcast_in_dim3A_249 = arith.constant 6 : i32
            %broadcast_in_dim3A_250 = vector.broadcast %broadcast_in_dim3A_249 : i32 to vector<16xi32>
            tpu.vector_store_idx %arg11[%sub3A_211, %broadcast_in_dim3A_250], %gather3A_248 masked %and3A_184 : memref<96x128xf32, #tpu.memory_space<vmem>>[vector<16xi32>, vector<16xi32>], vector<16xf32>, vector<16xi1>
            %broadcast_in_dim3A_251 = arith.constant 7 : i32
            %broadcast_in_dim3A_252 = vector.broadcast %broadcast_in_dim3A_251 : i32 to vector<16xi32>
            %gather3A_253 = tpu.vector_load_idx %arg9[%broadcast_in_dim3A_252, %select_n3A_216] masked %and3A_184 : memref<32x768xf32, #tpu.memory_space<vmem>>[vector<16xi32>, vector<16xi32>], vector<16xf32>, vector<16xi1>
            %broadcast_in_dim3A_254 = arith.constant 7 : i32
            %broadcast_in_dim3A_255 = vector.broadcast %broadcast_in_dim3A_254 : i32 to vector<16xi32>
            tpu.vector_store_idx %arg11[%sub3A_211, %broadcast_in_dim3A_255], %gather3A_253 masked %and3A_184 : memref<96x128xf32, #tpu.memory_space<vmem>>[vector<16xi32>, vector<16xi32>], vector<16xf32>, vector<16xi1>
            %broadcast_in_dim3A_256 = arith.constant 8 : i32
            %broadcast_in_dim3A_257 = vector.broadcast %broadcast_in_dim3A_256 : i32 to vector<16xi32>
            %gather3A_258 = tpu.vector_load_idx %arg9[%broadcast_in_dim3A_257, %select_n3A_216] masked %and3A_184 : memref<32x768xf32, #tpu.memory_space<vmem>>[vector<16xi32>, vector<16xi32>], vector<16xf32>, vector<16xi1>
            %broadcast_in_dim3A_259 = arith.constant 8 : i32
            %broadcast_in_dim3A_260 = vector.broadcast %broadcast_in_dim3A_259 : i32 to vector<16xi32>
            tpu.vector_store_idx %arg11[%sub3A_211, %broadcast_in_dim3A_260], %gather3A_258 masked %and3A_184 : memref<96x128xf32, #tpu.memory_space<vmem>>[vector<16xi32>, vector<16xi32>], vector<16xf32>, vector<16xi1>
            %broadcast_in_dim3A_261 = arith.constant 9 : i32
            %broadcast_in_dim3A_262 = vector.broadcast %broadcast_in_dim3A_261 : i32 to vector<16xi32>
            %gather3A_263 = tpu.vector_load_idx %arg9[%broadcast_in_dim3A_262, %select_n3A_216] masked %and3A_184 : memref<32x768xf32, #tpu.memory_space<vmem>>[vector<16xi32>, vector<16xi32>], vector<16xf32>, vector<16xi1>
            %broadcast_in_dim3A_264 = arith.constant 9 : i32
            %broadcast_in_dim3A_265 = vector.broadcast %broadcast_in_dim3A_264 : i32 to vector<16xi32>
            tpu.vector_store_idx %arg11[%sub3A_211, %broadcast_in_dim3A_265], %gather3A_263 masked %and3A_184 : memref<96x128xf32, #tpu.memory_space<vmem>>[vector<16xi32>, vector<16xi32>], vector<16xf32>, vector<16xi1>
            %broadcast_in_dim3A_266 = arith.constant 10 : i32
            %broadcast_in_dim3A_267 = vector.broadcast %broadcast_in_dim3A_266 : i32 to vector<16xi32>
            %gather3A_268 = tpu.vector_load_idx %arg9[%broadcast_in_dim3A_267, %select_n3A_216] masked %and3A_184 : memref<32x768xf32, #tpu.memory_space<vmem>>[vector<16xi32>, vector<16xi32>], vector<16xf32>, vector<16xi1>
            %broadcast_in_dim3A_269 = arith.constant 10 : i32
            %broadcast_in_dim3A_270 = vector.broadcast %broadcast_in_dim3A_269 : i32 to vector<16xi32>
            tpu.vector_store_idx %arg11[%sub3A_211, %broadcast_in_dim3A_270], %gather3A_268 masked %and3A_184 : memref<96x128xf32, #tpu.memory_space<vmem>>[vector<16xi32>, vector<16xi32>], vector<16xf32>, vector<16xi1>
            %broadcast_in_dim3A_271 = arith.constant 11 : i32
            %broadcast_in_dim3A_272 = vector.broadcast %broadcast_in_dim3A_271 : i32 to vector<16xi32>
            %gather3A_273 = tpu.vector_load_idx %arg9[%broadcast_in_dim3A_272, %select_n3A_216] masked %and3A_184 : memref<32x768xf32, #tpu.memory_space<vmem>>[vector<16xi32>, vector<16xi32>], vector<16xf32>, vector<16xi1>
            %broadcast_in_dim3A_274 = arith.constant 11 : i32
            %broadcast_in_dim3A_275 = vector.broadcast %broadcast_in_dim3A_274 : i32 to vector<16xi32>
            tpu.vector_store_idx %arg11[%sub3A_211, %broadcast_in_dim3A_275], %gather3A_273 masked %and3A_184 : memref<96x128xf32, #tpu.memory_space<vmem>>[vector<16xi32>, vector<16xi32>], vector<16xf32>, vector<16xi1>
            %broadcast_in_dim3A_276 = arith.constant 12 : i32
            %broadcast_in_dim3A_277 = vector.broadcast %broadcast_in_dim3A_276 : i32 to vector<16xi32>
            %gather3A_278 = tpu.vector_load_idx %arg9[%broadcast_in_dim3A_277, %select_n3A_216] masked %and3A_184 : memref<32x768xf32, #tpu.memory_space<vmem>>[vector<16xi32>, vector<16xi32>], vector<16xf32>, vector<16xi1>
            %broadcast_in_dim3A_279 = arith.constant 12 : i32
            %broadcast_in_dim3A_280 = vector.broadcast %broadcast_in_dim3A_279 : i32 to vector<16xi32>
            tpu.vector_store_idx %arg11[%sub3A_211, %broadcast_in_dim3A_280], %gather3A_278 masked %and3A_184 : memref<96x128xf32, #tpu.memory_space<vmem>>[vector<16xi32>, vector<16xi32>], vector<16xf32>, vector<16xi1>
            %broadcast_in_dim3A_281 = arith.constant 13 : i32
            %broadcast_in_dim3A_282 = vector.broadcast %broadcast_in_dim3A_281 : i32 to vector<16xi32>
            %gather3A_283 = tpu.vector_load_idx %arg9[%broadcast_in_dim3A_282, %select_n3A_216] masked %and3A_184 : memref<32x768xf32, #tpu.memory_space<vmem>>[vector<16xi32>, vector<16xi32>], vector<16xf32>, vector<16xi1>
            %broadcast_in_dim3A_284 = arith.constant 13 : i32
            %broadcast_in_dim3A_285 = vector.broadcast %broadcast_in_dim3A_284 : i32 to vector<16xi32>
            tpu.vector_store_idx %arg11[%sub3A_211, %broadcast_in_dim3A_285], %gather3A_283 masked %and3A_184 : memref<96x128xf32, #tpu.memory_space<vmem>>[vector<16xi32>, vector<16xi32>], vector<16xf32>, vector<16xi1>
            %broadcast_in_dim3A_286 = arith.constant 14 : i32
            %broadcast_in_dim3A_287 = vector.broadcast %broadcast_in_dim3A_286 : i32 to vector<16xi32>
            %gather3A_288 = tpu.vector_load_idx %arg9[%broadcast_in_dim3A_287, %select_n3A_216] masked %and3A_184 : memref<32x768xf32, #tpu.memory_space<vmem>>[vector<16xi32>, vector<16xi32>], vector<16xf32>, vector<16xi1>
            %broadcast_in_dim3A_289 = arith.constant 14 : i32
            %broadcast_in_dim3A_290 = vector.broadcast %broadcast_in_dim3A_289 : i32 to vector<16xi32>
            tpu.vector_store_idx %arg11[%sub3A_211, %broadcast_in_dim3A_290], %gather3A_288 masked %and3A_184 : memref<96x128xf32, #tpu.memory_space<vmem>>[vector<16xi32>, vector<16xi32>], vector<16xf32>, vector<16xi1>
            %broadcast_in_dim3A_291 = arith.constant 15 : i32
            %broadcast_in_dim3A_292 = vector.broadcast %broadcast_in_dim3A_291 : i32 to vector<16xi32>
            %gather3A_293 = tpu.vector_load_idx %arg9[%broadcast_in_dim3A_292, %select_n3A_216] masked %and3A_184 : memref<32x768xf32, #tpu.memory_space<vmem>>[vector<16xi32>, vector<16xi32>], vector<16xf32>, vector<16xi1>
            %broadcast_in_dim3A_294 = arith.constant 15 : i32
            %broadcast_in_dim3A_295 = vector.broadcast %broadcast_in_dim3A_294 : i32 to vector<16xi32>
            tpu.vector_store_idx %arg11[%sub3A_211, %broadcast_in_dim3A_295], %gather3A_293 masked %and3A_184 : memref<96x128xf32, #tpu.memory_space<vmem>>[vector<16xi32>, vector<16xi32>], vector<16xf32>, vector<16xi1>
            %broadcast_in_dim3A_296 = arith.constant 16 : i32
            %broadcast_in_dim3A_297 = vector.broadcast %broadcast_in_dim3A_296 : i32 to vector<16xi32>
            %gather3A_298 = tpu.vector_load_idx %arg9[%broadcast_in_dim3A_297, %select_n3A_216] masked %and3A_184 : memref<32x768xf32, #tpu.memory_space<vmem>>[vector<16xi32>, vector<16xi32>], vector<16xf32>, vector<16xi1>
            %broadcast_in_dim3A_299 = arith.constant 16 : i32
            %broadcast_in_dim3A_300 = vector.broadcast %broadcast_in_dim3A_299 : i32 to vector<16xi32>
            tpu.vector_store_idx %arg11[%sub3A_211, %broadcast_in_dim3A_300], %gather3A_298 masked %and3A_184 : memref<96x128xf32, #tpu.memory_space<vmem>>[vector<16xi32>, vector<16xi32>], vector<16xf32>, vector<16xi1>
            %broadcast_in_dim3A_301 = arith.constant 17 : i32
            %broadcast_in_dim3A_302 = vector.broadcast %broadcast_in_dim3A_301 : i32 to vector<16xi32>
            %gather3A_303 = tpu.vector_load_idx %arg9[%broadcast_in_dim3A_302, %select_n3A_216] masked %and3A_184 : memref<32x768xf32, #tpu.memory_space<vmem>>[vector<16xi32>, vector<16xi32>], vector<16xf32>, vector<16xi1>
            %broadcast_in_dim3A_304 = arith.constant 17 : i32
            %broadcast_in_dim3A_305 = vector.broadcast %broadcast_in_dim3A_304 : i32 to vector<16xi32>
            tpu.vector_store_idx %arg11[%sub3A_211, %broadcast_in_dim3A_305], %gather3A_303 masked %and3A_184 : memref<96x128xf32, #tpu.memory_space<vmem>>[vector<16xi32>, vector<16xi32>], vector<16xf32>, vector<16xi1>
            %broadcast_in_dim3A_306 = arith.constant 18 : i32
            %broadcast_in_dim3A_307 = vector.broadcast %broadcast_in_dim3A_306 : i32 to vector<16xi32>
            %gather3A_308 = tpu.vector_load_idx %arg9[%broadcast_in_dim3A_307, %select_n3A_216] masked %and3A_184 : memref<32x768xf32, #tpu.memory_space<vmem>>[vector<16xi32>, vector<16xi32>], vector<16xf32>, vector<16xi1>
            %broadcast_in_dim3A_309 = arith.constant 18 : i32
            %broadcast_in_dim3A_310 = vector.broadcast %broadcast_in_dim3A_309 : i32 to vector<16xi32>
            tpu.vector_store_idx %arg11[%sub3A_211, %broadcast_in_dim3A_310], %gather3A_308 masked %and3A_184 : memref<96x128xf32, #tpu.memory_space<vmem>>[vector<16xi32>, vector<16xi32>], vector<16xf32>, vector<16xi1>
            %broadcast_in_dim3A_311 = arith.constant 19 : i32
            %broadcast_in_dim3A_312 = vector.broadcast %broadcast_in_dim3A_311 : i32 to vector<16xi32>
            %gather3A_313 = tpu.vector_load_idx %arg9[%broadcast_in_dim3A_312, %select_n3A_216] masked %and3A_184 : memref<32x768xf32, #tpu.memory_space<vmem>>[vector<16xi32>, vector<16xi32>], vector<16xf32>, vector<16xi1>
            %broadcast_in_dim3A_314 = arith.constant 19 : i32
            %broadcast_in_dim3A_315 = vector.broadcast %broadcast_in_dim3A_314 : i32 to vector<16xi32>
            tpu.vector_store_idx %arg11[%sub3A_211, %broadcast_in_dim3A_315], %gather3A_313 masked %and3A_184 : memref<96x128xf32, #tpu.memory_space<vmem>>[vector<16xi32>, vector<16xi32>], vector<16xf32>, vector<16xi1>
            %broadcast_in_dim3A_316 = arith.constant 20 : i32
            %broadcast_in_dim3A_317 = vector.broadcast %broadcast_in_dim3A_316 : i32 to vector<16xi32>
            %gather3A_318 = tpu.vector_load_idx %arg9[%broadcast_in_dim3A_317, %select_n3A_216] masked %and3A_184 : memref<32x768xf32, #tpu.memory_space<vmem>>[vector<16xi32>, vector<16xi32>], vector<16xf32>, vector<16xi1>
            %broadcast_in_dim3A_319 = arith.constant 20 : i32
            %broadcast_in_dim3A_320 = vector.broadcast %broadcast_in_dim3A_319 : i32 to vector<16xi32>
            tpu.vector_store_idx %arg11[%sub3A_211, %broadcast_in_dim3A_320], %gather3A_318 masked %and3A_184 : memref<96x128xf32, #tpu.memory_space<vmem>>[vector<16xi32>, vector<16xi32>], vector<16xf32>, vector<16xi1>
            %broadcast_in_dim3A_321 = arith.constant 21 : i32
            %broadcast_in_dim3A_322 = vector.broadcast %broadcast_in_dim3A_321 : i32 to vector<16xi32>
            %gather3A_323 = tpu.vector_load_idx %arg9[%broadcast_in_dim3A_322, %select_n3A_216] masked %and3A_184 : memref<32x768xf32, #tpu.memory_space<vmem>>[vector<16xi32>, vector<16xi32>], vector<16xf32>, vector<16xi1>
            %broadcast_in_dim3A_324 = arith.constant 21 : i32
            %broadcast_in_dim3A_325 = vector.broadcast %broadcast_in_dim3A_324 : i32 to vector<16xi32>
            tpu.vector_store_idx %arg11[%sub3A_211, %broadcast_in_dim3A_325], %gather3A_323 masked %and3A_184 : memref<96x128xf32, #tpu.memory_space<vmem>>[vector<16xi32>, vector<16xi32>], vector<16xf32>, vector<16xi1>
            %broadcast_in_dim3A_326 = arith.constant 22 : i32
            %broadcast_in_dim3A_327 = vector.broadcast %broadcast_in_dim3A_326 : i32 to vector<16xi32>
            %gather3A_328 = tpu.vector_load_idx %arg9[%broadcast_in_dim3A_327, %select_n3A_216] masked %and3A_184 : memref<32x768xf32, #tpu.memory_space<vmem>>[vector<16xi32>, vector<16xi32>], vector<16xf32>, vector<16xi1>
            %broadcast_in_dim3A_329 = arith.constant 22 : i32
            %broadcast_in_dim3A_330 = vector.broadcast %broadcast_in_dim3A_329 : i32 to vector<16xi32>
            tpu.vector_store_idx %arg11[%sub3A_211, %broadcast_in_dim3A_330], %gather3A_328 masked %and3A_184 : memref<96x128xf32, #tpu.memory_space<vmem>>[vector<16xi32>, vector<16xi32>], vector<16xf32>, vector<16xi1>
            %broadcast_in_dim3A_331 = arith.constant 23 : i32
            %broadcast_in_dim3A_332 = vector.broadcast %broadcast_in_dim3A_331 : i32 to vector<16xi32>
            %gather3A_333 = tpu.vector_load_idx %arg9[%broadcast_in_dim3A_332, %select_n3A_216] masked %and3A_184 : memref<32x768xf32, #tpu.memory_space<vmem>>[vector<16xi32>, vector<16xi32>], vector<16xf32>, vector<16xi1>
            %broadcast_in_dim3A_334 = arith.constant 23 : i32
            %broadcast_in_dim3A_335 = vector.broadcast %broadcast_in_dim3A_334 : i32 to vector<16xi32>
            tpu.vector_store_idx %arg11[%sub3A_211, %broadcast_in_dim3A_335], %gather3A_333 masked %and3A_184 : memref<96x128xf32, #tpu.memory_space<vmem>>[vector<16xi32>, vector<16xi32>], vector<16xf32>, vector<16xi1>
            %broadcast_in_dim3A_336 = arith.constant 24 : i32
            %broadcast_in_dim3A_337 = vector.broadcast %broadcast_in_dim3A_336 : i32 to vector<16xi32>
            %gather3A_338 = tpu.vector_load_idx %arg9[%broadcast_in_dim3A_337, %select_n3A_216] masked %and3A_184 : memref<32x768xf32, #tpu.memory_space<vmem>>[vector<16xi32>, vector<16xi32>], vector<16xf32>, vector<16xi1>
            %broadcast_in_dim3A_339 = arith.constant 24 : i32
            %broadcast_in_dim3A_340 = vector.broadcast %broadcast_in_dim3A_339 : i32 to vector<16xi32>
            tpu.vector_store_idx %arg11[%sub3A_211, %broadcast_in_dim3A_340], %gather3A_338 masked %and3A_184 : memref<96x128xf32, #tpu.memory_space<vmem>>[vector<16xi32>, vector<16xi32>], vector<16xf32>, vector<16xi1>
            %broadcast_in_dim3A_341 = arith.constant 25 : i32
            %broadcast_in_dim3A_342 = vector.broadcast %broadcast_in_dim3A_341 : i32 to vector<16xi32>
            %gather3A_343 = tpu.vector_load_idx %arg9[%broadcast_in_dim3A_342, %select_n3A_216] masked %and3A_184 : memref<32x768xf32, #tpu.memory_space<vmem>>[vector<16xi32>, vector<16xi32>], vector<16xf32>, vector<16xi1>
            %broadcast_in_dim3A_344 = arith.constant 25 : i32
            %broadcast_in_dim3A_345 = vector.broadcast %broadcast_in_dim3A_344 : i32 to vector<16xi32>
            tpu.vector_store_idx %arg11[%sub3A_211, %broadcast_in_dim3A_345], %gather3A_343 masked %and3A_184 : memref<96x128xf32, #tpu.memory_space<vmem>>[vector<16xi32>, vector<16xi32>], vector<16xf32>, vector<16xi1>
            %broadcast_in_dim3A_346 = arith.constant 26 : i32
            %broadcast_in_dim3A_347 = vector.broadcast %broadcast_in_dim3A_346 : i32 to vector<16xi32>
            %gather3A_348 = tpu.vector_load_idx %arg9[%broadcast_in_dim3A_347, %select_n3A_216] masked %and3A_184 : memref<32x768xf32, #tpu.memory_space<vmem>>[vector<16xi32>, vector<16xi32>], vector<16xf32>, vector<16xi1>
            %broadcast_in_dim3A_349 = arith.constant 26 : i32
            %broadcast_in_dim3A_350 = vector.broadcast %broadcast_in_dim3A_349 : i32 to vector<16xi32>
            tpu.vector_store_idx %arg11[%sub3A_211, %broadcast_in_dim3A_350], %gather3A_348 masked %and3A_184 : memref<96x128xf32, #tpu.memory_space<vmem>>[vector<16xi32>, vector<16xi32>], vector<16xf32>, vector<16xi1>
            %broadcast_in_dim3A_351 = arith.constant 27 : i32
            %broadcast_in_dim3A_352 = vector.broadcast %broadcast_in_dim3A_351 : i32 to vector<16xi32>
            %gather3A_353 = tpu.vector_load_idx %arg9[%broadcast_in_dim3A_352, %select_n3A_216] masked %and3A_184 : memref<32x768xf32, #tpu.memory_space<vmem>>[vector<16xi32>, vector<16xi32>], vector<16xf32>, vector<16xi1>
            %broadcast_in_dim3A_354 = arith.constant 27 : i32
            %broadcast_in_dim3A_355 = vector.broadcast %broadcast_in_dim3A_354 : i32 to vector<16xi32>
            tpu.vector_store_idx %arg11[%sub3A_211, %broadcast_in_dim3A_355], %gather3A_353 masked %and3A_184 : memref<96x128xf32, #tpu.memory_space<vmem>>[vector<16xi32>, vector<16xi32>], vector<16xf32>, vector<16xi1>
            %broadcast_in_dim3A_356 = arith.constant 28 : i32
            %broadcast_in_dim3A_357 = vector.broadcast %broadcast_in_dim3A_356 : i32 to vector<16xi32>
            %gather3A_358 = tpu.vector_load_idx %arg9[%broadcast_in_dim3A_357, %select_n3A_216] masked %and3A_184 : memref<32x768xf32, #tpu.memory_space<vmem>>[vector<16xi32>, vector<16xi32>], vector<16xf32>, vector<16xi1>
            %broadcast_in_dim3A_359 = arith.constant 28 : i32
            %broadcast_in_dim3A_360 = vector.broadcast %broadcast_in_dim3A_359 : i32 to vector<16xi32>
            tpu.vector_store_idx %arg11[%sub3A_211, %broadcast_in_dim3A_360], %gather3A_358 masked %and3A_184 : memref<96x128xf32, #tpu.memory_space<vmem>>[vector<16xi32>, vector<16xi32>], vector<16xf32>, vector<16xi1>
            %broadcast_in_dim3A_361 = arith.constant 29 : i32
            %broadcast_in_dim3A_362 = vector.broadcast %broadcast_in_dim3A_361 : i32 to vector<16xi32>
            %gather3A_363 = tpu.vector_load_idx %arg9[%broadcast_in_dim3A_362, %select_n3A_216] masked %and3A_184 : memref<32x768xf32, #tpu.memory_space<vmem>>[vector<16xi32>, vector<16xi32>], vector<16xf32>, vector<16xi1>
            %broadcast_in_dim3A_364 = arith.constant 29 : i32
            %broadcast_in_dim3A_365 = vector.broadcast %broadcast_in_dim3A_364 : i32 to vector<16xi32>
            tpu.vector_store_idx %arg11[%sub3A_211, %broadcast_in_dim3A_365], %gather3A_363 masked %and3A_184 : memref<96x128xf32, #tpu.memory_space<vmem>>[vector<16xi32>, vector<16xi32>], vector<16xf32>, vector<16xi1>
            %broadcast_in_dim3A_366 = arith.constant 30 : i32
            %broadcast_in_dim3A_367 = vector.broadcast %broadcast_in_dim3A_366 : i32 to vector<16xi32>
            %gather3A_368 = tpu.vector_load_idx %arg9[%broadcast_in_dim3A_367, %select_n3A_216] masked %and3A_184 : memref<32x768xf32, #tpu.memory_space<vmem>>[vector<16xi32>, vector<16xi32>], vector<16xf32>, vector<16xi1>
            %broadcast_in_dim3A_369 = arith.constant 30 : i32
            %broadcast_in_dim3A_370 = vector.broadcast %broadcast_in_dim3A_369 : i32 to vector<16xi32>
            tpu.vector_store_idx %arg11[%sub3A_211, %broadcast_in_dim3A_370], %gather3A_368 masked %and3A_184 : memref<96x128xf32, #tpu.memory_space<vmem>>[vector<16xi32>, vector<16xi32>], vector<16xf32>, vector<16xi1>
            %broadcast_in_dim3A_371 = arith.constant 31 : i32
            %broadcast_in_dim3A_372 = vector.broadcast %broadcast_in_dim3A_371 : i32 to vector<16xi32>
            %gather3A_373 = tpu.vector_load_idx %arg9[%broadcast_in_dim3A_372, %select_n3A_216] masked %and3A_184 : memref<32x768xf32, #tpu.memory_space<vmem>>[vector<16xi32>, vector<16xi32>], vector<16xf32>, vector<16xi1>
            %broadcast_in_dim3A_374 = arith.constant 31 : i32
            %broadcast_in_dim3A_375 = vector.broadcast %broadcast_in_dim3A_374 : i32 to vector<16xi32>
            tpu.vector_store_idx %arg11[%sub3A_211, %broadcast_in_dim3A_375], %gather3A_373 masked %and3A_184 : memref<96x128xf32, #tpu.memory_space<vmem>>[vector<16xi32>, vector<16xi32>], vector<16xf32>, vector<16xi1>
            tpu.vector_store_idx %arg12[%sub3A_211], %get3A_199 masked %and3A_184 : memref<96xi32, #tpu.memory_space<vmem>>[vector<16xi32>], vector<16xi32>, vector<16xi1>
          } else {
          }
          %add3A_189 = arith.addi %while3A_175, %squeeze3A : i32
          %ge3A_190 = arith.constant 80 : i32
          %ge3A_191 = arith.cmpi sge, %add3A_189, %ge3A_190 : i32
          %convert_element_type3A_192 = arith.extui %ge3A_191 : i1 to i32
          %cond3A_193 = arith.constant 0 : i32
          %cond3A_194 = arith.cmpi ne, %convert_element_type3A_192, %cond3A_193 : i32
          %cond3A_195 = scf.if %cond3A_194 -> (i32) {
            %dma_start3A_196 = arith.constant 0 : i32
            %dma_start3A_197 = arith.constant 0 : i32
            %dma_start3A_198 = tpu.memref_slice %arg4[%dma_start3A_196, %dma_start3A_197] : memref<18432x128xf32, #tpu.memory_space<hbm>> -> memref<18432x128xf32, #tpu.memory_space<hbm>>
            tpu.enqueue_indirect_dma source(%arg11 : memref<96x128xf32, #tpu.memory_space<vmem>>) target(%dma_start3A_198 : memref<18432x128xf32, #tpu.memory_space<hbm>>) offsets(%arg12 : memref<96xi32, #tpu.memory_space<vmem>>) semaphore(%arg15 : memref<!tpu.dma_semaphore, #tpu.memory_space<semaphore_mem>>)
            %dma_wait3A_199 = arith.constant 0 : i32
            %dma_wait3A_200 = arith.constant 0 : i32
            %dma_wait3A_201 = tpu.memref_slice %arg4[%dma_wait3A_199, %dma_wait3A_200] : memref<18432x128xf32, #tpu.memory_space<hbm>> -> memref<18432x128xf32, #tpu.memory_space<hbm>>
            tpu.wait_indirect_dma semaphore(%arg15 : memref<!tpu.dma_semaphore, #tpu.memory_space<semaphore_mem>>) src(%arg11 : memref<96x128xf32, #tpu.memory_space<vmem>>) dst(%dma_wait3A_201 : memref<18432x128xf32, #tpu.memory_space<hbm>>)
            %broadcast_in_dim3A_202 = arith.constant 16384 : i32
            %broadcast_in_dim3A_203 = vector.broadcast %broadcast_in_dim3A_202 : i32 to vector<16xi32>
            %swap3A_204 = arith.constant 0 : index
            %swap3A_205 = tpu.vector_load %arg12[%swap3A_204] {strides = array<i32>} : memref<96xi32, #tpu.memory_space<vmem>>, vector<16xi32>,
            tpu.vector_store %arg12[%swap3A_204], %broadcast_in_dim3A_203 {strides = array<i32>} : memref<96xi32, #tpu.memory_space<vmem>>, vector<16xi32>,
            %broadcast_in_dim3A_206 = arith.constant 16384 : i32
            %broadcast_in_dim3A_207 = vector.broadcast %broadcast_in_dim3A_206 : i32 to vector<16xi32>
            %swap3A_208 = arith.constant 16 : index
            %swap3A_209 = tpu.vector_load %arg12[%swap3A_208] {strides = array<i32>} : memref<96xi32, #tpu.memory_space<vmem>>, vector<16xi32>,
            tpu.vector_store %arg12[%swap3A_208], %broadcast_in_dim3A_207 {strides = array<i32>} : memref<96xi32, #tpu.memory_space<vmem>>, vector<16xi32>,
            %broadcast_in_dim3A_210 = arith.constant 16384 : i32
            %broadcast_in_dim3A_211 = vector.broadcast %broadcast_in_dim3A_210 : i32 to vector<16xi32>
            %swap3A_212 = arith.constant 32 : index
            %swap3A_213 = tpu.vector_load %arg12[%swap3A_212] {strides = array<i32>} : memref<96xi32, #tpu.memory_space<vmem>>, vector<16xi32>,
            tpu.vector_store %arg12[%swap3A_212], %broadcast_in_dim3A_211 {strides = array<i32>} : memref<96xi32, #tpu.memory_space<vmem>>, vector<16xi32>,
            %broadcast_in_dim3A_214 = arith.constant 16384 : i32
            %broadcast_in_dim3A_215 = vector.broadcast %broadcast_in_dim3A_214 : i32 to vector<16xi32>
            %swap3A_216 = arith.constant 48 : index
            %swap3A_217 = tpu.vector_load %arg12[%swap3A_216] {strides = array<i32>} : memref<96xi32, #tpu.memory_space<vmem>>, vector<16xi32>,
            tpu.vector_store %arg12[%swap3A_216], %broadcast_in_dim3A_215 {strides = array<i32>} : memref<96xi32, #tpu.memory_space<vmem>>, vector<16xi32>,
            %broadcast_in_dim3A_218 = arith.constant 16384 : i32
            %broadcast_in_dim3A_219 = vector.broadcast %broadcast_in_dim3A_218 : i32 to vector<16xi32>
            %swap3A_220 = arith.constant 64 : index
            %swap3A_221 = tpu.vector_load %arg12[%swap3A_220] {strides = array<i32>} : memref<96xi32, #tpu.memory_space<vmem>>, vector<16xi32>,
            tpu.vector_store %arg12[%swap3A_220], %broadcast_in_dim3A_219 {strides = array<i32>} : memref<96xi32, #tpu.memory_space<vmem>>, vector<16xi32>,
            %broadcast_in_dim3A_222 = arith.constant 16384 : i32
            %broadcast_in_dim3A_223 = vector.broadcast %broadcast_in_dim3A_222 : i32 to vector<16xi32>
            %swap3A_224 = arith.constant 80 : index
            %swap3A_225 = tpu.vector_load %arg12[%swap3A_224] {strides = array<i32>} : memref<96xi32, #tpu.memory_space<vmem>>, vector<16xi32>,
            tpu.vector_store %arg12[%swap3A_224], %broadcast_in_dim3A_223 {strides = array<i32>} : memref<96xi32, #tpu.memory_space<vmem>>, vector<16xi32>,
            %cond3A_226 = arith.constant 0 : i32
            scf.yield %cond3A_226 : i32
          } else {
            scf.yield %add3A_189 : i32
          }
          scf.yield %cond3A_195 : i32
        }
        %add3A_168 = arith.constant 2 : i32
        %add3A_169 = arith.addi %add3A_143, %add3A_168 : i32
        %lt3A_170 = arith.cmpi slt, %add3A_169, %select_n3A_12 : i32
        %convert_element_type3A_171 = arith.extui %lt3A_170 : i1 to i32
        %cond3A_172 = arith.constant 0 : i32
        %cond3A_173 = arith.cmpi ne, %convert_element_type3A_171, %cond3A_172 : i32
        scf.if %cond3A_173 {
          %add3A_174 = arith.addi %select_n3A, %add3A_143 : i32
          %add3A_175 = arith.constant 2 : i32
          %add3A_176 = arith.addi %add3A_174, %add3A_175 : i32
          %mul3A_177 = arith.constant 768 : i32
          %mul3A_178 = arith.muli %add3A_176, %mul3A_177 : i32
          %dma_start3A_179 = arith.constant 0 : i32
          %dma_start3A_180 = tpu.memref_slice %arg3[%dma_start3A_179, %mul3A_178] : memref<32x1000000xf32, #tpu.memory_space<hbm>> -> memref<32x768xf32, #tpu.memory_space<hbm>>
          %dma_start3A_181 = arith.constant 0 : i32
          %dma_start3A_182 = tpu.memref_slice %arg3[%dma_start3A_181, %mul3A_178] : memref<32x1000000xf32, #tpu.memory_space<hbm>> -> memref<32x768xf32, #tpu.memory_space<hbm>>
          tpu.enqueue_dma source(%dma_start3A_182 : memref<32x768xf32, #tpu.memory_space<hbm>>) target(%arg9 : memref<32x768xf32, #tpu.memory_space<vmem>>) target_semaphore(%arg14 : memref<!tpu.dma_semaphore, #tpu.memory_space<semaphore_mem>>)
        } else {
        }
        scf.yield %while3A_167 : i32
      } else {
        scf.yield %cond3A_139 : i32
      }
      scf.yield %cond3A_148 : i32
    }
    %scan3A_95 = arith.constant 21 : i32
    %eq3A_96 = arith.constant 31 : i32
    %eq3A_97 = arith.cmpi eq, %add3A, %eq3A_96 : i32
    %convert_element_type3A = arith.extui %eq3A_97 : i1 to i32
    %cond3A = arith.constant 0 : i32
    %cond3A_98 = arith.cmpi ne, %convert_element_type3A, %cond3A : i32
    %cond3A_99 = scf.if %cond3A_98 -> (i32) {
      "tpu.region"() ({
        %run_scoped3A = tpu.sem_alloc : memref<!tpu.dma_semaphore, #tpu.memory_space<semaphore_mem>>
        %dma_start3A_140 = arith.constant 0 : i32
        %dma_start3A_141 = arith.constant 999936 : i32
        %dma_start3A_142 = tpu.memref_slice %arg3[%dma_start3A_140, %dma_start3A_141] : memref<32x1000000xf32, #tpu.memory_space<hbm>> -> memref<32x64xf32, #tpu.memory_space<hbm>>
        %dma_start3A_143 = arith.constant 0 : i32
        %dma_start3A_144 = arith.constant 999936 : i32
        %dma_start3A_145 = tpu.memref_slice %arg3[%dma_start3A_143, %dma_start3A_144] : memref<32x1000000xf32, #tpu.memory_space<hbm>> -> memref<32x64xf32, #tpu.memory_space<hbm>>
        tpu.enqueue_dma source(%dma_start3A_145 : memref<32x64xf32, #tpu.memory_space<hbm>>) target(%arg10 : memref<32x64xf32, #tpu.memory_space<vmem>>) target_semaphore(%run_scoped3A : memref<!tpu.dma_semaphore, #tpu.memory_space<semaphore_mem>>)
        %dma_wait3A_146 = arith.constant 0 : i32
        %dma_wait3A_147 = arith.constant 999936 : i32
        %dma_wait3A_148 = tpu.memref_slice %arg3[%dma_wait3A_146, %dma_wait3A_147] : memref<32x1000000xf32, #tpu.memory_space<hbm>> -> memref<32x64xf32, #tpu.memory_space<hbm>>
        %dma_wait3A_149 = arith.constant 0 : i32
        %dma_wait3A_150 = arith.constant 999936 : i32
        %dma_wait3A_151 = tpu.memref_slice %arg3[%dma_wait3A_149, %dma_wait3A_150] : memref<32x1000000xf32, #tpu.memory_space<hbm>> -> memref<32x64xf32, #tpu.memory_space<hbm>>
        tpu.wait_dma2 semaphore(%run_scoped3A : memref<!tpu.dma_semaphore, #tpu.memory_space<semaphore_mem>>) src(%dma_wait3A_151 : memref<32x64xf32, #tpu.memory_space<hbm>>) dst(%arg10 : memref<32x64xf32, #tpu.memory_space<vmem>>)
        tpu.yield
      }) : () -> ()
      %while3A = arith.constant 999936 : i32
      %while3A_129 = arith.constant 0 : i32
      %while3A_130 = arith.subi %select_n3A_88, %while3A_129 : i32
      %while3A_131 = arith.addi %while3A_129, %while3A_130 : i32
      %while3A_132 = arith.constant 1 : i32
      %while3A_133 = arith.divsi %while3A_130, %while3A_132 : i32
      %while3A_134 = arith.muli %while3A_133, %while3A_132 : i32
      %while3A_135 = arith.addi %while3A_129, %while3A_134 : i32
      %while3A_136 = arith.constant 1 : i32
      %while3A_137 = scf.for %while3A_140 = %while3A_129 to %while3A_135 step %while3A_136 iter_args(%while3A_141 = %scan3A_94) -> (i32)  : i32 {
        %mul3A_142 = arith.constant 16 : i32
        %mul3A_143 = arith.muli %while3A_140, %mul3A_142 : i32
        %get3A = arith.index_cast %mul3A_143 : i32 to index
        %get3A_144 = tpu.vector_load %arg7[%get3A] {strides = array<i32>} : memref<16400xi32, #tpu.memory_space<vmem>>, vector<16xi32>,
        %ge3A = vector.broadcast %while3A : i32 to vector<16xi32>
        %ge3A_145 = arith.cmpi sge, %get3A_144, %ge3A : vector<16xi32>
        %add3A_146 = arith.constant 64 : i32
        %add3A_147 = arith.addi %while3A, %add3A_146 : i32
        %lt3A_148 = vector.broadcast %add3A_147 : i32 to vector<16xi32>
        %lt3A_149 = arith.cmpi slt, %get3A_144, %lt3A_148 : vector<16xi32>
        %and3A_150 = arith.andi %ge3A_145, %lt3A_149 : vector<16xi1>
        %all_reduce_population_count3A = tpu.all_reduce %and3A_150 {dim = 0 : i64, kind = #tpu.reduction_kind<sum>} : vector<16xi1> -> vector<16xi32>
        %slice3A = vector.extract_strided_slice %all_reduce_population_count3A {offsets = [0], sizes = [1], strides = [1]} : vector<16xi32> to vector<1xi32>
        %squeeze3A = vector.extract %slice3A[0] : i32 from vector<1xi32>
        %gt3A = arith.constant 0 : i32
        %gt3A_151 = arith.cmpi sgt, %squeeze3A, %gt3A : i32
        %convert_element_type3A_152 = arith.extui %gt3A_151 : i1 to i32
        %cond3A_153 = arith.constant 0 : i32
        %cond3A_154 = arith.cmpi ne, %convert_element_type3A_152, %cond3A_153 : i32
        scf.if %cond3A_154 {
          %mul3A_162 = arith.constant 16 : i32
          %mul3A_163 = arith.muli %while3A_140, %mul3A_162 : i32
          %get3A_164 = arith.index_cast %mul3A_163 : i32 to index
          %get3A_165 = tpu.vector_load %arg6[%get3A_164] {strides = array<i32>} : memref<16400xi32, #tpu.memory_space<vmem>>, vector<16xi32>,
          %jit3A_166 = arith.constant 1 : i32
          %jit3A_167 = arith.constant 0 : i32
          %broadcast_in_dim3A_168 = vector.broadcast %jit3A_166 : i32 to vector<16xi32>
          %broadcast_in_dim3A_169 = vector.broadcast %jit3A_167 : i32 to vector<16xi32>
          %select_n3A_170 = arith.select %and3A_150, %broadcast_in_dim3A_168, %broadcast_in_dim3A_169 : vector<16xi1>, vector<16xi32>
          %broadcast_in_dim3A_171 = arith.constant true
          %broadcast_in_dim3A_172 = vector.broadcast %broadcast_in_dim3A_171 : i1 to vector<16xi1>
          %masked_cumsum3A = tpu.scan <sum>, %select_n3A_170 masked %broadcast_in_dim3A_172 : vector<16xi32>, vector<16xi1> -> vector<16xi32>
          %add3A_173 = vector.broadcast %while3A_141 : i32 to vector<16xi32>
          %add3A_174 = arith.addi %add3A_173, %masked_cumsum3A : vector<16xi32>
          %sub3A_175 = arith.constant 1 : i32
          %sub3A_176 = vector.broadcast %sub3A_175 : i32 to vector<16xi32>
          %sub3A_177 = arith.subi %add3A_174, %sub3A_176 : vector<16xi32>
          %sub3A_178 = vector.broadcast %while3A : i32 to vector<16xi32>
          %sub3A_179 = arith.subi %get3A_144, %sub3A_178 : vector<16xi32>
          %jit3A_180 = arith.constant 0 : i32
          %broadcast_in_dim3A_181 = vector.broadcast %jit3A_180 : i32 to vector<16xi32>
          %select_n3A_182 = arith.select %and3A_150, %sub3A_179, %broadcast_in_dim3A_181 : vector<16xi1>, vector<16xi32>
          %broadcast_in_dim3A_183 = arith.constant 0 : i32
          %broadcast_in_dim3A_184 = vector.broadcast %broadcast_in_dim3A_183 : i32 to vector<16xi32>
          %gather3A = tpu.vector_load_idx %arg10[%broadcast_in_dim3A_184, %select_n3A_182] masked %and3A_150 : memref<32x64xf32, #tpu.memory_space<vmem>>[vector<16xi32>, vector<16xi32>], vector<16xf32>, vector<16xi1>
          %broadcast_in_dim3A_185 = arith.constant 0 : i32
          %broadcast_in_dim3A_186 = vector.broadcast %broadcast_in_dim3A_185 : i32 to vector<16xi32>
          tpu.vector_store_idx %arg11[%sub3A_177, %broadcast_in_dim3A_186], %gather3A masked %and3A_150 : memref<96x128xf32, #tpu.memory_space<vmem>>[vector<16xi32>, vector<16xi32>], vector<16xf32>, vector<16xi1>
          %broadcast_in_dim3A_187 = arith.constant 1 : i32
          %broadcast_in_dim3A_188 = vector.broadcast %broadcast_in_dim3A_187 : i32 to vector<16xi32>
          %gather3A_189 = tpu.vector_load_idx %arg10[%broadcast_in_dim3A_188, %select_n3A_182] masked %and3A_150 : memref<32x64xf32, #tpu.memory_space<vmem>>[vector<16xi32>, vector<16xi32>], vector<16xf32>, vector<16xi1>
          %broadcast_in_dim3A_190 = arith.constant 1 : i32
          %broadcast_in_dim3A_191 = vector.broadcast %broadcast_in_dim3A_190 : i32 to vector<16xi32>
          tpu.vector_store_idx %arg11[%sub3A_177, %broadcast_in_dim3A_191], %gather3A_189 masked %and3A_150 : memref<96x128xf32, #tpu.memory_space<vmem>>[vector<16xi32>, vector<16xi32>], vector<16xf32>, vector<16xi1>
          %broadcast_in_dim3A_192 = arith.constant 2 : i32
          %broadcast_in_dim3A_193 = vector.broadcast %broadcast_in_dim3A_192 : i32 to vector<16xi32>
          %gather3A_194 = tpu.vector_load_idx %arg10[%broadcast_in_dim3A_193, %select_n3A_182] masked %and3A_150 : memref<32x64xf32, #tpu.memory_space<vmem>>[vector<16xi32>, vector<16xi32>], vector<16xf32>, vector<16xi1>
          %broadcast_in_dim3A_195 = arith.constant 2 : i32
          %broadcast_in_dim3A_196 = vector.broadcast %broadcast_in_dim3A_195 : i32 to vector<16xi32>
          tpu.vector_store_idx %arg11[%sub3A_177, %broadcast_in_dim3A_196], %gather3A_194 masked %and3A_150 : memref<96x128xf32, #tpu.memory_space<vmem>>[vector<16xi32>, vector<16xi32>], vector<16xf32>, vector<16xi1>
          %broadcast_in_dim3A_197 = arith.constant 3 : i32
          %broadcast_in_dim3A_198 = vector.broadcast %broadcast_in_dim3A_197 : i32 to vector<16xi32>
          %gather3A_199 = tpu.vector_load_idx %arg10[%broadcast_in_dim3A_198, %select_n3A_182] masked %and3A_150 : memref<32x64xf32, #tpu.memory_space<vmem>>[vector<16xi32>, vector<16xi32>], vector<16xf32>, vector<16xi1>
          %broadcast_in_dim3A_200 = arith.constant 3 : i32
          %broadcast_in_dim3A_201 = vector.broadcast %broadcast_in_dim3A_200 : i32 to vector<16xi32>
          tpu.vector_store_idx %arg11[%sub3A_177, %broadcast_in_dim3A_201], %gather3A_199 masked %and3A_150 : memref<96x128xf32, #tpu.memory_space<vmem>>[vector<16xi32>, vector<16xi32>], vector<16xf32>, vector<16xi1>
          %broadcast_in_dim3A_202 = arith.constant 4 : i32
          %broadcast_in_dim3A_203 = vector.broadcast %broadcast_in_dim3A_202 : i32 to vector<16xi32>
          %gather3A_204 = tpu.vector_load_idx %arg10[%broadcast_in_dim3A_203, %select_n3A_182] masked %and3A_150 : memref<32x64xf32, #tpu.memory_space<vmem>>[vector<16xi32>, vector<16xi32>], vector<16xf32>, vector<16xi1>
          %broadcast_in_dim3A_205 = arith.constant 4 : i32
          %broadcast_in_dim3A_206 = vector.broadcast %broadcast_in_dim3A_205 : i32 to vector<16xi32>
          tpu.vector_store_idx %arg11[%sub3A_177, %broadcast_in_dim3A_206], %gather3A_204 masked %and3A_150 : memref<96x128xf32, #tpu.memory_space<vmem>>[vector<16xi32>, vector<16xi32>], vector<16xf32>, vector<16xi1>
          %broadcast_in_dim3A_207 = arith.constant 5 : i32
          %broadcast_in_dim3A_208 = vector.broadcast %broadcast_in_dim3A_207 : i32 to vector<16xi32>
          %gather3A_209 = tpu.vector_load_idx %arg10[%broadcast_in_dim3A_208, %select_n3A_182] masked %and3A_150 : memref<32x64xf32, #tpu.memory_space<vmem>>[vector<16xi32>, vector<16xi32>], vector<16xf32>, vector<16xi1>
          %broadcast_in_dim3A_210 = arith.constant 5 : i32
          %broadcast_in_dim3A_211 = vector.broadcast %broadcast_in_dim3A_210 : i32 to vector<16xi32>
          tpu.vector_store_idx %arg11[%sub3A_177, %broadcast_in_dim3A_211], %gather3A_209 masked %and3A_150 : memref<96x128xf32, #tpu.memory_space<vmem>>[vector<16xi32>, vector<16xi32>], vector<16xf32>, vector<16xi1>
          %broadcast_in_dim3A_212 = arith.constant 6 : i32
          %broadcast_in_dim3A_213 = vector.broadcast %broadcast_in_dim3A_212 : i32 to vector<16xi32>
          %gather3A_214 = tpu.vector_load_idx %arg10[%broadcast_in_dim3A_213, %select_n3A_182] masked %and3A_150 : memref<32x64xf32, #tpu.memory_space<vmem>>[vector<16xi32>, vector<16xi32>], vector<16xf32>, vector<16xi1>
          %broadcast_in_dim3A_215 = arith.constant 6 : i32
          %broadcast_in_dim3A_216 = vector.broadcast %broadcast_in_dim3A_215 : i32 to vector<16xi32>
          tpu.vector_store_idx %arg11[%sub3A_177, %broadcast_in_dim3A_216], %gather3A_214 masked %and3A_150 : memref<96x128xf32, #tpu.memory_space<vmem>>[vector<16xi32>, vector<16xi32>], vector<16xf32>, vector<16xi1>
          %broadcast_in_dim3A_217 = arith.constant 7 : i32
          %broadcast_in_dim3A_218 = vector.broadcast %broadcast_in_dim3A_217 : i32 to vector<16xi32>
          %gather3A_219 = tpu.vector_load_idx %arg10[%broadcast_in_dim3A_218, %select_n3A_182] masked %and3A_150 : memref<32x64xf32, #tpu.memory_space<vmem>>[vector<16xi32>, vector<16xi32>], vector<16xf32>, vector<16xi1>
          %broadcast_in_dim3A_220 = arith.constant 7 : i32
          %broadcast_in_dim3A_221 = vector.broadcast %broadcast_in_dim3A_220 : i32 to vector<16xi32>
          tpu.vector_store_idx %arg11[%sub3A_177, %broadcast_in_dim3A_221], %gather3A_219 masked %and3A_150 : memref<96x128xf32, #tpu.memory_space<vmem>>[vector<16xi32>, vector<16xi32>], vector<16xf32>, vector<16xi1>
          %broadcast_in_dim3A_222 = arith.constant 8 : i32
          %broadcast_in_dim3A_223 = vector.broadcast %broadcast_in_dim3A_222 : i32 to vector<16xi32>
          %gather3A_224 = tpu.vector_load_idx %arg10[%broadcast_in_dim3A_223, %select_n3A_182] masked %and3A_150 : memref<32x64xf32, #tpu.memory_space<vmem>>[vector<16xi32>, vector<16xi32>], vector<16xf32>, vector<16xi1>
          %broadcast_in_dim3A_225 = arith.constant 8 : i32
          %broadcast_in_dim3A_226 = vector.broadcast %broadcast_in_dim3A_225 : i32 to vector<16xi32>
          tpu.vector_store_idx %arg11[%sub3A_177, %broadcast_in_dim3A_226], %gather3A_224 masked %and3A_150 : memref<96x128xf32, #tpu.memory_space<vmem>>[vector<16xi32>, vector<16xi32>], vector<16xf32>, vector<16xi1>
          %broadcast_in_dim3A_227 = arith.constant 9 : i32
          %broadcast_in_dim3A_228 = vector.broadcast %broadcast_in_dim3A_227 : i32 to vector<16xi32>
          %gather3A_229 = tpu.vector_load_idx %arg10[%broadcast_in_dim3A_228, %select_n3A_182] masked %and3A_150 : memref<32x64xf32, #tpu.memory_space<vmem>>[vector<16xi32>, vector<16xi32>], vector<16xf32>, vector<16xi1>
          %broadcast_in_dim3A_230 = arith.constant 9 : i32
          %broadcast_in_dim3A_231 = vector.broadcast %broadcast_in_dim3A_230 : i32 to vector<16xi32>
          tpu.vector_store_idx %arg11[%sub3A_177, %broadcast_in_dim3A_231], %gather3A_229 masked %and3A_150 : memref<96x128xf32, #tpu.memory_space<vmem>>[vector<16xi32>, vector<16xi32>], vector<16xf32>, vector<16xi1>
          %broadcast_in_dim3A_232 = arith.constant 10 : i32
          %broadcast_in_dim3A_233 = vector.broadcast %broadcast_in_dim3A_232 : i32 to vector<16xi32>
          %gather3A_234 = tpu.vector_load_idx %arg10[%broadcast_in_dim3A_233, %select_n3A_182] masked %and3A_150 : memref<32x64xf32, #tpu.memory_space<vmem>>[vector<16xi32>, vector<16xi32>], vector<16xf32>, vector<16xi1>
          %broadcast_in_dim3A_235 = arith.constant 10 : i32
          %broadcast_in_dim3A_236 = vector.broadcast %broadcast_in_dim3A_235 : i32 to vector<16xi32>
          tpu.vector_store_idx %arg11[%sub3A_177, %broadcast_in_dim3A_236], %gather3A_234 masked %and3A_150 : memref<96x128xf32, #tpu.memory_space<vmem>>[vector<16xi32>, vector<16xi32>], vector<16xf32>, vector<16xi1>
          %broadcast_in_dim3A_237 = arith.constant 11 : i32
          %broadcast_in_dim3A_238 = vector.broadcast %broadcast_in_dim3A_237 : i32 to vector<16xi32>
          %gather3A_239 = tpu.vector_load_idx %arg10[%broadcast_in_dim3A_238, %select_n3A_182] masked %and3A_150 : memref<32x64xf32, #tpu.memory_space<vmem>>[vector<16xi32>, vector<16xi32>], vector<16xf32>, vector<16xi1>
          %broadcast_in_dim3A_240 = arith.constant 11 : i32
          %broadcast_in_dim3A_241 = vector.broadcast %broadcast_in_dim3A_240 : i32 to vector<16xi32>
          tpu.vector_store_idx %arg11[%sub3A_177, %broadcast_in_dim3A_241], %gather3A_239 masked %and3A_150 : memref<96x128xf32, #tpu.memory_space<vmem>>[vector<16xi32>, vector<16xi32>], vector<16xf32>, vector<16xi1>
          %broadcast_in_dim3A_242 = arith.constant 12 : i32
          %broadcast_in_dim3A_243 = vector.broadcast %broadcast_in_dim3A_242 : i32 to vector<16xi32>
          %gather3A_244 = tpu.vector_load_idx %arg10[%broadcast_in_dim3A_243, %select_n3A_182] masked %and3A_150 : memref<32x64xf32, #tpu.memory_space<vmem>>[vector<16xi32>, vector<16xi32>], vector<16xf32>, vector<16xi1>
          %broadcast_in_dim3A_245 = arith.constant 12 : i32
          %broadcast_in_dim3A_246 = vector.broadcast %broadcast_in_dim3A_245 : i32 to vector<16xi32>
          tpu.vector_store_idx %arg11[%sub3A_177, %broadcast_in_dim3A_246], %gather3A_244 masked %and3A_150 : memref<96x128xf32, #tpu.memory_space<vmem>>[vector<16xi32>, vector<16xi32>], vector<16xf32>, vector<16xi1>
          %broadcast_in_dim3A_247 = arith.constant 13 : i32
          %broadcast_in_dim3A_248 = vector.broadcast %broadcast_in_dim3A_247 : i32 to vector<16xi32>
          %gather3A_249 = tpu.vector_load_idx %arg10[%broadcast_in_dim3A_248, %select_n3A_182] masked %and3A_150 : memref<32x64xf32, #tpu.memory_space<vmem>>[vector<16xi32>, vector<16xi32>], vector<16xf32>, vector<16xi1>
          %broadcast_in_dim3A_250 = arith.constant 13 : i32
          %broadcast_in_dim3A_251 = vector.broadcast %broadcast_in_dim3A_250 : i32 to vector<16xi32>
          tpu.vector_store_idx %arg11[%sub3A_177, %broadcast_in_dim3A_251], %gather3A_249 masked %and3A_150 : memref<96x128xf32, #tpu.memory_space<vmem>>[vector<16xi32>, vector<16xi32>], vector<16xf32>, vector<16xi1>
          %broadcast_in_dim3A_252 = arith.constant 14 : i32
          %broadcast_in_dim3A_253 = vector.broadcast %broadcast_in_dim3A_252 : i32 to vector<16xi32>
          %gather3A_254 = tpu.vector_load_idx %arg10[%broadcast_in_dim3A_253, %select_n3A_182] masked %and3A_150 : memref<32x64xf32, #tpu.memory_space<vmem>>[vector<16xi32>, vector<16xi32>], vector<16xf32>, vector<16xi1>
          %broadcast_in_dim3A_255 = arith.constant 14 : i32
          %broadcast_in_dim3A_256 = vector.broadcast %broadcast_in_dim3A_255 : i32 to vector<16xi32>
          tpu.vector_store_idx %arg11[%sub3A_177, %broadcast_in_dim3A_256], %gather3A_254 masked %and3A_150 : memref<96x128xf32, #tpu.memory_space<vmem>>[vector<16xi32>, vector<16xi32>], vector<16xf32>, vector<16xi1>
          %broadcast_in_dim3A_257 = arith.constant 15 : i32
          %broadcast_in_dim3A_258 = vector.broadcast %broadcast_in_dim3A_257 : i32 to vector<16xi32>
          %gather3A_259 = tpu.vector_load_idx %arg10[%broadcast_in_dim3A_258, %select_n3A_182] masked %and3A_150 : memref<32x64xf32, #tpu.memory_space<vmem>>[vector<16xi32>, vector<16xi32>], vector<16xf32>, vector<16xi1>
          %broadcast_in_dim3A_260 = arith.constant 15 : i32
          %broadcast_in_dim3A_261 = vector.broadcast %broadcast_in_dim3A_260 : i32 to vector<16xi32>
          tpu.vector_store_idx %arg11[%sub3A_177, %broadcast_in_dim3A_261], %gather3A_259 masked %and3A_150 : memref<96x128xf32, #tpu.memory_space<vmem>>[vector<16xi32>, vector<16xi32>], vector<16xf32>, vector<16xi1>
          %broadcast_in_dim3A_262 = arith.constant 16 : i32
          %broadcast_in_dim3A_263 = vector.broadcast %broadcast_in_dim3A_262 : i32 to vector<16xi32>
          %gather3A_264 = tpu.vector_load_idx %arg10[%broadcast_in_dim3A_263, %select_n3A_182] masked %and3A_150 : memref<32x64xf32, #tpu.memory_space<vmem>>[vector<16xi32>, vector<16xi32>], vector<16xf32>, vector<16xi1>
          %broadcast_in_dim3A_265 = arith.constant 16 : i32
          %broadcast_in_dim3A_266 = vector.broadcast %broadcast_in_dim3A_265 : i32 to vector<16xi32>
          tpu.vector_store_idx %arg11[%sub3A_177, %broadcast_in_dim3A_266], %gather3A_264 masked %and3A_150 : memref<96x128xf32, #tpu.memory_space<vmem>>[vector<16xi32>, vector<16xi32>], vector<16xf32>, vector<16xi1>
          %broadcast_in_dim3A_267 = arith.constant 17 : i32
          %broadcast_in_dim3A_268 = vector.broadcast %broadcast_in_dim3A_267 : i32 to vector<16xi32>
          %gather3A_269 = tpu.vector_load_idx %arg10[%broadcast_in_dim3A_268, %select_n3A_182] masked %and3A_150 : memref<32x64xf32, #tpu.memory_space<vmem>>[vector<16xi32>, vector<16xi32>], vector<16xf32>, vector<16xi1>
          %broadcast_in_dim3A_270 = arith.constant 17 : i32
          %broadcast_in_dim3A_271 = vector.broadcast %broadcast_in_dim3A_270 : i32 to vector<16xi32>
          tpu.vector_store_idx %arg11[%sub3A_177, %broadcast_in_dim3A_271], %gather3A_269 masked %and3A_150 : memref<96x128xf32, #tpu.memory_space<vmem>>[vector<16xi32>, vector<16xi32>], vector<16xf32>, vector<16xi1>
          %broadcast_in_dim3A_272 = arith.constant 18 : i32
          %broadcast_in_dim3A_273 = vector.broadcast %broadcast_in_dim3A_272 : i32 to vector<16xi32>
          %gather3A_274 = tpu.vector_load_idx %arg10[%broadcast_in_dim3A_273, %select_n3A_182] masked %and3A_150 : memref<32x64xf32, #tpu.memory_space<vmem>>[vector<16xi32>, vector<16xi32>], vector<16xf32>, vector<16xi1>
          %broadcast_in_dim3A_275 = arith.constant 18 : i32
          %broadcast_in_dim3A_276 = vector.broadcast %broadcast_in_dim3A_275 : i32 to vector<16xi32>
          tpu.vector_store_idx %arg11[%sub3A_177, %broadcast_in_dim3A_276], %gather3A_274 masked %and3A_150 : memref<96x128xf32, #tpu.memory_space<vmem>>[vector<16xi32>, vector<16xi32>], vector<16xf32>, vector<16xi1>
          %broadcast_in_dim3A_277 = arith.constant 19 : i32
          %broadcast_in_dim3A_278 = vector.broadcast %broadcast_in_dim3A_277 : i32 to vector<16xi32>
          %gather3A_279 = tpu.vector_load_idx %arg10[%broadcast_in_dim3A_278, %select_n3A_182] masked %and3A_150 : memref<32x64xf32, #tpu.memory_space<vmem>>[vector<16xi32>, vector<16xi32>], vector<16xf32>, vector<16xi1>
          %broadcast_in_dim3A_280 = arith.constant 19 : i32
          %broadcast_in_dim3A_281 = vector.broadcast %broadcast_in_dim3A_280 : i32 to vector<16xi32>
          tpu.vector_store_idx %arg11[%sub3A_177, %broadcast_in_dim3A_281], %gather3A_279 masked %and3A_150 : memref<96x128xf32, #tpu.memory_space<vmem>>[vector<16xi32>, vector<16xi32>], vector<16xf32>, vector<16xi1>
          %broadcast_in_dim3A_282 = arith.constant 20 : i32
          %broadcast_in_dim3A_283 = vector.broadcast %broadcast_in_dim3A_282 : i32 to vector<16xi32>
          %gather3A_284 = tpu.vector_load_idx %arg10[%broadcast_in_dim3A_283, %select_n3A_182] masked %and3A_150 : memref<32x64xf32, #tpu.memory_space<vmem>>[vector<16xi32>, vector<16xi32>], vector<16xf32>, vector<16xi1>
          %broadcast_in_dim3A_285 = arith.constant 20 : i32
          %broadcast_in_dim3A_286 = vector.broadcast %broadcast_in_dim3A_285 : i32 to vector<16xi32>
          tpu.vector_store_idx %arg11[%sub3A_177, %broadcast_in_dim3A_286], %gather3A_284 masked %and3A_150 : memref<96x128xf32, #tpu.memory_space<vmem>>[vector<16xi32>, vector<16xi32>], vector<16xf32>, vector<16xi1>
          %broadcast_in_dim3A_287 = arith.constant 21 : i32
          %broadcast_in_dim3A_288 = vector.broadcast %broadcast_in_dim3A_287 : i32 to vector<16xi32>
          %gather3A_289 = tpu.vector_load_idx %arg10[%broadcast_in_dim3A_288, %select_n3A_182] masked %and3A_150 : memref<32x64xf32, #tpu.memory_space<vmem>>[vector<16xi32>, vector<16xi32>], vector<16xf32>, vector<16xi1>
          %broadcast_in_dim3A_290 = arith.constant 21 : i32
          %broadcast_in_dim3A_291 = vector.broadcast %broadcast_in_dim3A_290 : i32 to vector<16xi32>
          tpu.vector_store_idx %arg11[%sub3A_177, %broadcast_in_dim3A_291], %gather3A_289 masked %and3A_150 : memref<96x128xf32, #tpu.memory_space<vmem>>[vector<16xi32>, vector<16xi32>], vector<16xf32>, vector<16xi1>
          %broadcast_in_dim3A_292 = arith.constant 22 : i32
          %broadcast_in_dim3A_293 = vector.broadcast %broadcast_in_dim3A_292 : i32 to vector<16xi32>
          %gather3A_294 = tpu.vector_load_idx %arg10[%broadcast_in_dim3A_293, %select_n3A_182] masked %and3A_150 : memref<32x64xf32, #tpu.memory_space<vmem>>[vector<16xi32>, vector<16xi32>], vector<16xf32>, vector<16xi1>
          %broadcast_in_dim3A_295 = arith.constant 22 : i32
          %broadcast_in_dim3A_296 = vector.broadcast %broadcast_in_dim3A_295 : i32 to vector<16xi32>
          tpu.vector_store_idx %arg11[%sub3A_177, %broadcast_in_dim3A_296], %gather3A_294 masked %and3A_150 : memref<96x128xf32, #tpu.memory_space<vmem>>[vector<16xi32>, vector<16xi32>], vector<16xf32>, vector<16xi1>
          %broadcast_in_dim3A_297 = arith.constant 23 : i32
          %broadcast_in_dim3A_298 = vector.broadcast %broadcast_in_dim3A_297 : i32 to vector<16xi32>
          %gather3A_299 = tpu.vector_load_idx %arg10[%broadcast_in_dim3A_298, %select_n3A_182] masked %and3A_150 : memref<32x64xf32, #tpu.memory_space<vmem>>[vector<16xi32>, vector<16xi32>], vector<16xf32>, vector<16xi1>
          %broadcast_in_dim3A_300 = arith.constant 23 : i32
          %broadcast_in_dim3A_301 = vector.broadcast %broadcast_in_dim3A_300 : i32 to vector<16xi32>
          tpu.vector_store_idx %arg11[%sub3A_177, %broadcast_in_dim3A_301], %gather3A_299 masked %and3A_150 : memref<96x128xf32, #tpu.memory_space<vmem>>[vector<16xi32>, vector<16xi32>], vector<16xf32>, vector<16xi1>
          %broadcast_in_dim3A_302 = arith.constant 24 : i32
          %broadcast_in_dim3A_303 = vector.broadcast %broadcast_in_dim3A_302 : i32 to vector<16xi32>
          %gather3A_304 = tpu.vector_load_idx %arg10[%broadcast_in_dim3A_303, %select_n3A_182] masked %and3A_150 : memref<32x64xf32, #tpu.memory_space<vmem>>[vector<16xi32>, vector<16xi32>], vector<16xf32>, vector<16xi1>
          %broadcast_in_dim3A_305 = arith.constant 24 : i32
          %broadcast_in_dim3A_306 = vector.broadcast %broadcast_in_dim3A_305 : i32 to vector<16xi32>
          tpu.vector_store_idx %arg11[%sub3A_177, %broadcast_in_dim3A_306], %gather3A_304 masked %and3A_150 : memref<96x128xf32, #tpu.memory_space<vmem>>[vector<16xi32>, vector<16xi32>], vector<16xf32>, vector<16xi1>
          %broadcast_in_dim3A_307 = arith.constant 25 : i32
          %broadcast_in_dim3A_308 = vector.broadcast %broadcast_in_dim3A_307 : i32 to vector<16xi32>
          %gather3A_309 = tpu.vector_load_idx %arg10[%broadcast_in_dim3A_308, %select_n3A_182] masked %and3A_150 : memref<32x64xf32, #tpu.memory_space<vmem>>[vector<16xi32>, vector<16xi32>], vector<16xf32>, vector<16xi1>
          %broadcast_in_dim3A_310 = arith.constant 25 : i32
          %broadcast_in_dim3A_311 = vector.broadcast %broadcast_in_dim3A_310 : i32 to vector<16xi32>
          tpu.vector_store_idx %arg11[%sub3A_177, %broadcast_in_dim3A_311], %gather3A_309 masked %and3A_150 : memref<96x128xf32, #tpu.memory_space<vmem>>[vector<16xi32>, vector<16xi32>], vector<16xf32>, vector<16xi1>
          %broadcast_in_dim3A_312 = arith.constant 26 : i32
          %broadcast_in_dim3A_313 = vector.broadcast %broadcast_in_dim3A_312 : i32 to vector<16xi32>
          %gather3A_314 = tpu.vector_load_idx %arg10[%broadcast_in_dim3A_313, %select_n3A_182] masked %and3A_150 : memref<32x64xf32, #tpu.memory_space<vmem>>[vector<16xi32>, vector<16xi32>], vector<16xf32>, vector<16xi1>
          %broadcast_in_dim3A_315 = arith.constant 26 : i32
          %broadcast_in_dim3A_316 = vector.broadcast %broadcast_in_dim3A_315 : i32 to vector<16xi32>
          tpu.vector_store_idx %arg11[%sub3A_177, %broadcast_in_dim3A_316], %gather3A_314 masked %and3A_150 : memref<96x128xf32, #tpu.memory_space<vmem>>[vector<16xi32>, vector<16xi32>], vector<16xf32>, vector<16xi1>
          %broadcast_in_dim3A_317 = arith.constant 27 : i32
          %broadcast_in_dim3A_318 = vector.broadcast %broadcast_in_dim3A_317 : i32 to vector<16xi32>
          %gather3A_319 = tpu.vector_load_idx %arg10[%broadcast_in_dim3A_318, %select_n3A_182] masked %and3A_150 : memref<32x64xf32, #tpu.memory_space<vmem>>[vector<16xi32>, vector<16xi32>], vector<16xf32>, vector<16xi1>
          %broadcast_in_dim3A_320 = arith.constant 27 : i32
          %broadcast_in_dim3A_321 = vector.broadcast %broadcast_in_dim3A_320 : i32 to vector<16xi32>
          tpu.vector_store_idx %arg11[%sub3A_177, %broadcast_in_dim3A_321], %gather3A_319 masked %and3A_150 : memref<96x128xf32, #tpu.memory_space<vmem>>[vector<16xi32>, vector<16xi32>], vector<16xf32>, vector<16xi1>
          %broadcast_in_dim3A_322 = arith.constant 28 : i32
          %broadcast_in_dim3A_323 = vector.broadcast %broadcast_in_dim3A_322 : i32 to vector<16xi32>
          %gather3A_324 = tpu.vector_load_idx %arg10[%broadcast_in_dim3A_323, %select_n3A_182] masked %and3A_150 : memref<32x64xf32, #tpu.memory_space<vmem>>[vector<16xi32>, vector<16xi32>], vector<16xf32>, vector<16xi1>
          %broadcast_in_dim3A_325 = arith.constant 28 : i32
          %broadcast_in_dim3A_326 = vector.broadcast %broadcast_in_dim3A_325 : i32 to vector<16xi32>
          tpu.vector_store_idx %arg11[%sub3A_177, %broadcast_in_dim3A_326], %gather3A_324 masked %and3A_150 : memref<96x128xf32, #tpu.memory_space<vmem>>[vector<16xi32>, vector<16xi32>], vector<16xf32>, vector<16xi1>
          %broadcast_in_dim3A_327 = arith.constant 29 : i32
          %broadcast_in_dim3A_328 = vector.broadcast %broadcast_in_dim3A_327 : i32 to vector<16xi32>
          %gather3A_329 = tpu.vector_load_idx %arg10[%broadcast_in_dim3A_328, %select_n3A_182] masked %and3A_150 : memref<32x64xf32, #tpu.memory_space<vmem>>[vector<16xi32>, vector<16xi32>], vector<16xf32>, vector<16xi1>
          %broadcast_in_dim3A_330 = arith.constant 29 : i32
          %broadcast_in_dim3A_331 = vector.broadcast %broadcast_in_dim3A_330 : i32 to vector<16xi32>
          tpu.vector_store_idx %arg11[%sub3A_177, %broadcast_in_dim3A_331], %gather3A_329 masked %and3A_150 : memref<96x128xf32, #tpu.memory_space<vmem>>[vector<16xi32>, vector<16xi32>], vector<16xf32>, vector<16xi1>
          %broadcast_in_dim3A_332 = arith.constant 30 : i32
          %broadcast_in_dim3A_333 = vector.broadcast %broadcast_in_dim3A_332 : i32 to vector<16xi32>
          %gather3A_334 = tpu.vector_load_idx %arg10[%broadcast_in_dim3A_333, %select_n3A_182] masked %and3A_150 : memref<32x64xf32, #tpu.memory_space<vmem>>[vector<16xi32>, vector<16xi32>], vector<16xf32>, vector<16xi1>
          %broadcast_in_dim3A_335 = arith.constant 30 : i32
          %broadcast_in_dim3A_336 = vector.broadcast %broadcast_in_dim3A_335 : i32 to vector<16xi32>
          tpu.vector_store_idx %arg11[%sub3A_177, %broadcast_in_dim3A_336], %gather3A_334 masked %and3A_150 : memref<96x128xf32, #tpu.memory_space<vmem>>[vector<16xi32>, vector<16xi32>], vector<16xf32>, vector<16xi1>
          %broadcast_in_dim3A_337 = arith.constant 31 : i32
          %broadcast_in_dim3A_338 = vector.broadcast %broadcast_in_dim3A_337 : i32 to vector<16xi32>
          %gather3A_339 = tpu.vector_load_idx %arg10[%broadcast_in_dim3A_338, %select_n3A_182] masked %and3A_150 : memref<32x64xf32, #tpu.memory_space<vmem>>[vector<16xi32>, vector<16xi32>], vector<16xf32>, vector<16xi1>
          %broadcast_in_dim3A_340 = arith.constant 31 : i32
          %broadcast_in_dim3A_341 = vector.broadcast %broadcast_in_dim3A_340 : i32 to vector<16xi32>
          tpu.vector_store_idx %arg11[%sub3A_177, %broadcast_in_dim3A_341], %gather3A_339 masked %and3A_150 : memref<96x128xf32, #tpu.memory_space<vmem>>[vector<16xi32>, vector<16xi32>], vector<16xf32>, vector<16xi1>
          tpu.vector_store_idx %arg12[%sub3A_177], %get3A_165 masked %and3A_150 : memref<96xi32, #tpu.memory_space<vmem>>[vector<16xi32>], vector<16xi32>, vector<16xi1>
        } else {
        }
        %add3A_155 = arith.addi %while3A_141, %squeeze3A : i32
        %ge3A_156 = arith.constant 80 : i32
        %ge3A_157 = arith.cmpi sge, %add3A_155, %ge3A_156 : i32
        %convert_element_type3A_158 = arith.extui %ge3A_157 : i1 to i32
        %cond3A_159 = arith.constant 0 : i32
        %cond3A_160 = arith.cmpi ne, %convert_element_type3A_158, %cond3A_159 : i32
        %cond3A_161 = scf.if %cond3A_160 -> (i32) {
          %dma_start3A_162 = arith.constant 0 : i32
          %dma_start3A_163 = arith.constant 0 : i32
          %dma_start3A_164 = tpu.memref_slice %arg4[%dma_start3A_162, %dma_start3A_163] : memref<18432x128xf32, #tpu.memory_space<hbm>> -> memref<18432x128xf32, #tpu.memory_space<hbm>>
          tpu.enqueue_indirect_dma source(%arg11 : memref<96x128xf32, #tpu.memory_space<vmem>>) target(%dma_start3A_164 : memref<18432x128xf32, #tpu.memory_space<hbm>>) offsets(%arg12 : memref<96xi32, #tpu.memory_space<vmem>>) semaphore(%arg15 : memref<!tpu.dma_semaphore, #tpu.memory_space<semaphore_mem>>)
          %dma_wait3A_165 = arith.constant 0 : i32
          %dma_wait3A_166 = arith.constant 0 : i32
          %dma_wait3A_167 = tpu.memref_slice %arg4[%dma_wait3A_165, %dma_wait3A_166] : memref<18432x128xf32, #tpu.memory_space<hbm>> -> memref<18432x128xf32, #tpu.memory_space<hbm>>
          tpu.wait_indirect_dma semaphore(%arg15 : memref<!tpu.dma_semaphore, #tpu.memory_space<semaphore_mem>>) src(%arg11 : memref<96x128xf32, #tpu.memory_space<vmem>>) dst(%dma_wait3A_167 : memref<18432x128xf32, #tpu.memory_space<hbm>>)
          %broadcast_in_dim3A_168 = arith.constant 16384 : i32
          %broadcast_in_dim3A_169 = vector.broadcast %broadcast_in_dim3A_168 : i32 to vector<16xi32>
          %swap3A_170 = arith.constant 0 : index
          %swap3A_171 = tpu.vector_load %arg12[%swap3A_170] {strides = array<i32>} : memref<96xi32, #tpu.memory_space<vmem>>, vector<16xi32>,
          tpu.vector_store %arg12[%swap3A_170], %broadcast_in_dim3A_169 {strides = array<i32>} : memref<96xi32, #tpu.memory_space<vmem>>, vector<16xi32>,
          %broadcast_in_dim3A_172 = arith.constant 16384 : i32
          %broadcast_in_dim3A_173 = vector.broadcast %broadcast_in_dim3A_172 : i32 to vector<16xi32>
          %swap3A_174 = arith.constant 16 : index
          %swap3A_175 = tpu.vector_load %arg12[%swap3A_174] {strides = array<i32>} : memref<96xi32, #tpu.memory_space<vmem>>, vector<16xi32>,
          tpu.vector_store %arg12[%swap3A_174], %broadcast_in_dim3A_173 {strides = array<i32>} : memref<96xi32, #tpu.memory_space<vmem>>, vector<16xi32>,
          %broadcast_in_dim3A_176 = arith.constant 16384 : i32
          %broadcast_in_dim3A_177 = vector.broadcast %broadcast_in_dim3A_176 : i32 to vector<16xi32>
          %swap3A_178 = arith.constant 32 : index
          %swap3A_179 = tpu.vector_load %arg12[%swap3A_178] {strides = array<i32>} : memref<96xi32, #tpu.memory_space<vmem>>, vector<16xi32>,
          tpu.vector_store %arg12[%swap3A_178], %broadcast_in_dim3A_177 {strides = array<i32>} : memref<96xi32, #tpu.memory_space<vmem>>, vector<16xi32>,
          %broadcast_in_dim3A_180 = arith.constant 16384 : i32
          %broadcast_in_dim3A_181 = vector.broadcast %broadcast_in_dim3A_180 : i32 to vector<16xi32>
          %swap3A_182 = arith.constant 48 : index
          %swap3A_183 = tpu.vector_load %arg12[%swap3A_182] {strides = array<i32>} : memref<96xi32, #tpu.memory_space<vmem>>, vector<16xi32>,
          tpu.vector_store %arg12[%swap3A_182], %broadcast_in_dim3A_181 {strides = array<i32>} : memref<96xi32, #tpu.memory_space<vmem>>, vector<16xi32>,
          %broadcast_in_dim3A_184 = arith.constant 16384 : i32
          %broadcast_in_dim3A_185 = vector.broadcast %broadcast_in_dim3A_184 : i32 to vector<16xi32>
          %swap3A_186 = arith.constant 64 : index
          %swap3A_187 = tpu.vector_load %arg12[%swap3A_186] {strides = array<i32>} : memref<96xi32, #tpu.memory_space<vmem>>, vector<16xi32>,
          tpu.vector_store %arg12[%swap3A_186], %broadcast_in_dim3A_185 {strides = array<i32>} : memref<96xi32, #tpu.memory_space<vmem>>, vector<16xi32>,
          %broadcast_in_dim3A_188 = arith.constant 16384 : i32
          %broadcast_in_dim3A_189 = vector.broadcast %broadcast_in_dim3A_188 : i32 to vector<16xi32>
          %swap3A_190 = arith.constant 80 : index
          %swap3A_191 = tpu.vector_load %arg12[%swap3A_190] {strides = array<i32>} : memref<96xi32, #tpu.memory_space<vmem>>, vector<16xi32>,
          tpu.vector_store %arg12[%swap3A_190], %broadcast_in_dim3A_189 {strides = array<i32>} : memref<96xi32, #tpu.memory_space<vmem>>, vector<16xi32>,
          %cond3A_192 = arith.constant 0 : i32
          scf.yield %cond3A_192 : i32
        } else {
          scf.yield %add3A_155 : i32
        }
        scf.yield %cond3A_161 : i32
      }
      %while3A_138 = arith.constant 1 : i32
      %while3A_139 = scf.for %while3A_140 = %while3A_135 to %while3A_131 step %while3A_138 iter_args(%while3A_141 = %while3A_137) -> (i32)  : i32 {
        %mul3A_142 = arith.constant 16 : i32
        %mul3A_143 = arith.muli %while3A_140, %mul3A_142 : i32
        %get3A = arith.index_cast %mul3A_143 : i32 to index
        %get3A_144 = tpu.vector_load %arg7[%get3A] {strides = array<i32>} : memref<16400xi32, #tpu.memory_space<vmem>>, vector<16xi32>,
        %ge3A = vector.broadcast %while3A : i32 to vector<16xi32>
        %ge3A_145 = arith.cmpi sge, %get3A_144, %ge3A : vector<16xi32>
        %add3A_146 = arith.constant 64 : i32
        %add3A_147 = arith.addi %while3A, %add3A_146 : i32
        %lt3A_148 = vector.broadcast %add3A_147 : i32 to vector<16xi32>
        %lt3A_149 = arith.cmpi slt, %get3A_144, %lt3A_148 : vector<16xi32>
        %and3A_150 = arith.andi %ge3A_145, %lt3A_149 : vector<16xi1>
        %all_reduce_population_count3A = tpu.all_reduce %and3A_150 {dim = 0 : i64, kind = #tpu.reduction_kind<sum>} : vector<16xi1> -> vector<16xi32>
        %slice3A = vector.extract_strided_slice %all_reduce_population_count3A {offsets = [0], sizes = [1], strides = [1]} : vector<16xi32> to vector<1xi32>
        %squeeze3A = vector.extract %slice3A[0] : i32 from vector<1xi32>
        %gt3A = arith.constant 0 : i32
        %gt3A_151 = arith.cmpi sgt, %squeeze3A, %gt3A : i32
        %convert_element_type3A_152 = arith.extui %gt3A_151 : i1 to i32
        %cond3A_153 = arith.constant 0 : i32
        %cond3A_154 = arith.cmpi ne, %convert_element_type3A_152, %cond3A_153 : i32
        scf.if %cond3A_154 {
          %mul3A_162 = arith.constant 16 : i32
          %mul3A_163 = arith.muli %while3A_140, %mul3A_162 : i32
          %get3A_164 = arith.index_cast %mul3A_163 : i32 to index
          %get3A_165 = tpu.vector_load %arg6[%get3A_164] {strides = array<i32>} : memref<16400xi32, #tpu.memory_space<vmem>>, vector<16xi32>,
          %jit3A_166 = arith.constant 1 : i32
          %jit3A_167 = arith.constant 0 : i32
          %broadcast_in_dim3A_168 = vector.broadcast %jit3A_166 : i32 to vector<16xi32>
          %broadcast_in_dim3A_169 = vector.broadcast %jit3A_167 : i32 to vector<16xi32>
          %select_n3A_170 = arith.select %and3A_150, %broadcast_in_dim3A_168, %broadcast_in_dim3A_169 : vector<16xi1>, vector<16xi32>
          %broadcast_in_dim3A_171 = arith.constant true
          %broadcast_in_dim3A_172 = vector.broadcast %broadcast_in_dim3A_171 : i1 to vector<16xi1>
          %masked_cumsum3A = tpu.scan <sum>, %select_n3A_170 masked %broadcast_in_dim3A_172 : vector<16xi32>, vector<16xi1> -> vector<16xi32>
          %add3A_173 = vector.broadcast %while3A_141 : i32 to vector<16xi32>
          %add3A_174 = arith.addi %add3A_173, %masked_cumsum3A : vector<16xi32>
          %sub3A_175 = arith.constant 1 : i32
          %sub3A_176 = vector.broadcast %sub3A_175 : i32 to vector<16xi32>
          %sub3A_177 = arith.subi %add3A_174, %sub3A_176 : vector<16xi32>
          %sub3A_178 = vector.broadcast %while3A : i32 to vector<16xi32>
          %sub3A_179 = arith.subi %get3A_144, %sub3A_178 : vector<16xi32>
          %jit3A_180 = arith.constant 0 : i32
          %broadcast_in_dim3A_181 = vector.broadcast %jit3A_180 : i32 to vector<16xi32>
          %select_n3A_182 = arith.select %and3A_150, %sub3A_179, %broadcast_in_dim3A_181 : vector<16xi1>, vector<16xi32>
          %broadcast_in_dim3A_183 = arith.constant 0 : i32
          %broadcast_in_dim3A_184 = vector.broadcast %broadcast_in_dim3A_183 : i32 to vector<16xi32>
          %gather3A = tpu.vector_load_idx %arg10[%broadcast_in_dim3A_184, %select_n3A_182] masked %and3A_150 : memref<32x64xf32, #tpu.memory_space<vmem>>[vector<16xi32>, vector<16xi32>], vector<16xf32>, vector<16xi1>
          %broadcast_in_dim3A_185 = arith.constant 0 : i32
          %broadcast_in_dim3A_186 = vector.broadcast %broadcast_in_dim3A_185 : i32 to vector<16xi32>
          tpu.vector_store_idx %arg11[%sub3A_177, %broadcast_in_dim3A_186], %gather3A masked %and3A_150 : memref<96x128xf32, #tpu.memory_space<vmem>>[vector<16xi32>, vector<16xi32>], vector<16xf32>, vector<16xi1>
          %broadcast_in_dim3A_187 = arith.constant 1 : i32
          %broadcast_in_dim3A_188 = vector.broadcast %broadcast_in_dim3A_187 : i32 to vector<16xi32>
          %gather3A_189 = tpu.vector_load_idx %arg10[%broadcast_in_dim3A_188, %select_n3A_182] masked %and3A_150 : memref<32x64xf32, #tpu.memory_space<vmem>>[vector<16xi32>, vector<16xi32>], vector<16xf32>, vector<16xi1>
          %broadcast_in_dim3A_190 = arith.constant 1 : i32
          %broadcast_in_dim3A_191 = vector.broadcast %broadcast_in_dim3A_190 : i32 to vector<16xi32>
          tpu.vector_store_idx %arg11[%sub3A_177, %broadcast_in_dim3A_191], %gather3A_189 masked %and3A_150 : memref<96x128xf32, #tpu.memory_space<vmem>>[vector<16xi32>, vector<16xi32>], vector<16xf32>, vector<16xi1>
          %broadcast_in_dim3A_192 = arith.constant 2 : i32
          %broadcast_in_dim3A_193 = vector.broadcast %broadcast_in_dim3A_192 : i32 to vector<16xi32>
          %gather3A_194 = tpu.vector_load_idx %arg10[%broadcast_in_dim3A_193, %select_n3A_182] masked %and3A_150 : memref<32x64xf32, #tpu.memory_space<vmem>>[vector<16xi32>, vector<16xi32>], vector<16xf32>, vector<16xi1>
          %broadcast_in_dim3A_195 = arith.constant 2 : i32
          %broadcast_in_dim3A_196 = vector.broadcast %broadcast_in_dim3A_195 : i32 to vector<16xi32>
          tpu.vector_store_idx %arg11[%sub3A_177, %broadcast_in_dim3A_196], %gather3A_194 masked %and3A_150 : memref<96x128xf32, #tpu.memory_space<vmem>>[vector<16xi32>, vector<16xi32>], vector<16xf32>, vector<16xi1>
          %broadcast_in_dim3A_197 = arith.constant 3 : i32
          %broadcast_in_dim3A_198 = vector.broadcast %broadcast_in_dim3A_197 : i32 to vector<16xi32>
          %gather3A_199 = tpu.vector_load_idx %arg10[%broadcast_in_dim3A_198, %select_n3A_182] masked %and3A_150 : memref<32x64xf32, #tpu.memory_space<vmem>>[vector<16xi32>, vector<16xi32>], vector<16xf32>, vector<16xi1>
          %broadcast_in_dim3A_200 = arith.constant 3 : i32
          %broadcast_in_dim3A_201 = vector.broadcast %broadcast_in_dim3A_200 : i32 to vector<16xi32>
          tpu.vector_store_idx %arg11[%sub3A_177, %broadcast_in_dim3A_201], %gather3A_199 masked %and3A_150 : memref<96x128xf32, #tpu.memory_space<vmem>>[vector<16xi32>, vector<16xi32>], vector<16xf32>, vector<16xi1>
          %broadcast_in_dim3A_202 = arith.constant 4 : i32
          %broadcast_in_dim3A_203 = vector.broadcast %broadcast_in_dim3A_202 : i32 to vector<16xi32>
          %gather3A_204 = tpu.vector_load_idx %arg10[%broadcast_in_dim3A_203, %select_n3A_182] masked %and3A_150 : memref<32x64xf32, #tpu.memory_space<vmem>>[vector<16xi32>, vector<16xi32>], vector<16xf32>, vector<16xi1>
          %broadcast_in_dim3A_205 = arith.constant 4 : i32
          %broadcast_in_dim3A_206 = vector.broadcast %broadcast_in_dim3A_205 : i32 to vector<16xi32>
          tpu.vector_store_idx %arg11[%sub3A_177, %broadcast_in_dim3A_206], %gather3A_204 masked %and3A_150 : memref<96x128xf32, #tpu.memory_space<vmem>>[vector<16xi32>, vector<16xi32>], vector<16xf32>, vector<16xi1>
          %broadcast_in_dim3A_207 = arith.constant 5 : i32
          %broadcast_in_dim3A_208 = vector.broadcast %broadcast_in_dim3A_207 : i32 to vector<16xi32>
          %gather3A_209 = tpu.vector_load_idx %arg10[%broadcast_in_dim3A_208, %select_n3A_182] masked %and3A_150 : memref<32x64xf32, #tpu.memory_space<vmem>>[vector<16xi32>, vector<16xi32>], vector<16xf32>, vector<16xi1>
          %broadcast_in_dim3A_210 = arith.constant 5 : i32
          %broadcast_in_dim3A_211 = vector.broadcast %broadcast_in_dim3A_210 : i32 to vector<16xi32>
          tpu.vector_store_idx %arg11[%sub3A_177, %broadcast_in_dim3A_211], %gather3A_209 masked %and3A_150 : memref<96x128xf32, #tpu.memory_space<vmem>>[vector<16xi32>, vector<16xi32>], vector<16xf32>, vector<16xi1>
          %broadcast_in_dim3A_212 = arith.constant 6 : i32
          %broadcast_in_dim3A_213 = vector.broadcast %broadcast_in_dim3A_212 : i32 to vector<16xi32>
          %gather3A_214 = tpu.vector_load_idx %arg10[%broadcast_in_dim3A_213, %select_n3A_182] masked %and3A_150 : memref<32x64xf32, #tpu.memory_space<vmem>>[vector<16xi32>, vector<16xi32>], vector<16xf32>, vector<16xi1>
          %broadcast_in_dim3A_215 = arith.constant 6 : i32
          %broadcast_in_dim3A_216 = vector.broadcast %broadcast_in_dim3A_215 : i32 to vector<16xi32>
          tpu.vector_store_idx %arg11[%sub3A_177, %broadcast_in_dim3A_216], %gather3A_214 masked %and3A_150 : memref<96x128xf32, #tpu.memory_space<vmem>>[vector<16xi32>, vector<16xi32>], vector<16xf32>, vector<16xi1>
          %broadcast_in_dim3A_217 = arith.constant 7 : i32
          %broadcast_in_dim3A_218 = vector.broadcast %broadcast_in_dim3A_217 : i32 to vector<16xi32>
          %gather3A_219 = tpu.vector_load_idx %arg10[%broadcast_in_dim3A_218, %select_n3A_182] masked %and3A_150 : memref<32x64xf32, #tpu.memory_space<vmem>>[vector<16xi32>, vector<16xi32>], vector<16xf32>, vector<16xi1>
          %broadcast_in_dim3A_220 = arith.constant 7 : i32
          %broadcast_in_dim3A_221 = vector.broadcast %broadcast_in_dim3A_220 : i32 to vector<16xi32>
          tpu.vector_store_idx %arg11[%sub3A_177, %broadcast_in_dim3A_221], %gather3A_219 masked %and3A_150 : memref<96x128xf32, #tpu.memory_space<vmem>>[vector<16xi32>, vector<16xi32>], vector<16xf32>, vector<16xi1>
          %broadcast_in_dim3A_222 = arith.constant 8 : i32
          %broadcast_in_dim3A_223 = vector.broadcast %broadcast_in_dim3A_222 : i32 to vector<16xi32>
          %gather3A_224 = tpu.vector_load_idx %arg10[%broadcast_in_dim3A_223, %select_n3A_182] masked %and3A_150 : memref<32x64xf32, #tpu.memory_space<vmem>>[vector<16xi32>, vector<16xi32>], vector<16xf32>, vector<16xi1>
          %broadcast_in_dim3A_225 = arith.constant 8 : i32
          %broadcast_in_dim3A_226 = vector.broadcast %broadcast_in_dim3A_225 : i32 to vector<16xi32>
          tpu.vector_store_idx %arg11[%sub3A_177, %broadcast_in_dim3A_226], %gather3A_224 masked %and3A_150 : memref<96x128xf32, #tpu.memory_space<vmem>>[vector<16xi32>, vector<16xi32>], vector<16xf32>, vector<16xi1>
          %broadcast_in_dim3A_227 = arith.constant 9 : i32
          %broadcast_in_dim3A_228 = vector.broadcast %broadcast_in_dim3A_227 : i32 to vector<16xi32>
          %gather3A_229 = tpu.vector_load_idx %arg10[%broadcast_in_dim3A_228, %select_n3A_182] masked %and3A_150 : memref<32x64xf32, #tpu.memory_space<vmem>>[vector<16xi32>, vector<16xi32>], vector<16xf32>, vector<16xi1>
          %broadcast_in_dim3A_230 = arith.constant 9 : i32
          %broadcast_in_dim3A_231 = vector.broadcast %broadcast_in_dim3A_230 : i32 to vector<16xi32>
          tpu.vector_store_idx %arg11[%sub3A_177, %broadcast_in_dim3A_231], %gather3A_229 masked %and3A_150 : memref<96x128xf32, #tpu.memory_space<vmem>>[vector<16xi32>, vector<16xi32>], vector<16xf32>, vector<16xi1>
          %broadcast_in_dim3A_232 = arith.constant 10 : i32
          %broadcast_in_dim3A_233 = vector.broadcast %broadcast_in_dim3A_232 : i32 to vector<16xi32>
          %gather3A_234 = tpu.vector_load_idx %arg10[%broadcast_in_dim3A_233, %select_n3A_182] masked %and3A_150 : memref<32x64xf32, #tpu.memory_space<vmem>>[vector<16xi32>, vector<16xi32>], vector<16xf32>, vector<16xi1>
          %broadcast_in_dim3A_235 = arith.constant 10 : i32
          %broadcast_in_dim3A_236 = vector.broadcast %broadcast_in_dim3A_235 : i32 to vector<16xi32>
          tpu.vector_store_idx %arg11[%sub3A_177, %broadcast_in_dim3A_236], %gather3A_234 masked %and3A_150 : memref<96x128xf32, #tpu.memory_space<vmem>>[vector<16xi32>, vector<16xi32>], vector<16xf32>, vector<16xi1>
          %broadcast_in_dim3A_237 = arith.constant 11 : i32
          %broadcast_in_dim3A_238 = vector.broadcast %broadcast_in_dim3A_237 : i32 to vector<16xi32>
          %gather3A_239 = tpu.vector_load_idx %arg10[%broadcast_in_dim3A_238, %select_n3A_182] masked %and3A_150 : memref<32x64xf32, #tpu.memory_space<vmem>>[vector<16xi32>, vector<16xi32>], vector<16xf32>, vector<16xi1>
          %broadcast_in_dim3A_240 = arith.constant 11 : i32
          %broadcast_in_dim3A_241 = vector.broadcast %broadcast_in_dim3A_240 : i32 to vector<16xi32>
          tpu.vector_store_idx %arg11[%sub3A_177, %broadcast_in_dim3A_241], %gather3A_239 masked %and3A_150 : memref<96x128xf32, #tpu.memory_space<vmem>>[vector<16xi32>, vector<16xi32>], vector<16xf32>, vector<16xi1>
          %broadcast_in_dim3A_242 = arith.constant 12 : i32
          %broadcast_in_dim3A_243 = vector.broadcast %broadcast_in_dim3A_242 : i32 to vector<16xi32>
          %gather3A_244 = tpu.vector_load_idx %arg10[%broadcast_in_dim3A_243, %select_n3A_182] masked %and3A_150 : memref<32x64xf32, #tpu.memory_space<vmem>>[vector<16xi32>, vector<16xi32>], vector<16xf32>, vector<16xi1>
          %broadcast_in_dim3A_245 = arith.constant 12 : i32
          %broadcast_in_dim3A_246 = vector.broadcast %broadcast_in_dim3A_245 : i32 to vector<16xi32>
          tpu.vector_store_idx %arg11[%sub3A_177, %broadcast_in_dim3A_246], %gather3A_244 masked %and3A_150 : memref<96x128xf32, #tpu.memory_space<vmem>>[vector<16xi32>, vector<16xi32>], vector<16xf32>, vector<16xi1>
          %broadcast_in_dim3A_247 = arith.constant 13 : i32
          %broadcast_in_dim3A_248 = vector.broadcast %broadcast_in_dim3A_247 : i32 to vector<16xi32>
          %gather3A_249 = tpu.vector_load_idx %arg10[%broadcast_in_dim3A_248, %select_n3A_182] masked %and3A_150 : memref<32x64xf32, #tpu.memory_space<vmem>>[vector<16xi32>, vector<16xi32>], vector<16xf32>, vector<16xi1>
          %broadcast_in_dim3A_250 = arith.constant 13 : i32
          %broadcast_in_dim3A_251 = vector.broadcast %broadcast_in_dim3A_250 : i32 to vector<16xi32>
          tpu.vector_store_idx %arg11[%sub3A_177, %broadcast_in_dim3A_251], %gather3A_249 masked %and3A_150 : memref<96x128xf32, #tpu.memory_space<vmem>>[vector<16xi32>, vector<16xi32>], vector<16xf32>, vector<16xi1>
          %broadcast_in_dim3A_252 = arith.constant 14 : i32
          %broadcast_in_dim3A_253 = vector.broadcast %broadcast_in_dim3A_252 : i32 to vector<16xi32>
          %gather3A_254 = tpu.vector_load_idx %arg10[%broadcast_in_dim3A_253, %select_n3A_182] masked %and3A_150 : memref<32x64xf32, #tpu.memory_space<vmem>>[vector<16xi32>, vector<16xi32>], vector<16xf32>, vector<16xi1>
          %broadcast_in_dim3A_255 = arith.constant 14 : i32
          %broadcast_in_dim3A_256 = vector.broadcast %broadcast_in_dim3A_255 : i32 to vector<16xi32>
          tpu.vector_store_idx %arg11[%sub3A_177, %broadcast_in_dim3A_256], %gather3A_254 masked %and3A_150 : memref<96x128xf32, #tpu.memory_space<vmem>>[vector<16xi32>, vector<16xi32>], vector<16xf32>, vector<16xi1>
          %broadcast_in_dim3A_257 = arith.constant 15 : i32
          %broadcast_in_dim3A_258 = vector.broadcast %broadcast_in_dim3A_257 : i32 to vector<16xi32>
          %gather3A_259 = tpu.vector_load_idx %arg10[%broadcast_in_dim3A_258, %select_n3A_182] masked %and3A_150 : memref<32x64xf32, #tpu.memory_space<vmem>>[vector<16xi32>, vector<16xi32>], vector<16xf32>, vector<16xi1>
          %broadcast_in_dim3A_260 = arith.constant 15 : i32
          %broadcast_in_dim3A_261 = vector.broadcast %broadcast_in_dim3A_260 : i32 to vector<16xi32>
          tpu.vector_store_idx %arg11[%sub3A_177, %broadcast_in_dim3A_261], %gather3A_259 masked %and3A_150 : memref<96x128xf32, #tpu.memory_space<vmem>>[vector<16xi32>, vector<16xi32>], vector<16xf32>, vector<16xi1>
          %broadcast_in_dim3A_262 = arith.constant 16 : i32
          %broadcast_in_dim3A_263 = vector.broadcast %broadcast_in_dim3A_262 : i32 to vector<16xi32>
          %gather3A_264 = tpu.vector_load_idx %arg10[%broadcast_in_dim3A_263, %select_n3A_182] masked %and3A_150 : memref<32x64xf32, #tpu.memory_space<vmem>>[vector<16xi32>, vector<16xi32>], vector<16xf32>, vector<16xi1>
          %broadcast_in_dim3A_265 = arith.constant 16 : i32
          %broadcast_in_dim3A_266 = vector.broadcast %broadcast_in_dim3A_265 : i32 to vector<16xi32>
          tpu.vector_store_idx %arg11[%sub3A_177, %broadcast_in_dim3A_266], %gather3A_264 masked %and3A_150 : memref<96x128xf32, #tpu.memory_space<vmem>>[vector<16xi32>, vector<16xi32>], vector<16xf32>, vector<16xi1>
          %broadcast_in_dim3A_267 = arith.constant 17 : i32
          %broadcast_in_dim3A_268 = vector.broadcast %broadcast_in_dim3A_267 : i32 to vector<16xi32>
          %gather3A_269 = tpu.vector_load_idx %arg10[%broadcast_in_dim3A_268, %select_n3A_182] masked %and3A_150 : memref<32x64xf32, #tpu.memory_space<vmem>>[vector<16xi32>, vector<16xi32>], vector<16xf32>, vector<16xi1>
          %broadcast_in_dim3A_270 = arith.constant 17 : i32
          %broadcast_in_dim3A_271 = vector.broadcast %broadcast_in_dim3A_270 : i32 to vector<16xi32>
          tpu.vector_store_idx %arg11[%sub3A_177, %broadcast_in_dim3A_271], %gather3A_269 masked %and3A_150 : memref<96x128xf32, #tpu.memory_space<vmem>>[vector<16xi32>, vector<16xi32>], vector<16xf32>, vector<16xi1>
          %broadcast_in_dim3A_272 = arith.constant 18 : i32
          %broadcast_in_dim3A_273 = vector.broadcast %broadcast_in_dim3A_272 : i32 to vector<16xi32>
          %gather3A_274 = tpu.vector_load_idx %arg10[%broadcast_in_dim3A_273, %select_n3A_182] masked %and3A_150 : memref<32x64xf32, #tpu.memory_space<vmem>>[vector<16xi32>, vector<16xi32>], vector<16xf32>, vector<16xi1>
          %broadcast_in_dim3A_275 = arith.constant 18 : i32
          %broadcast_in_dim3A_276 = vector.broadcast %broadcast_in_dim3A_275 : i32 to vector<16xi32>
          tpu.vector_store_idx %arg11[%sub3A_177, %broadcast_in_dim3A_276], %gather3A_274 masked %and3A_150 : memref<96x128xf32, #tpu.memory_space<vmem>>[vector<16xi32>, vector<16xi32>], vector<16xf32>, vector<16xi1>
          %broadcast_in_dim3A_277 = arith.constant 19 : i32
          %broadcast_in_dim3A_278 = vector.broadcast %broadcast_in_dim3A_277 : i32 to vector<16xi32>
          %gather3A_279 = tpu.vector_load_idx %arg10[%broadcast_in_dim3A_278, %select_n3A_182] masked %and3A_150 : memref<32x64xf32, #tpu.memory_space<vmem>>[vector<16xi32>, vector<16xi32>], vector<16xf32>, vector<16xi1>
          %broadcast_in_dim3A_280 = arith.constant 19 : i32
          %broadcast_in_dim3A_281 = vector.broadcast %broadcast_in_dim3A_280 : i32 to vector<16xi32>
          tpu.vector_store_idx %arg11[%sub3A_177, %broadcast_in_dim3A_281], %gather3A_279 masked %and3A_150 : memref<96x128xf32, #tpu.memory_space<vmem>>[vector<16xi32>, vector<16xi32>], vector<16xf32>, vector<16xi1>
          %broadcast_in_dim3A_282 = arith.constant 20 : i32
          %broadcast_in_dim3A_283 = vector.broadcast %broadcast_in_dim3A_282 : i32 to vector<16xi32>
          %gather3A_284 = tpu.vector_load_idx %arg10[%broadcast_in_dim3A_283, %select_n3A_182] masked %and3A_150 : memref<32x64xf32, #tpu.memory_space<vmem>>[vector<16xi32>, vector<16xi32>], vector<16xf32>, vector<16xi1>
          %broadcast_in_dim3A_285 = arith.constant 20 : i32
          %broadcast_in_dim3A_286 = vector.broadcast %broadcast_in_dim3A_285 : i32 to vector<16xi32>
          tpu.vector_store_idx %arg11[%sub3A_177, %broadcast_in_dim3A_286], %gather3A_284 masked %and3A_150 : memref<96x128xf32, #tpu.memory_space<vmem>>[vector<16xi32>, vector<16xi32>], vector<16xf32>, vector<16xi1>
          %broadcast_in_dim3A_287 = arith.constant 21 : i32
          %broadcast_in_dim3A_288 = vector.broadcast %broadcast_in_dim3A_287 : i32 to vector<16xi32>
          %gather3A_289 = tpu.vector_load_idx %arg10[%broadcast_in_dim3A_288, %select_n3A_182] masked %and3A_150 : memref<32x64xf32, #tpu.memory_space<vmem>>[vector<16xi32>, vector<16xi32>], vector<16xf32>, vector<16xi1>
          %broadcast_in_dim3A_290 = arith.constant 21 : i32
          %broadcast_in_dim3A_291 = vector.broadcast %broadcast_in_dim3A_290 : i32 to vector<16xi32>
          tpu.vector_store_idx %arg11[%sub3A_177, %broadcast_in_dim3A_291], %gather3A_289 masked %and3A_150 : memref<96x128xf32, #tpu.memory_space<vmem>>[vector<16xi32>, vector<16xi32>], vector<16xf32>, vector<16xi1>
          %broadcast_in_dim3A_292 = arith.constant 22 : i32
          %broadcast_in_dim3A_293 = vector.broadcast %broadcast_in_dim3A_292 : i32 to vector<16xi32>
          %gather3A_294 = tpu.vector_load_idx %arg10[%broadcast_in_dim3A_293, %select_n3A_182] masked %and3A_150 : memref<32x64xf32, #tpu.memory_space<vmem>>[vector<16xi32>, vector<16xi32>], vector<16xf32>, vector<16xi1>
          %broadcast_in_dim3A_295 = arith.constant 22 : i32
          %broadcast_in_dim3A_296 = vector.broadcast %broadcast_in_dim3A_295 : i32 to vector<16xi32>
          tpu.vector_store_idx %arg11[%sub3A_177, %broadcast_in_dim3A_296], %gather3A_294 masked %and3A_150 : memref<96x128xf32, #tpu.memory_space<vmem>>[vector<16xi32>, vector<16xi32>], vector<16xf32>, vector<16xi1>
          %broadcast_in_dim3A_297 = arith.constant 23 : i32
          %broadcast_in_dim3A_298 = vector.broadcast %broadcast_in_dim3A_297 : i32 to vector<16xi32>
          %gather3A_299 = tpu.vector_load_idx %arg10[%broadcast_in_dim3A_298, %select_n3A_182] masked %and3A_150 : memref<32x64xf32, #tpu.memory_space<vmem>>[vector<16xi32>, vector<16xi32>], vector<16xf32>, vector<16xi1>
          %broadcast_in_dim3A_300 = arith.constant 23 : i32
          %broadcast_in_dim3A_301 = vector.broadcast %broadcast_in_dim3A_300 : i32 to vector<16xi32>
          tpu.vector_store_idx %arg11[%sub3A_177, %broadcast_in_dim3A_301], %gather3A_299 masked %and3A_150 : memref<96x128xf32, #tpu.memory_space<vmem>>[vector<16xi32>, vector<16xi32>], vector<16xf32>, vector<16xi1>
          %broadcast_in_dim3A_302 = arith.constant 24 : i32
          %broadcast_in_dim3A_303 = vector.broadcast %broadcast_in_dim3A_302 : i32 to vector<16xi32>
          %gather3A_304 = tpu.vector_load_idx %arg10[%broadcast_in_dim3A_303, %select_n3A_182] masked %and3A_150 : memref<32x64xf32, #tpu.memory_space<vmem>>[vector<16xi32>, vector<16xi32>], vector<16xf32>, vector<16xi1>
          %broadcast_in_dim3A_305 = arith.constant 24 : i32
          %broadcast_in_dim3A_306 = vector.broadcast %broadcast_in_dim3A_305 : i32 to vector<16xi32>
          tpu.vector_store_idx %arg11[%sub3A_177, %broadcast_in_dim3A_306], %gather3A_304 masked %and3A_150 : memref<96x128xf32, #tpu.memory_space<vmem>>[vector<16xi32>, vector<16xi32>], vector<16xf32>, vector<16xi1>
          %broadcast_in_dim3A_307 = arith.constant 25 : i32
          %broadcast_in_dim3A_308 = vector.broadcast %broadcast_in_dim3A_307 : i32 to vector<16xi32>
          %gather3A_309 = tpu.vector_load_idx %arg10[%broadcast_in_dim3A_308, %select_n3A_182] masked %and3A_150 : memref<32x64xf32, #tpu.memory_space<vmem>>[vector<16xi32>, vector<16xi32>], vector<16xf32>, vector<16xi1>
          %broadcast_in_dim3A_310 = arith.constant 25 : i32
          %broadcast_in_dim3A_311 = vector.broadcast %broadcast_in_dim3A_310 : i32 to vector<16xi32>
          tpu.vector_store_idx %arg11[%sub3A_177, %broadcast_in_dim3A_311], %gather3A_309 masked %and3A_150 : memref<96x128xf32, #tpu.memory_space<vmem>>[vector<16xi32>, vector<16xi32>], vector<16xf32>, vector<16xi1>
          %broadcast_in_dim3A_312 = arith.constant 26 : i32
          %broadcast_in_dim3A_313 = vector.broadcast %broadcast_in_dim3A_312 : i32 to vector<16xi32>
          %gather3A_314 = tpu.vector_load_idx %arg10[%broadcast_in_dim3A_313, %select_n3A_182] masked %and3A_150 : memref<32x64xf32, #tpu.memory_space<vmem>>[vector<16xi32>, vector<16xi32>], vector<16xf32>, vector<16xi1>
          %broadcast_in_dim3A_315 = arith.constant 26 : i32
          %broadcast_in_dim3A_316 = vector.broadcast %broadcast_in_dim3A_315 : i32 to vector<16xi32>
          tpu.vector_store_idx %arg11[%sub3A_177, %broadcast_in_dim3A_316], %gather3A_314 masked %and3A_150 : memref<96x128xf32, #tpu.memory_space<vmem>>[vector<16xi32>, vector<16xi32>], vector<16xf32>, vector<16xi1>
          %broadcast_in_dim3A_317 = arith.constant 27 : i32
          %broadcast_in_dim3A_318 = vector.broadcast %broadcast_in_dim3A_317 : i32 to vector<16xi32>
          %gather3A_319 = tpu.vector_load_idx %arg10[%broadcast_in_dim3A_318, %select_n3A_182] masked %and3A_150 : memref<32x64xf32, #tpu.memory_space<vmem>>[vector<16xi32>, vector<16xi32>], vector<16xf32>, vector<16xi1>
          %broadcast_in_dim3A_320 = arith.constant 27 : i32
          %broadcast_in_dim3A_321 = vector.broadcast %broadcast_in_dim3A_320 : i32 to vector<16xi32>
          tpu.vector_store_idx %arg11[%sub3A_177, %broadcast_in_dim3A_321], %gather3A_319 masked %and3A_150 : memref<96x128xf32, #tpu.memory_space<vmem>>[vector<16xi32>, vector<16xi32>], vector<16xf32>, vector<16xi1>
          %broadcast_in_dim3A_322 = arith.constant 28 : i32
          %broadcast_in_dim3A_323 = vector.broadcast %broadcast_in_dim3A_322 : i32 to vector<16xi32>
          %gather3A_324 = tpu.vector_load_idx %arg10[%broadcast_in_dim3A_323, %select_n3A_182] masked %and3A_150 : memref<32x64xf32, #tpu.memory_space<vmem>>[vector<16xi32>, vector<16xi32>], vector<16xf32>, vector<16xi1>
          %broadcast_in_dim3A_325 = arith.constant 28 : i32
          %broadcast_in_dim3A_326 = vector.broadcast %broadcast_in_dim3A_325 : i32 to vector<16xi32>
          tpu.vector_store_idx %arg11[%sub3A_177, %broadcast_in_dim3A_326], %gather3A_324 masked %and3A_150 : memref<96x128xf32, #tpu.memory_space<vmem>>[vector<16xi32>, vector<16xi32>], vector<16xf32>, vector<16xi1>
          %broadcast_in_dim3A_327 = arith.constant 29 : i32
          %broadcast_in_dim3A_328 = vector.broadcast %broadcast_in_dim3A_327 : i32 to vector<16xi32>
          %gather3A_329 = tpu.vector_load_idx %arg10[%broadcast_in_dim3A_328, %select_n3A_182] masked %and3A_150 : memref<32x64xf32, #tpu.memory_space<vmem>>[vector<16xi32>, vector<16xi32>], vector<16xf32>, vector<16xi1>
          %broadcast_in_dim3A_330 = arith.constant 29 : i32
          %broadcast_in_dim3A_331 = vector.broadcast %broadcast_in_dim3A_330 : i32 to vector<16xi32>
          tpu.vector_store_idx %arg11[%sub3A_177, %broadcast_in_dim3A_331], %gather3A_329 masked %and3A_150 : memref<96x128xf32, #tpu.memory_space<vmem>>[vector<16xi32>, vector<16xi32>], vector<16xf32>, vector<16xi1>
          %broadcast_in_dim3A_332 = arith.constant 30 : i32
          %broadcast_in_dim3A_333 = vector.broadcast %broadcast_in_dim3A_332 : i32 to vector<16xi32>
          %gather3A_334 = tpu.vector_load_idx %arg10[%broadcast_in_dim3A_333, %select_n3A_182] masked %and3A_150 : memref<32x64xf32, #tpu.memory_space<vmem>>[vector<16xi32>, vector<16xi32>], vector<16xf32>, vector<16xi1>
          %broadcast_in_dim3A_335 = arith.constant 30 : i32
          %broadcast_in_dim3A_336 = vector.broadcast %broadcast_in_dim3A_335 : i32 to vector<16xi32>
          tpu.vector_store_idx %arg11[%sub3A_177, %broadcast_in_dim3A_336], %gather3A_334 masked %and3A_150 : memref<96x128xf32, #tpu.memory_space<vmem>>[vector<16xi32>, vector<16xi32>], vector<16xf32>, vector<16xi1>
          %broadcast_in_dim3A_337 = arith.constant 31 : i32
          %broadcast_in_dim3A_338 = vector.broadcast %broadcast_in_dim3A_337 : i32 to vector<16xi32>
          %gather3A_339 = tpu.vector_load_idx %arg10[%broadcast_in_dim3A_338, %select_n3A_182] masked %and3A_150 : memref<32x64xf32, #tpu.memory_space<vmem>>[vector<16xi32>, vector<16xi32>], vector<16xf32>, vector<16xi1>
          %broadcast_in_dim3A_340 = arith.constant 31 : i32
          %broadcast_in_dim3A_341 = vector.broadcast %broadcast_in_dim3A_340 : i32 to vector<16xi32>
          tpu.vector_store_idx %arg11[%sub3A_177, %broadcast_in_dim3A_341], %gather3A_339 masked %and3A_150 : memref<96x128xf32, #tpu.memory_space<vmem>>[vector<16xi32>, vector<16xi32>], vector<16xf32>, vector<16xi1>
          tpu.vector_store_idx %arg12[%sub3A_177], %get3A_165 masked %and3A_150 : memref<96xi32, #tpu.memory_space<vmem>>[vector<16xi32>], vector<16xi32>, vector<16xi1>
        } else {
        }
        %add3A_155 = arith.addi %while3A_141, %squeeze3A : i32
        %ge3A_156 = arith.constant 80 : i32
        %ge3A_157 = arith.cmpi sge, %add3A_155, %ge3A_156 : i32
        %convert_element_type3A_158 = arith.extui %ge3A_157 : i1 to i32
        %cond3A_159 = arith.constant 0 : i32
        %cond3A_160 = arith.cmpi ne, %convert_element_type3A_158, %cond3A_159 : i32
        %cond3A_161 = scf.if %cond3A_160 -> (i32) {
          %dma_start3A_162 = arith.constant 0 : i32
          %dma_start3A_163 = arith.constant 0 : i32
          %dma_start3A_164 = tpu.memref_slice %arg4[%dma_start3A_162, %dma_start3A_163] : memref<18432x128xf32, #tpu.memory_space<hbm>> -> memref<18432x128xf32, #tpu.memory_space<hbm>>
          tpu.enqueue_indirect_dma source(%arg11 : memref<96x128xf32, #tpu.memory_space<vmem>>) target(%dma_start3A_164 : memref<18432x128xf32, #tpu.memory_space<hbm>>) offsets(%arg12 : memref<96xi32, #tpu.memory_space<vmem>>) semaphore(%arg15 : memref<!tpu.dma_semaphore, #tpu.memory_space<semaphore_mem>>)
          %dma_wait3A_165 = arith.constant 0 : i32
          %dma_wait3A_166 = arith.constant 0 : i32
          %dma_wait3A_167 = tpu.memref_slice %arg4[%dma_wait3A_165, %dma_wait3A_166] : memref<18432x128xf32, #tpu.memory_space<hbm>> -> memref<18432x128xf32, #tpu.memory_space<hbm>>
          tpu.wait_indirect_dma semaphore(%arg15 : memref<!tpu.dma_semaphore, #tpu.memory_space<semaphore_mem>>) src(%arg11 : memref<96x128xf32, #tpu.memory_space<vmem>>) dst(%dma_wait3A_167 : memref<18432x128xf32, #tpu.memory_space<hbm>>)
          %broadcast_in_dim3A_168 = arith.constant 16384 : i32
          %broadcast_in_dim3A_169 = vector.broadcast %broadcast_in_dim3A_168 : i32 to vector<16xi32>
          %swap3A_170 = arith.constant 0 : index
          %swap3A_171 = tpu.vector_load %arg12[%swap3A_170] {strides = array<i32>} : memref<96xi32, #tpu.memory_space<vmem>>, vector<16xi32>,
          tpu.vector_store %arg12[%swap3A_170], %broadcast_in_dim3A_169 {strides = array<i32>} : memref<96xi32, #tpu.memory_space<vmem>>, vector<16xi32>,
          %broadcast_in_dim3A_172 = arith.constant 16384 : i32
          %broadcast_in_dim3A_173 = vector.broadcast %broadcast_in_dim3A_172 : i32 to vector<16xi32>
          %swap3A_174 = arith.constant 16 : index
          %swap3A_175 = tpu.vector_load %arg12[%swap3A_174] {strides = array<i32>} : memref<96xi32, #tpu.memory_space<vmem>>, vector<16xi32>,
          tpu.vector_store %arg12[%swap3A_174], %broadcast_in_dim3A_173 {strides = array<i32>} : memref<96xi32, #tpu.memory_space<vmem>>, vector<16xi32>,
          %broadcast_in_dim3A_176 = arith.constant 16384 : i32
          %broadcast_in_dim3A_177 = vector.broadcast %broadcast_in_dim3A_176 : i32 to vector<16xi32>
          %swap3A_178 = arith.constant 32 : index
          %swap3A_179 = tpu.vector_load %arg12[%swap3A_178] {strides = array<i32>} : memref<96xi32, #tpu.memory_space<vmem>>, vector<16xi32>,
          tpu.vector_store %arg12[%swap3A_178], %broadcast_in_dim3A_177 {strides = array<i32>} : memref<96xi32, #tpu.memory_space<vmem>>, vector<16xi32>,
          %broadcast_in_dim3A_180 = arith.constant 16384 : i32
          %broadcast_in_dim3A_181 = vector.broadcast %broadcast_in_dim3A_180 : i32 to vector<16xi32>
          %swap3A_182 = arith.constant 48 : index
          %swap3A_183 = tpu.vector_load %arg12[%swap3A_182] {strides = array<i32>} : memref<96xi32, #tpu.memory_space<vmem>>, vector<16xi32>,
          tpu.vector_store %arg12[%swap3A_182], %broadcast_in_dim3A_181 {strides = array<i32>} : memref<96xi32, #tpu.memory_space<vmem>>, vector<16xi32>,
          %broadcast_in_dim3A_184 = arith.constant 16384 : i32
          %broadcast_in_dim3A_185 = vector.broadcast %broadcast_in_dim3A_184 : i32 to vector<16xi32>
          %swap3A_186 = arith.constant 64 : index
          %swap3A_187 = tpu.vector_load %arg12[%swap3A_186] {strides = array<i32>} : memref<96xi32, #tpu.memory_space<vmem>>, vector<16xi32>,
          tpu.vector_store %arg12[%swap3A_186], %broadcast_in_dim3A_185 {strides = array<i32>} : memref<96xi32, #tpu.memory_space<vmem>>, vector<16xi32>,
          %broadcast_in_dim3A_188 = arith.constant 16384 : i32
          %broadcast_in_dim3A_189 = vector.broadcast %broadcast_in_dim3A_188 : i32 to vector<16xi32>
          %swap3A_190 = arith.constant 80 : index
          %swap3A_191 = tpu.vector_load %arg12[%swap3A_190] {strides = array<i32>} : memref<96xi32, #tpu.memory_space<vmem>>, vector<16xi32>,
          tpu.vector_store %arg12[%swap3A_190], %broadcast_in_dim3A_189 {strides = array<i32>} : memref<96xi32, #tpu.memory_space<vmem>>, vector<16xi32>,
          %cond3A_192 = arith.constant 0 : i32
          scf.yield %cond3A_192 : i32
        } else {
          scf.yield %add3A_155 : i32
        }
        scf.yield %cond3A_161 : i32
      }
      scf.yield %while3A_139 : i32
    } else {
      scf.yield %scan3A_94 : i32
    }
    %dma_start3A_100 = arith.constant 0 : i32
    %dma_start3A_101 = arith.constant 0 : i32
    %dma_start3A_102 = tpu.memref_slice %arg4[%dma_start3A_100, %dma_start3A_101] : memref<18432x128xf32, #tpu.memory_space<hbm>> -> memref<18432x128xf32, #tpu.memory_space<hbm>>
    tpu.enqueue_indirect_dma source(%arg11 : memref<96x128xf32, #tpu.memory_space<vmem>>) target(%dma_start3A_102 : memref<18432x128xf32, #tpu.memory_space<hbm>>) offsets(%arg12 : memref<96xi32, #tpu.memory_space<vmem>>) semaphore(%arg15 : memref<!tpu.dma_semaphore, #tpu.memory_space<semaphore_mem>>)
    %dma_wait3A = arith.constant 0 : i32
    %dma_wait3A_103 = arith.constant 0 : i32
    %dma_wait3A_104 = tpu.memref_slice %arg4[%dma_wait3A, %dma_wait3A_103] : memref<18432x128xf32, #tpu.memory_space<hbm>> -> memref<18432x128xf32, #tpu.memory_space<hbm>>
    tpu.wait_indirect_dma semaphore(%arg15 : memref<!tpu.dma_semaphore, #tpu.memory_space<semaphore_mem>>) src(%arg11 : memref<96x128xf32, #tpu.memory_space<vmem>>) dst(%dma_wait3A_104 : memref<18432x128xf32, #tpu.memory_space<hbm>>)
    %broadcast_in_dim3A_105 = arith.constant 16384 : i32
    %broadcast_in_dim3A_106 = vector.broadcast %broadcast_in_dim3A_105 : i32 to vector<16xi32>
    %swap3A_107 = arith.constant 0 : index
    %swap3A_108 = tpu.vector_load %arg12[%swap3A_107] {strides = array<i32>} : memref<96xi32, #tpu.memory_space<vmem>>, vector<16xi32>,
    tpu.vector_store %arg12[%swap3A_107], %broadcast_in_dim3A_106 {strides = array<i32>} : memref<96xi32, #tpu.memory_space<vmem>>, vector<16xi32>,
    %broadcast_in_dim3A_109 = arith.constant 16384 : i32
    %broadcast_in_dim3A_110 = vector.broadcast %broadcast_in_dim3A_109 : i32 to vector<16xi32>
    %swap3A_111 = arith.constant 16 : index
    %swap3A_112 = tpu.vector_load %arg12[%swap3A_111] {strides = array<i32>} : memref<96xi32, #tpu.memory_space<vmem>>, vector<16xi32>,
    tpu.vector_store %arg12[%swap3A_111], %broadcast_in_dim3A_110 {strides = array<i32>} : memref<96xi32, #tpu.memory_space<vmem>>, vector<16xi32>,
    %broadcast_in_dim3A_113 = arith.constant 16384 : i32
    %broadcast_in_dim3A_114 = vector.broadcast %broadcast_in_dim3A_113 : i32 to vector<16xi32>
    %swap3A_115 = arith.constant 32 : index
    %swap3A_116 = tpu.vector_load %arg12[%swap3A_115] {strides = array<i32>} : memref<96xi32, #tpu.memory_space<vmem>>, vector<16xi32>,
    tpu.vector_store %arg12[%swap3A_115], %broadcast_in_dim3A_114 {strides = array<i32>} : memref<96xi32, #tpu.memory_space<vmem>>, vector<16xi32>,
    %broadcast_in_dim3A_117 = arith.constant 16384 : i32
    %broadcast_in_dim3A_118 = vector.broadcast %broadcast_in_dim3A_117 : i32 to vector<16xi32>
    %swap3A_119 = arith.constant 48 : index
    %swap3A_120 = tpu.vector_load %arg12[%swap3A_119] {strides = array<i32>} : memref<96xi32, #tpu.memory_space<vmem>>, vector<16xi32>,
    tpu.vector_store %arg12[%swap3A_119], %broadcast_in_dim3A_118 {strides = array<i32>} : memref<96xi32, #tpu.memory_space<vmem>>, vector<16xi32>,
    %broadcast_in_dim3A_121 = arith.constant 16384 : i32
    %broadcast_in_dim3A_122 = vector.broadcast %broadcast_in_dim3A_121 : i32 to vector<16xi32>
    %swap3A_123 = arith.constant 64 : index
    %swap3A_124 = tpu.vector_load %arg12[%swap3A_123] {strides = array<i32>} : memref<96xi32, #tpu.memory_space<vmem>>, vector<16xi32>,
    tpu.vector_store %arg12[%swap3A_123], %broadcast_in_dim3A_122 {strides = array<i32>} : memref<96xi32, #tpu.memory_space<vmem>>, vector<16xi32>,
    %broadcast_in_dim3A_125 = arith.constant 16384 : i32
    %broadcast_in_dim3A_126 = vector.broadcast %broadcast_in_dim3A_125 : i32 to vector<16xi32>
    %swap3A_127 = arith.constant 80 : index
    %swap3A_128 = tpu.vector_load %arg12[%swap3A_127] {strides = array<i32>} : memref<96xi32, #tpu.memory_space<vmem>>, vector<16xi32>,
    tpu.vector_store %arg12[%swap3A_127], %broadcast_in_dim3A_126 {strides = array<i32>} : memref<96xi32, #tpu.memory_space<vmem>>, vector<16xi32>,
    return
  }
}

#map = affine_map<(d0, d1) -> (0)>
#map1 = affine_map<(d0, d1) -> (0, 0)>
#map2 = affine_map<(d0, d1) -> (0, 0, 0)>
module attributes {stable_mosaic.version = 14 : i64} {
  func.func @_sc_small_body(%arg0: i32, %arg1: i32, %arg2: memref<16384xi32, #tpu.memory_space<hbm>>, %arg3: memref<16384xi32, #tpu.memory_space<hbm>>, %arg4: memref<16384xi32, #tpu.memory_space<hbm>>, %arg5: memref<100000x32xf32, #tpu.memory_space<hbm>>, %arg6: memref<1000x32xf32, #tpu.memory_space<hbm>>, %arg7: memref<1000x32xf32, #tpu.memory_space<hbm>>, %arg8: memref<3x16384x32xf32, #tpu.memory_space<hbm>>, %arg9: memref<512xi32, #tpu.memory_space<vmem>>, %arg10: memref<512x32xf32, #tpu.memory_space<vmem>>, %arg11: memref<!tpu.dma_semaphore, #tpu.memory_space<semaphore_mem>>) attributes {dimension_semantics = [#tpu.dimension_semantics<core_parallel>, #tpu.dimension_semantics<subcore_parallel>], iteration_bounds = array<i64: 2, 16>, scalar_prefetch = 0 : i64, scratch_operands = 3 : i64, tpu.core_type = #tpu.core_type<sc_vector_subcore>, window_params = [{transform_indices = #map}, {transform_indices = #map}, {transform_indices = #map}, {transform_indices = #map1}, {transform_indices = #map1}, {transform_indices = #map1}, {transform_indices = #map2}]} {
    %mul3A = arith.constant 2 : i32
    %mul3A_0 = arith.muli %arg1, %mul3A : i32
    %add3A = arith.addi %mul3A_0, %arg0 : i32
    %mul3A_1 = arith.constant 512 : i32
    %mul3A_2 = arith.muli %add3A, %mul3A_1 : i32
    "tpu.region"() ({
      %run_scoped3A_21 = tpu.sem_alloc : memref<!tpu.dma_semaphore, #tpu.memory_space<semaphore_mem>>
      %dma_start3A_22 = tpu.memref_slice %arg2[%mul3A_2] : memref<16384xi32, #tpu.memory_space<hbm>> -> memref<512xi32, #tpu.memory_space<hbm>>
      %dma_start3A_23 = tpu.memref_slice %arg2[%mul3A_2] : memref<16384xi32, #tpu.memory_space<hbm>> -> memref<512xi32, #tpu.memory_space<hbm>>
      tpu.enqueue_dma source(%dma_start3A_23 : memref<512xi32, #tpu.memory_space<hbm>>) target(%arg9 : memref<512xi32, #tpu.memory_space<vmem>>) target_semaphore(%run_scoped3A_21 : memref<!tpu.dma_semaphore, #tpu.memory_space<semaphore_mem>>)
      %dma_wait3A_24 = tpu.memref_slice %arg2[%mul3A_2] : memref<16384xi32, #tpu.memory_space<hbm>> -> memref<512xi32, #tpu.memory_space<hbm>>
      %dma_wait3A_25 = tpu.memref_slice %arg2[%mul3A_2] : memref<16384xi32, #tpu.memory_space<hbm>> -> memref<512xi32, #tpu.memory_space<hbm>>
      tpu.wait_dma2 semaphore(%run_scoped3A_21 : memref<!tpu.dma_semaphore, #tpu.memory_space<semaphore_mem>>) src(%dma_wait3A_25 : memref<512xi32, #tpu.memory_space<hbm>>) dst(%arg9 : memref<512xi32, #tpu.memory_space<vmem>>)
      tpu.yield
    }) : () -> ()
    %dma_start3A = arith.constant 0 : i32
    %dma_start3A_3 = arith.constant 0 : i32
    %dma_start3A_4 = tpu.memref_slice %arg5[%dma_start3A, %dma_start3A_3] : memref<100000x32xf32, #tpu.memory_space<hbm>> -> memref<100000x32xf32, #tpu.memory_space<hbm>>
    tpu.enqueue_indirect_dma source(%dma_start3A_4 : memref<100000x32xf32, #tpu.memory_space<hbm>>) target(%arg10 : memref<512x32xf32, #tpu.memory_space<vmem>>) offsets(%arg9 : memref<512xi32, #tpu.memory_space<vmem>>) semaphore(%arg11 : memref<!tpu.dma_semaphore, #tpu.memory_space<semaphore_mem>>)
    %dma_wait3A = arith.constant 0 : i32
    %dma_wait3A_5 = arith.constant 0 : i32
    %dma_wait3A_6 = tpu.memref_slice %arg5[%dma_wait3A, %dma_wait3A_5] : memref<100000x32xf32, #tpu.memory_space<hbm>> -> memref<100000x32xf32, #tpu.memory_space<hbm>>
    tpu.wait_indirect_dma semaphore(%arg11 : memref<!tpu.dma_semaphore, #tpu.memory_space<semaphore_mem>>) src(%dma_wait3A_6 : memref<100000x32xf32, #tpu.memory_space<hbm>>) dst(%arg10 : memref<512x32xf32, #tpu.memory_space<vmem>>)
    %run_scoped3A = arith.constant 0 : i32
    "tpu.region"() ({
      %run_scoped3A_21 = tpu.sem_alloc : memref<!tpu.dma_semaphore, #tpu.memory_space<semaphore_mem>>
      %dma_start3A_22 = arith.constant 0 : i32
      %dma_start3A_23 = tpu.memref_slice %arg8[%run_scoped3A, %mul3A_2, %dma_start3A_22] : memref<3x16384x32xf32, #tpu.memory_space<hbm>> -> memref<1x512x32xf32, #tpu.memory_space<hbm>>
      %dma_start3A_24 = tpu.memref_squeeze %dma_start3A_23 : memref<1x512x32xf32, #tpu.memory_space<hbm>> -> memref<512x32xf32, #tpu.memory_space<hbm>>
      %dma_start3A_25 = arith.constant 0 : i32
      %dma_start3A_26 = tpu.memref_slice %arg8[%run_scoped3A, %mul3A_2, %dma_start3A_25] : memref<3x16384x32xf32, #tpu.memory_space<hbm>> -> memref<1x512x32xf32, #tpu.memory_space<hbm>>
      %dma_start3A_27 = tpu.memref_squeeze %dma_start3A_26 : memref<1x512x32xf32, #tpu.memory_space<hbm>> -> memref<512x32xf32, #tpu.memory_space<hbm>>
      tpu.enqueue_dma source(%arg10 : memref<512x32xf32, #tpu.memory_space<vmem>>) target(%dma_start3A_27 : memref<512x32xf32, #tpu.memory_space<hbm>>) target_semaphore(%run_scoped3A_21 : memref<!tpu.dma_semaphore, #tpu.memory_space<semaphore_mem>>)
      %dma_wait3A_28 = arith.constant 0 : i32
      %dma_wait3A_29 = tpu.memref_slice %arg8[%run_scoped3A, %mul3A_2, %dma_wait3A_28] : memref<3x16384x32xf32, #tpu.memory_space<hbm>> -> memref<1x512x32xf32, #tpu.memory_space<hbm>>
      %dma_wait3A_30 = tpu.memref_squeeze %dma_wait3A_29 : memref<1x512x32xf32, #tpu.memory_space<hbm>> -> memref<512x32xf32, #tpu.memory_space<hbm>>
      %dma_wait3A_31 = arith.constant 0 : i32
      %dma_wait3A_32 = tpu.memref_slice %arg8[%run_scoped3A, %mul3A_2, %dma_wait3A_31] : memref<3x16384x32xf32, #tpu.memory_space<hbm>> -> memref<1x512x32xf32, #tpu.memory_space<hbm>>
      %dma_wait3A_33 = tpu.memref_squeeze %dma_wait3A_32 : memref<1x512x32xf32, #tpu.memory_space<hbm>> -> memref<512x32xf32, #tpu.memory_space<hbm>>
      tpu.wait_dma2 semaphore(%run_scoped3A_21 : memref<!tpu.dma_semaphore, #tpu.memory_space<semaphore_mem>>) src(%arg10 : memref<512x32xf32, #tpu.memory_space<vmem>>) dst(%dma_wait3A_33 : memref<512x32xf32, #tpu.memory_space<hbm>>)
      tpu.yield
    }) : () -> ()
    "tpu.region"() ({
      %run_scoped3A_21 = tpu.sem_alloc : memref<!tpu.dma_semaphore, #tpu.memory_space<semaphore_mem>>
      %dma_start3A_22 = tpu.memref_slice %arg3[%mul3A_2] : memref<16384xi32, #tpu.memory_space<hbm>> -> memref<512xi32, #tpu.memory_space<hbm>>
      %dma_start3A_23 = tpu.memref_slice %arg3[%mul3A_2] : memref<16384xi32, #tpu.memory_space<hbm>> -> memref<512xi32, #tpu.memory_space<hbm>>
      tpu.enqueue_dma source(%dma_start3A_23 : memref<512xi32, #tpu.memory_space<hbm>>) target(%arg9 : memref<512xi32, #tpu.memory_space<vmem>>) target_semaphore(%run_scoped3A_21 : memref<!tpu.dma_semaphore, #tpu.memory_space<semaphore_mem>>)
      %dma_wait3A_24 = tpu.memref_slice %arg3[%mul3A_2] : memref<16384xi32, #tpu.memory_space<hbm>> -> memref<512xi32, #tpu.memory_space<hbm>>
      %dma_wait3A_25 = tpu.memref_slice %arg3[%mul3A_2] : memref<16384xi32, #tpu.memory_space<hbm>> -> memref<512xi32, #tpu.memory_space<hbm>>
      tpu.wait_dma2 semaphore(%run_scoped3A_21 : memref<!tpu.dma_semaphore, #tpu.memory_space<semaphore_mem>>) src(%dma_wait3A_25 : memref<512xi32, #tpu.memory_space<hbm>>) dst(%arg9 : memref<512xi32, #tpu.memory_space<vmem>>)
      tpu.yield
    }) : () -> ()
    %dma_start3A_7 = arith.constant 0 : i32
    %dma_start3A_8 = arith.constant 0 : i32
    %dma_start3A_9 = tpu.memref_slice %arg6[%dma_start3A_7, %dma_start3A_8] : memref<1000x32xf32, #tpu.memory_space<hbm>> -> memref<1000x32xf32, #tpu.memory_space<hbm>>
    tpu.enqueue_indirect_dma source(%dma_start3A_9 : memref<1000x32xf32, #tpu.memory_space<hbm>>) target(%arg10 : memref<512x32xf32, #tpu.memory_space<vmem>>) offsets(%arg9 : memref<512xi32, #tpu.memory_space<vmem>>) semaphore(%arg11 : memref<!tpu.dma_semaphore, #tpu.memory_space<semaphore_mem>>)
    %dma_wait3A_10 = arith.constant 0 : i32
    %dma_wait3A_11 = arith.constant 0 : i32
    %dma_wait3A_12 = tpu.memref_slice %arg6[%dma_wait3A_10, %dma_wait3A_11] : memref<1000x32xf32, #tpu.memory_space<hbm>> -> memref<1000x32xf32, #tpu.memory_space<hbm>>
    tpu.wait_indirect_dma semaphore(%arg11 : memref<!tpu.dma_semaphore, #tpu.memory_space<semaphore_mem>>) src(%dma_wait3A_12 : memref<1000x32xf32, #tpu.memory_space<hbm>>) dst(%arg10 : memref<512x32xf32, #tpu.memory_space<vmem>>)
    %run_scoped3A_13 = arith.constant 1 : i32
    "tpu.region"() ({
      %run_scoped3A_21 = tpu.sem_alloc : memref<!tpu.dma_semaphore, #tpu.memory_space<semaphore_mem>>
      %dma_start3A_22 = arith.constant 0 : i32
      %dma_start3A_23 = tpu.memref_slice %arg8[%run_scoped3A_13, %mul3A_2, %dma_start3A_22] : memref<3x16384x32xf32, #tpu.memory_space<hbm>> -> memref<1x512x32xf32, #tpu.memory_space<hbm>>
      %dma_start3A_24 = tpu.memref_squeeze %dma_start3A_23 : memref<1x512x32xf32, #tpu.memory_space<hbm>> -> memref<512x32xf32, #tpu.memory_space<hbm>>
      %dma_start3A_25 = arith.constant 0 : i32
      %dma_start3A_26 = tpu.memref_slice %arg8[%run_scoped3A_13, %mul3A_2, %dma_start3A_25] : memref<3x16384x32xf32, #tpu.memory_space<hbm>> -> memref<1x512x32xf32, #tpu.memory_space<hbm>>
      %dma_start3A_27 = tpu.memref_squeeze %dma_start3A_26 : memref<1x512x32xf32, #tpu.memory_space<hbm>> -> memref<512x32xf32, #tpu.memory_space<hbm>>
      tpu.enqueue_dma source(%arg10 : memref<512x32xf32, #tpu.memory_space<vmem>>) target(%dma_start3A_27 : memref<512x32xf32, #tpu.memory_space<hbm>>) target_semaphore(%run_scoped3A_21 : memref<!tpu.dma_semaphore, #tpu.memory_space<semaphore_mem>>)
      %dma_wait3A_28 = arith.constant 0 : i32
      %dma_wait3A_29 = tpu.memref_slice %arg8[%run_scoped3A_13, %mul3A_2, %dma_wait3A_28] : memref<3x16384x32xf32, #tpu.memory_space<hbm>> -> memref<1x512x32xf32, #tpu.memory_space<hbm>>
      %dma_wait3A_30 = tpu.memref_squeeze %dma_wait3A_29 : memref<1x512x32xf32, #tpu.memory_space<hbm>> -> memref<512x32xf32, #tpu.memory_space<hbm>>
      %dma_wait3A_31 = arith.constant 0 : i32
      %dma_wait3A_32 = tpu.memref_slice %arg8[%run_scoped3A_13, %mul3A_2, %dma_wait3A_31] : memref<3x16384x32xf32, #tpu.memory_space<hbm>> -> memref<1x512x32xf32, #tpu.memory_space<hbm>>
      %dma_wait3A_33 = tpu.memref_squeeze %dma_wait3A_32 : memref<1x512x32xf32, #tpu.memory_space<hbm>> -> memref<512x32xf32, #tpu.memory_space<hbm>>
      tpu.wait_dma2 semaphore(%run_scoped3A_21 : memref<!tpu.dma_semaphore, #tpu.memory_space<semaphore_mem>>) src(%arg10 : memref<512x32xf32, #tpu.memory_space<vmem>>) dst(%dma_wait3A_33 : memref<512x32xf32, #tpu.memory_space<hbm>>)
      tpu.yield
    }) : () -> ()
    "tpu.region"() ({
      %run_scoped3A_21 = tpu.sem_alloc : memref<!tpu.dma_semaphore, #tpu.memory_space<semaphore_mem>>
      %dma_start3A_22 = tpu.memref_slice %arg4[%mul3A_2] : memref<16384xi32, #tpu.memory_space<hbm>> -> memref<512xi32, #tpu.memory_space<hbm>>
      %dma_start3A_23 = tpu.memref_slice %arg4[%mul3A_2] : memref<16384xi32, #tpu.memory_space<hbm>> -> memref<512xi32, #tpu.memory_space<hbm>>
      tpu.enqueue_dma source(%dma_start3A_23 : memref<512xi32, #tpu.memory_space<hbm>>) target(%arg9 : memref<512xi32, #tpu.memory_space<vmem>>) target_semaphore(%run_scoped3A_21 : memref<!tpu.dma_semaphore, #tpu.memory_space<semaphore_mem>>)
      %dma_wait3A_24 = tpu.memref_slice %arg4[%mul3A_2] : memref<16384xi32, #tpu.memory_space<hbm>> -> memref<512xi32, #tpu.memory_space<hbm>>
      %dma_wait3A_25 = tpu.memref_slice %arg4[%mul3A_2] : memref<16384xi32, #tpu.memory_space<hbm>> -> memref<512xi32, #tpu.memory_space<hbm>>
      tpu.wait_dma2 semaphore(%run_scoped3A_21 : memref<!tpu.dma_semaphore, #tpu.memory_space<semaphore_mem>>) src(%dma_wait3A_25 : memref<512xi32, #tpu.memory_space<hbm>>) dst(%arg9 : memref<512xi32, #tpu.memory_space<vmem>>)
      tpu.yield
    }) : () -> ()
    %dma_start3A_14 = arith.constant 0 : i32
    %dma_start3A_15 = arith.constant 0 : i32
    %dma_start3A_16 = tpu.memref_slice %arg7[%dma_start3A_14, %dma_start3A_15] : memref<1000x32xf32, #tpu.memory_space<hbm>> -> memref<1000x32xf32, #tpu.memory_space<hbm>>
    tpu.enqueue_indirect_dma source(%dma_start3A_16 : memref<1000x32xf32, #tpu.memory_space<hbm>>) target(%arg10 : memref<512x32xf32, #tpu.memory_space<vmem>>) offsets(%arg9 : memref<512xi32, #tpu.memory_space<vmem>>) semaphore(%arg11 : memref<!tpu.dma_semaphore, #tpu.memory_space<semaphore_mem>>)
    %dma_wait3A_17 = arith.constant 0 : i32
    %dma_wait3A_18 = arith.constant 0 : i32
    %dma_wait3A_19 = tpu.memref_slice %arg7[%dma_wait3A_17, %dma_wait3A_18] : memref<1000x32xf32, #tpu.memory_space<hbm>> -> memref<1000x32xf32, #tpu.memory_space<hbm>>
    tpu.wait_indirect_dma semaphore(%arg11 : memref<!tpu.dma_semaphore, #tpu.memory_space<semaphore_mem>>) src(%dma_wait3A_19 : memref<1000x32xf32, #tpu.memory_space<hbm>>) dst(%arg10 : memref<512x32xf32, #tpu.memory_space<vmem>>)
    %run_scoped3A_20 = arith.constant 2 : i32
    "tpu.region"() ({
      %run_scoped3A_21 = tpu.sem_alloc : memref<!tpu.dma_semaphore, #tpu.memory_space<semaphore_mem>>
      %dma_start3A_22 = arith.constant 0 : i32
      %dma_start3A_23 = tpu.memref_slice %arg8[%run_scoped3A_20, %mul3A_2, %dma_start3A_22] : memref<3x16384x32xf32, #tpu.memory_space<hbm>> -> memref<1x512x32xf32, #tpu.memory_space<hbm>>
      %dma_start3A_24 = tpu.memref_squeeze %dma_start3A_23 : memref<1x512x32xf32, #tpu.memory_space<hbm>> -> memref<512x32xf32, #tpu.memory_space<hbm>>
      %dma_start3A_25 = arith.constant 0 : i32
      %dma_start3A_26 = tpu.memref_slice %arg8[%run_scoped3A_20, %mul3A_2, %dma_start3A_25] : memref<3x16384x32xf32, #tpu.memory_space<hbm>> -> memref<1x512x32xf32, #tpu.memory_space<hbm>>
      %dma_start3A_27 = tpu.memref_squeeze %dma_start3A_26 : memref<1x512x32xf32, #tpu.memory_space<hbm>> -> memref<512x32xf32, #tpu.memory_space<hbm>>
      tpu.enqueue_dma source(%arg10 : memref<512x32xf32, #tpu.memory_space<vmem>>) target(%dma_start3A_27 : memref<512x32xf32, #tpu.memory_space<hbm>>) target_semaphore(%run_scoped3A_21 : memref<!tpu.dma_semaphore, #tpu.memory_space<semaphore_mem>>)
      %dma_wait3A_28 = arith.constant 0 : i32
      %dma_wait3A_29 = tpu.memref_slice %arg8[%run_scoped3A_20, %mul3A_2, %dma_wait3A_28] : memref<3x16384x32xf32, #tpu.memory_space<hbm>> -> memref<1x512x32xf32, #tpu.memory_space<hbm>>
      %dma_wait3A_30 = tpu.memref_squeeze %dma_wait3A_29 : memref<1x512x32xf32, #tpu.memory_space<hbm>> -> memref<512x32xf32, #tpu.memory_space<hbm>>
      %dma_wait3A_31 = arith.constant 0 : i32
      %dma_wait3A_32 = tpu.memref_slice %arg8[%run_scoped3A_20, %mul3A_2, %dma_wait3A_31] : memref<3x16384x32xf32, #tpu.memory_space<hbm>> -> memref<1x512x32xf32, #tpu.memory_space<hbm>>
      %dma_wait3A_33 = tpu.memref_squeeze %dma_wait3A_32 : memref<1x512x32xf32, #tpu.memory_space<hbm>> -> memref<512x32xf32, #tpu.memory_space<hbm>>
      tpu.wait_dma2 semaphore(%run_scoped3A_21 : memref<!tpu.dma_semaphore, #tpu.memory_space<semaphore_mem>>) src(%arg10 : memref<512x32xf32, #tpu.memory_space<vmem>>) dst(%dma_wait3A_33 : memref<512x32xf32, #tpu.memory_space<hbm>>)
      tpu.yield
    }) : () -> ()
    return
  }
}

module attributes {stable_mosaic.version = 14 : i64} {
  func.func @_mlp_body(%arg0: i32, %arg1: memref<2048x128xf32, #tpu.memory_space<vmem>>, %arg2: memref<3x2048x32xf32, #tpu.memory_space<vmem>>, %arg3: memref<128x128xf32, #tpu.memory_space<vmem>>, %arg4: memref<1x128xf32, #tpu.memory_space<vmem>>, %arg5: memref<1x128xf32, #tpu.memory_space<vmem>>, %arg6: memref<1x1xf32, #tpu.memory_space<vmem>>, %arg7: memref<2048x1xf32, #tpu.memory_space<vmem>>) attributes {dimension_semantics = [#tpu.dimension_semantics<arbitrary>], iteration_bounds = array<i64: 8>, scalar_prefetch = 0 : i64, scratch_operands = 0 : i64, tpu.core_type = #tpu.core_type<tc>, window_params = [{transform_indices = @transform_0, window_bounds = array<i64: 2048, 128>}, {transform_indices = @transform_1, window_bounds = array<i64: 3, 2048, 32>}, {pipeline_mode = #tpu.pipeline_mode<synchronous>, transform_indices = @transform_2, window_bounds = array<i64: 128, 128>}, {pipeline_mode = #tpu.pipeline_mode<synchronous>, transform_indices = @transform_3, window_bounds = array<i64: 1, 128>}, {pipeline_mode = #tpu.pipeline_mode<synchronous>, transform_indices = @transform_4, window_bounds = array<i64: 1, 128>}, {pipeline_mode = #tpu.pipeline_mode<synchronous>, transform_indices = @transform_5, window_bounds = array<i64: 1, 1>}, {transform_indices = @transform_6, window_bounds = array<i64: 2048, 1>}]} {
    %get3A = arith.constant 0 : index
    %get3A_0 = arith.constant 0 : index
    %get3A_1 = vector.load %arg1[%get3A, %get3A_0] : memref<2048x128xf32, #tpu.memory_space<vmem>>, vector<2048x32xf32>
    %get3A_2 = arith.constant 0 : index
    %get3A_3 = arith.constant 0 : index
    %get3A_4 = vector.load %arg3[%get3A_2, %get3A_3] : memref<128x128xf32, #tpu.memory_space<vmem>>, vector<32x128xf32>
    %dot_general3A = arith.constant dense<0.000000e+00> : vector<2048x128xf32>
    %dot_general3A_5 = tpu.matmul %get3A_1, %get3A_4, %dot_general3A {dimension_numbers = #tpu.dot_dimension_numbers<[1], [0], [0], [1], [0, 0, 1, 1], [], []>, transpose_lhs_hint = false} : vector<2048x32xf32>, vector<32x128xf32>, vector<2048x128xf32> -> vector<2048x128xf32>
    %get3A_6 = arith.constant 0 : index
    %get3A_7 = arith.constant 0 : index
    %get3A_8 = arith.constant 0 : index
    %get3A_9 = vector.load %arg2[%get3A_6, %get3A_7, %get3A_8] : memref<3x2048x32xf32, #tpu.memory_space<vmem>>, vector<1x2048x32xf32>
    %get3A_10 = vector.shape_cast %get3A_9 : vector<1x2048x32xf32> to vector<2048x32xf32>
    %get3A_11 = arith.constant 32 : index
    %get3A_12 = arith.constant 0 : index
    %get3A_13 = vector.load %arg3[%get3A_11, %get3A_12] : memref<128x128xf32, #tpu.memory_space<vmem>>, vector<32x128xf32>
    %dot_general3A_14 = arith.constant dense<0.000000e+00> : vector<2048x128xf32>
    %dot_general3A_15 = tpu.matmul %get3A_10, %get3A_13, %dot_general3A_14 {dimension_numbers = #tpu.dot_dimension_numbers<[1], [0], [0], [1], [0, 0, 1, 1], [], []>, transpose_lhs_hint = false} : vector<2048x32xf32>, vector<32x128xf32>, vector<2048x128xf32> -> vector<2048x128xf32>
    %add3A = arith.addf %dot_general3A_5, %dot_general3A_15 : vector<2048x128xf32>
    %get3A_16 = arith.constant 1 : index
    %get3A_17 = arith.constant 0 : index
    %get3A_18 = arith.constant 0 : index
    %get3A_19 = vector.load %arg2[%get3A_16, %get3A_17, %get3A_18] : memref<3x2048x32xf32, #tpu.memory_space<vmem>>, vector<1x2048x32xf32>
    %get3A_20 = vector.shape_cast %get3A_19 : vector<1x2048x32xf32> to vector<2048x32xf32>
    %get3A_21 = arith.constant 64 : index
    %get3A_22 = arith.constant 0 : index
    %get3A_23 = vector.load %arg3[%get3A_21, %get3A_22] : memref<128x128xf32, #tpu.memory_space<vmem>>, vector<32x128xf32>
    %dot_general3A_24 = arith.constant dense<0.000000e+00> : vector<2048x128xf32>
    %dot_general3A_25 = tpu.matmul %get3A_20, %get3A_23, %dot_general3A_24 {dimension_numbers = #tpu.dot_dimension_numbers<[1], [0], [0], [1], [0, 0, 1, 1], [], []>, transpose_lhs_hint = false} : vector<2048x32xf32>, vector<32x128xf32>, vector<2048x128xf32> -> vector<2048x128xf32>
    %add3A_26 = arith.addf %add3A, %dot_general3A_25 : vector<2048x128xf32>
    %get3A_27 = arith.constant 2 : index
    %get3A_28 = arith.constant 0 : index
    %get3A_29 = arith.constant 0 : index
    %get3A_30 = vector.load %arg2[%get3A_27, %get3A_28, %get3A_29] : memref<3x2048x32xf32, #tpu.memory_space<vmem>>, vector<1x2048x32xf32>
    %get3A_31 = vector.shape_cast %get3A_30 : vector<1x2048x32xf32> to vector<2048x32xf32>
    %get3A_32 = arith.constant 96 : index
    %get3A_33 = arith.constant 0 : index
    %get3A_34 = vector.load %arg3[%get3A_32, %get3A_33] : memref<128x128xf32, #tpu.memory_space<vmem>>, vector<32x128xf32>
    %dot_general3A_35 = arith.constant dense<0.000000e+00> : vector<2048x128xf32>
    %dot_general3A_36 = tpu.matmul %get3A_31, %get3A_34, %dot_general3A_35 {dimension_numbers = #tpu.dot_dimension_numbers<[1], [0], [0], [1], [0, 0, 1, 1], [], []>, transpose_lhs_hint = false} : vector<2048x32xf32>, vector<32x128xf32>, vector<2048x128xf32> -> vector<2048x128xf32>
    %add3A_37 = arith.addf %add3A_26, %dot_general3A_36 : vector<2048x128xf32>
    %get3A_38 = arith.constant 0 : index
    %get3A_39 = arith.constant 0 : index
    %get3A_40 = vector.load %arg4[%get3A_38, %get3A_39] : memref<1x128xf32, #tpu.memory_space<vmem>>, vector<1x128xf32>
    %get3A_41 = vector.shape_cast %get3A_40 : vector<1x128xf32> to vector<128xf32>
    %broadcast_in_dim3A = vector.shape_cast %get3A_41 : vector<128xf32> to vector<1x128xf32>
    %add3A_42 = vector.broadcast %broadcast_in_dim3A : vector<1x128xf32> to vector<2048x128xf32>
    %add3A_43 = arith.addf %add3A_37, %add3A_42 : vector<2048x128xf32>
    %max3A = arith.constant 0.000000e+00 : f32
    %max3A_44 = vector.broadcast %max3A : f32 to vector<2048x128xf32>
    %max3A_45 = arith.maximumf %add3A_43, %max3A_44 : vector<2048x128xf32>
    %get3A_46 = arith.constant 0 : index
    %get3A_47 = arith.constant 0 : index
    %get3A_48 = vector.load %arg5[%get3A_46, %get3A_47] : memref<1x128xf32, #tpu.memory_space<vmem>>, vector<1x128xf32>
    %get3A_49 = vector.shape_cast %get3A_48 : vector<1x128xf32> to vector<128xf32>
    %broadcast_in_dim3A_50 = vector.shape_cast %get3A_49 : vector<128xf32> to vector<1x128xf32>
    %mul3A = vector.broadcast %broadcast_in_dim3A_50 : vector<1x128xf32> to vector<2048x128xf32>
    %mul3A_51 = arith.mulf %max3A_45, %mul3A : vector<2048x128xf32>
    %reduce_sum3A = arith.constant dense<0.000000e+00> : vector<2048xf32>
    %reduce_sum3A_52 = vector.multi_reduction <add>, %mul3A_51, %reduce_sum3A [1] : vector<2048x128xf32> to vector<2048xf32>
    %broadcast_in_dim3A_53 = vector.shape_cast %reduce_sum3A_52 : vector<2048xf32> to vector<2048x1xf32>
    %get3A_54 = arith.constant 0 : index
    %get3A_55 = arith.constant 0 : index
    %get3A_56 = vector.load %arg6[%get3A_54, %get3A_55] : memref<1x1xf32, #tpu.memory_space<vmem>>, vector<1x1xf32>
    %get3A_57 = vector.extract %get3A_56[0, 0] : f32 from vector<1x1xf32>
    %add3A_58 = vector.broadcast %get3A_57 : f32 to vector<2048x1xf32>
    %add3A_59 = arith.addf %broadcast_in_dim3A_53, %add3A_58 : vector<2048x1xf32>
    %swap3A = arith.constant 0 : index
    %swap3A_60 = arith.constant 0 : index
    %swap3A_61 = vector.load %arg7[%swap3A, %swap3A_60] : memref<2048x1xf32, #tpu.memory_space<vmem>>, vector<2048x1xf32>
    tpu.vector_store %arg7[%swap3A, %swap3A_60], %add3A_59 {strides = array<i32>} : memref<2048x1xf32, #tpu.memory_space<vmem>>, vector<2048x1xf32>,
    return
  }
  func.func @transform_0(%arg0: i32) -> (i32, i32) {
    %c0_i32 = arith.constant 0 : i32
    %c0_i32_0 = arith.constant 0 : i32
    return %arg0, %c0_i32 : i32, i32
  }
  func.func @transform_1(%arg0: i32) -> (i32, i32, i32) {
    %c0_i32 = arith.constant 0 : i32
    %c0_i32_0 = arith.constant 0 : i32
    %c0_i32_1 = arith.constant 0 : i32
    return %c0_i32, %arg0, %c0_i32_0 : i32, i32, i32
  }
  func.func @transform_2(%arg0: i32) -> (i32, i32) {
    %c0_i32 = arith.constant 0 : i32
    %c0_i32_0 = arith.constant 0 : i32
    %c0_i32_1 = arith.constant 0 : i32
    return %c0_i32, %c0_i32_0 : i32, i32
  }
  func.func @transform_3(%arg0: i32) -> (i32, i32) {
    %c0_i32 = arith.constant 0 : i32
    %c0_i32_0 = arith.constant 0 : i32
    %c0_i32_1 = arith.constant 0 : i32
    return %c0_i32, %c0_i32_0 : i32, i32
  }
  func.func @transform_4(%arg0: i32) -> (i32, i32) {
    %c0_i32 = arith.constant 0 : i32
    %c0_i32_0 = arith.constant 0 : i32
    %c0_i32_1 = arith.constant 0 : i32
    return %c0_i32, %c0_i32_0 : i32, i32
  }
  func.func @transform_5(%arg0: i32) -> (i32, i32) {
    %c0_i32 = arith.constant 0 : i32
    %c0_i32_0 = arith.constant 0 : i32
    %c0_i32_1 = arith.constant 0 : i32
    return %c0_i32, %c0_i32_0 : i32, i32
  }
  func.func @transform_6(%arg0: i32) -> (i32, i32) {
    %c0_i32 = arith.constant 0 : i32
    %c0_i32_0 = arith.constant 0 : i32
    return %arg0, %c0_i32 : i32, i32
  }
}

</mosaic_0001>

<sc_bundles>
// kernel: kernel.5.cloned.1.call-start
scs
__scs_entry_jumppad:
0x0: {  	(pc) =	sbr.rel $0x88, $3  }
0x1: {  	(tag) =	ssettag $0x0;
	lr =	simm.s32 $0x1  }
0x2: {  	[smem:$0x3F95] =	sst lr;
	_ =	strace $0xD0000000  }
0x3: {  	_ = 	snop  }
0x4: {  	_ = 	snop  }
0x5: {  	_ = 	snop  }
0x6: {  	_ = 	snop  }
0x7: {  	_ = 	snop  }
__scs_overlays_trampoline_lowered:
0x8: {  	[smem:$0x3FA4] =	sst s0  }
0x9: {  	[smem:$0x3FA5] =	sst s1  }
0xa: {  	[smem:$0x3FA6] =	sst s2  }
0xb: {  	[smem:$0x3FA7] =	sst s3  }
0xc: {  	[smem:$0x3FA8] =	sst s4  }
0xd: {  	[smem:$0x3FA9] =	sst s5  }
0xe: {  	[smem:$0x3FAA] =	sst s6  }
0xf: {  	[smem:$0x3FAB] =	sst s7  }
0x10: {  	[smem:$0x3FAC] =	sst s8  }
0x11: {  	[smem:$0x3FAD] =	sst s9;
	s0 =	simm.s32 @!p0 $0x0  }
0x12: {  	s1 =	sld [smem:$0x3F93];
	s0 =	simm.s32 @p0 $0x1  }
0x13: {  	[smem:$0x3FAE] =	sst s0;
	s0 =	simm.s32 @!p1 $0x0  }
0x14: {  	s2 =	sld [smem:$0x3F92];
	s0 =	simm.s32 @p1 $0x1  }
0x15: {  	[smem:$0x3FAF] =	sst s0;
	s0 =	simm.s32 @!p2 $0x0  }
0x16: {  	s3 =	sld [smem:$0x3FDB];
	s0 =	simm.s32 @p2 $0x1  }
0x17: {  	s4 =	simm.s32 $0x1BF5;
	[smem:$0x3FB1] =	sst s0  }
0x18: {  	s0 =	sld [smem:$0x3F94];
	_ =	swait.ge [sflag:s4], $0x0  }
0x19: {  	s7 =	sld [smem:$0x3F95]  }
0x1a: {  	s8 =	sadd.s32 $0xFFFFE003, lr  }
0x1b: {  	s9 =	sadd.s32 $0xFFFFFEF7, lr;
	s5 =	simm.s32 $0xFFFFFFFF;
	p2 =	slt.u32 s8, $0xFFFFF086  }
0x1c: {  	p1 =	slt.u32 s9, $0xF7A;
	s5 =	simm.s32 @!p2 $0x0  }
0x1d: {  	s5 =	simm.s32 @p1 $0x1;
	p0 =	seq.s32 s7, s2  }
0x1e: {  	s7 =	smul.u32 @!p0 $0xF7A, s2;
	p2 =	seq.s32 @!p0 s5, $0x0  }
0x1f: {  	s9 =	smul.u32 $0xF7A, s1;
	s8 =	simm.s32 @!p0 $0x1BF5;
	p2 =	por !p2, p0  }
0x20: {  	[sflag:s8] =	ssyncset.s32 @!p0 $0xFFFFF086;
	s6 =	sadd.s32 @!p0 s3, s7;
	s7 =	simm.s32 @!p0 $0x108  }
0x21: {  	s3 =	sadd.s32 s3, s9;
	s6 =	sadd.s32 @!p0 $0x88, s6;
	s7 =	simm.s32 @p2 $0x1082  }
0x22: {  	[simem:s7], [sflag:s8] =	dma.local @!p0 [hbm:s6], $0xF7A  }
0x23: {  	s9 =	sor.u32 $0xD0000000, s2;
	s6 =	simm.s32 $0x108;
	_ =	swait.ge @!p0 [sflag:s8], $0x0  }
0x24: {  	s3 =	sadd.s32 $0x88, s3;
	s6 =	simm.s32 @!p1 $0x1082;
	[sflag:s4] =	ssyncset.s32 $0xFFFFF086  }
0x25: {  	[simem:s6], [sflag:s4] =	dma.local [hbm:s3], $0xF7A  }
0x26: {  	[smem:$0x3F95] =	sst s1;
	(tag) =	ssettag s2;
	_ =	strace s9  }
0x27: {  	s1 =	sld [smem:$0x3FA5]  }
0x28: {  	s2 =	sld [smem:$0x3FA6]  }
0x29: {  	s4 =	sld [smem:$0x3FA8]  }
0x2a: {  	p0 =	seq.s32 s5, $0x0;
	s5 =	sld [smem:$0x3FA9]  }
0x2b: {  	s6 =	sld [smem:$0x3FAA]  }
0x2c: {  	s7 =	sld [smem:$0x3FAB]  }
0x2d: {  	s3 =	simm.s32 $0x108;
	s8 =	sld [smem:$0x3FAC]  }
0x2e: {  	s3 =	simm.s32 @!p0 $0x1082;
	s9 =	sld [smem:$0x3FAD]  }
0x2f: {  	lr =	sadd.s32 s0, s3;
	s0 =	sld [smem:$0x3FA4]  }
0x30: {  	s3 =	sld [smem:$0x3FA7]  }
0x31: {  	[smem:$0x3FB0] =	sst s10  }
0x32: {  	s10 =	sld [smem:$0x3FAE];
	_ =	sdelay $0x3  }
0x33: {  	p0 =	seq.s32 s10, $0x1;
	s10 =	sld [smem:$0x3FB0];
	_ =	sdelay $0x3  }
0x34: {  	[smem:$0x3FB0] =	sst s10  }
0x35: {  	s10 =	sld [smem:$0x3FAF];
	_ =	sdelay $0x3  }
0x36: {  	p1 =	seq.s32 s10, $0x1;
	s10 =	sld [smem:$0x3FB0];
	_ =	sdelay $0x3  }
0x37: {  	[smem:$0x3FB0] =	sst s10  }
0x38: {  	s10 =	sld [smem:$0x3FB1]  }
0x39: {  	_ = 	snop;
	(pc) =	sbr.ind lr, $3  }
0x3a: {  	_ = 	snop  }
0x3b: {  	_ = 	snop  }
0x3c: {  	p2 =	seq.s32 s10, $0x1;
	s10 =	sld [smem:$0x3FB0]  }
0x3d: {  	_ =	shalt  }
0x3e: {  	_ =	shalt  }
0x3f: {  	_ =	shalt  }
0x40: {  	_ =	shalt  }
0x41: {  	_ =	shalt  }
0x42: {  	_ =	shalt  }
0x43: {  	_ =	shalt  }
0x44: {  	_ =	shalt  }
0x45: {  	_ =	shalt  }
0x46: {  	_ =	shalt  }
0x47: {  	_ =	shalt  }
0x48: {  	_ =	shalt  }
0x49: {  	_ =	shalt  }
0x4a: {  	_ =	shalt  }
0x4b: {  	_ =	shalt  }
0x4c: {  	_ =	shalt  }
0x4d: {  	_ =	shalt  }
0x4e: {  	_ =	shalt  }
0x4f: {  	_ =	shalt  }
0x50: {  	_ =	shalt  }
0x51: {  	_ =	shalt  }
0x52: {  	_ =	shalt  }
0x53: {  	_ =	shalt  }
0x54: {  	_ =	shalt  }
0x55: {  	_ =	shalt  }
0x56: {  	_ =	shalt  }
0x57: {  	_ =	shalt  }
0x58: {  	_ =	shalt  }
0x59: {  	_ =	shalt  }
0x5a: {  	_ =	shalt  }
0x5b: {  	_ =	shalt  }
0x5c: {  	_ =	shalt  }
0x5d: {  	_ =	shalt  }
0x5e: {  	_ =	shalt  }
0x5f: {  	_ =	shalt  }
0x60: {  	_ =	shalt  }
0x61: {  	_ =	shalt  }
0x62: {  	_ =	shalt  }
0x63: {  	_ =	shalt  }
0x64: {  	_ =	shalt  }
0x65: {  	_ =	shalt  }
0x66: {  	_ =	shalt  }
0x67: {  	_ =	shalt  }
0x68: {  	_ =	shalt  }
0x69: {  	_ =	shalt  }
0x6a: {  	_ =	shalt  }
0x6b: {  	_ =	shalt  }
0x6c: {  	_ =	shalt  }
0x6d: {  	_ =	shalt  }
0x6e: {  	_ =	shalt  }
0x6f: {  	_ =	shalt  }
0x70: {  	_ =	shalt  }
0x71: {  	_ =	shalt  }
0x72: {  	_ =	shalt  }
0x73: {  	_ =	shalt  }
0x74: {  	_ =	shalt  }
0x75: {  	_ =	shalt  }
0x76: {  	_ =	shalt  }
0x77: {  	_ =	shalt  }
0x78: {  	_ =	shalt  }
0x79: {  	_ =	shalt  }
0x7a: {  	_ =	shalt  }
0x7b: {  	_ =	shalt  }
0x7c: {  	_ =	shalt  }
0x7d: {  	_ =	shalt  }
0x7e: {  	_ =	shalt  }
0x7f: {  	_ =	shalt  }
0x80: {  	_ =	shalt  }
0x81: {  	_ =	shalt  }
0x82: {  	_ =	shalt  }
0x83: {  	_ =	shalt  }
0x84: {  	_ =	shalt  }
0x85: {  	_ =	shalt  }
0x86: {  	_ =	shalt  }
0x87: {  	_ =	shalt  }
.Lfunc_end0:
.L_simem_size_0:
called_computation_lowered:
.L_overlay_start_0:
0x88: {  	s2 =	sld [smem:$0x3FD9]  }
0x89: {  	s3 =	sld [smem:$0x3FFE];
	_ =	sdelay $0x1  }
0x8a: {  	s1 =	srdreg.scid  }
0x8b: {  	s0 =	sand.u32 $0x1, s1  }
0x8c: {  	s17 =	sshll.u32 s0, $0xA;
	s2 =	sadd.s32 s3, s2  }
0x8d: {  	s2 =	sadd.s32 s2, s17  }
0x8e: {  	[smem:$0x3FBC] =	sst s2  }
0x8f: {  	_ = 	snop  }
0x90: {  	s18 =	sld [smem:$0x3FC9]  }
0x91: {  	s4 =	sld [smem:$0x3FC5];
	(tm) =	ssettm $0x1  }
0x92: {  	s19 =	sld [smem:$0x3FFB];
	_ =	sdelay $0x3  }
0x93: {  	_ =	strace s19  }
0x94: {  	s2 =	sld [smem:$0x3FFC];
	_ =	sdelay $0x3  }
0x95: {  	_ =	strace s2  }
0x96: {  	s2 =	sld [smem:$0x3FFD];
	_ =	sdelay $0x3  }
0x97: {  	_ =	strace s2  }
0x98: {  	_ =	strace $0x8FFFFFFF  }
0x99: {  	s20 =	sld [smem:$0x3FDB];
	_ =	sdelay $0x1  }
0x9a: {  	s5 =	simm.s32 $_scs_section_size  }
0x9b: {  	s6 =	simm.s32 $_size__tile_overlayer_lowered;
	s7 =	simm.s32 $_tile_overlayer_lowered  }
0x9c: {  	s8 =	simm.s32 $0x1BFF;
	s21 =	sshll.u32 s7, $0x1;
	s5 =	sadd.s32 s5, s20  }
0x9d: {  	s22 =	simm.s32 $0x0;
	s6 =	sshll.u32 s6, $0x1;
	s7 =	sadd.s32 s21, s5  }
0x9e: {  	[timem:s22], [sflag:s8] =	dma.local [hbm:s7], s6  }
0x9f: {  	_ =	swait.ge [sflag:s8], s6  }
0xa0: {  	s6 =	ssub.s32 $0x0, s6;
	[sflag:s8] =	ssyncset.done $0x0  }
0xa1: {  	[sflag:s8] =	ssyncadd.s32 s6;
	_ =	sdelay $0x1  }
0xa2: {  	s23 =	simm.s32 $0x1B8B  }
0xa3: {  	_ =	swait.ge [sflag:s23], $0x1  }
0xa4: {  	[sflag:s23] =	ssyncset.done $0x0  }
0xa5: {  	[sflag:s23] =	ssyncadd.s32 $0xFFFFFFFF  }
0xa6: {  	s6 =	sld [smem:$0x0]  }
0xa7: {  	s7 =	sand.u32 $0xFFFFFFFE, s1  }
0xa8: {  	p0 =	sne.s32 s1, s7  }
0xa9: {  	s7 =	sshll.u32 @p0 s7, $0xE  }
0xaa: {  	s7 =	sadd.s32 @p0 $0x11B8D, s7;
	s8 =	sshll.u32 @p0 s6, $0x11  }
0xab: {  	s7 =	sor.u32 @p0 s8, s7  }
0xac: {  	[sflag:s7] =	ssyncadd.remote.s32 @p0 $0x1;
	_ =	sdelay $0x1  }
0xad: {  	s7 =	simm.s32 @p0 $0x1B8D  }
0xae: {  	_ =	swait.eq @p0 [sflag:s7], $0x1  }
0xaf: {  	[sflag:s7] =	ssyncadd.s32 @p0 $0xFFFFFFFF  }
0xb0: {  	s8 =	sshll.u32 @!p0 s1, $0xE  }
0xb1: {  	s8 =	sor.u32 @!p0 $0x4000, s8;
	s7 =	simm.s32 @!p0 $0x1B8D  }
0xb2: {  	s6 =	sshll.u32 @!p0 s6, $0x11;
	s8 =	sadd.s32 @!p0 $0x11B8D, s8;
	_ =	swait.eq @!p0 [sflag:s7], $0x1  }
0xb3: {  	s6 =	sor.u32 @!p0 s6, s8;
	[sflag:s7] =	ssyncadd.s32 @!p0 $0xFFFFFFFF  }
0xb4: {  	s25 =	simm.s32 $0x1B8E;
	s24 =	sld [smem:$0x3FFE];
	[sflag:s6] =	ssyncadd.remote.s32 @!p0 $0x1  }
0xb5: {  	s26 =	simm.s32 $execute0_lowered;
	[smem:$0x3FD2] =	sst s25  }
0xb6: {  	s7 =	sshll.u32 s26, $0x1;
	_ =	strace $0x80000049;
	[dreg:$0x1] =	wrdreg $0xFFFFFFFF  }
0xb7: {  	s28 =	simm.s32 $_size_execute0_lowered;
	s5 =	sadd.s32 s5, s7;
	[dreg:$0x0] =	wrdreg $0x0  }
0xb8: {  	s7 =	sshll.u32 s28, $0x1;
	[dreg:$0x2] =	wrdreg s5  }
0xb9: {  	[dreg:$0x3] =	wrdreg s7  }
0xba: {  	[dreg:$0x4] =	wrdreg $0xC0  }
0xbb: {  	_ =	task [dreg:s22], $0x5FFFF  }
0xbc: {  	[dreg:$0x1] =	wrdreg $0xFFFFFFFF  }
0xbd: {  	[dreg:$0x0] =	wrdreg $0x60  }
0xbe: {  	[dreg:$0x2] =	wrdreg s18  }
0xbf: {  	[dreg:$0x3] =	wrdreg s4  }
0xc0: {  	[dreg:$0x4] =	wrdreg s24  }
0xc1: {  	[dreg:$0x5] =	wrdreg $0x9  }
0xc2: {  	_ =	task.clear_ibuf [dreg:s22], $0x6FFFF;
	_ =	strace $0x90000049  }
0xc3: {  	s29 =	simm.s32 $0x9;
	_ =	strace $0x8000004B  }
0xc4: {  	_ =	swait.ge [sflag:s29], $0x1  }
0xc5: {  	[sflag:s29] =	ssyncadd.s32 $0xFFFFFFFF  }
0xc6: {  	_ =	strace $0x9000004B  }
0xc7: {  	_ =	sfence  }
0xc8: {  	s30 =	sld [smem:$0x0];
	_ =	sdelay $0x2  }
0xc9: {  	s31 =	sshll.u32 s1, $0xD;
	s1 =	sshrl.u32 s1, $0x2  }
0xca: {  	s4 =	sand.u32 $0x4000, s31;
	s1 =	sadd.s32 s1, s30  }
0xcb: {  	s0 =	sor.u32 s4, s0;
	s1 =	sshll.u32 s1, $0x11  }
0xcc: {  	s0 =	sor.u32 s1, s0  }
0xcd: {  	s0 =	sadd.s32 $0x8F2B, s0  }
0xce: {  	[sflag:s0] =	ssyncadd.remote.s32 $0x1  }
0xcf: {  	_ =	sfence.sel $0xFFFF  }
0xd0: {  	[dreg:$0x0] =	wrdreg $0xFFFFFFFF;
	(pc) =	sbr.abs _section_cstart, $3  }
0xd1: {  	[dreg:$0x1] =	wrdreg $0xFFFFFFFF  }
0xd2: {  	_ =	task.clear_ibuf [dreg:s22], $0x2FFFF;
	_ =	strace $0x9FFFFFFF  }
0xd3: {  	(tm) =	ssettm $0x7FFFFFFF  }
tec
execute0_lowered:
.L_overlay_start_1:
0x0: {  	(tag) =	ssettag $0x1  }
0x1: {  	s0 =	srdreg.scid;
	s3 =	rddreg [dreg:$0x1]  }
0x2: {  	s5 =	stileid.u32;
	s2 =	rddreg [dreg:$0x2]  }
0x3: {  	s4 =	simm.s32 $0x0;
	s11 =	simm.s32 $0x40;
	s16 =	simm.s32 $0xC100  }
0x4: {  	s17 =	simm.s32 $0x12100;
	s18 =	simm.s32 $0x4;
	s19 =	simm.s32 $0x1  }
0x5: {  	s20 =	simm.s32 $0x19100;
	s21 =	simm.s32 $0x1C100;
	s22 =	simm.s32 $0x2  }
0x6: {  	s23 =	simm.s32 $0x18100;
	s0 =	sand.u32 $0x1, s0;
	s1 =	sshll.u32 s5, $0x1  }
0x7: {  	s25 =	simm.s32 $0x3;
	s26 =	simm.s32 $0x0;
	s1 =	sor.u32 s0, s1  }
0x8: {  	[smem:$0x7FF] =	sst s4;
	p0 =	slt.u32 s5, $0xB;
	s7 =	smul.u32 $0x28, s1  }
0x9: {  	s6 =	sadd.s32 $0x33000, s2;
	s0 =	ssub.s32 $0x2, s0;
	s8 =	smul.u32 $0x29, s1  }
0xa: {  	s12 =	sadd.s32 $0xF4200, s3;
	s10 =	sshrl.u32 s0, $0x1;
	s5 =	sadd.s32 $0x16, s7  }
0xb: {  	_ =	strace $0x8000004A;
	s0 =	ssub.s32 s0, s10;
	s5 =	smov.u32 @p0 s8  }
0xc: {  	s9 =	sadd.s32 $0x3E, s7;
	s7 =	simm.s32 $0x29;
	s28 =	smul.u32 $0x300, s5  }
0xd: {  	s13 =	smax.u32 s0, $0x1;
	s8 =	sadd.s32 $0x29, s8;
	s29 =	smul.u32 $0x1800, s5  }
.Ltmp0:
0xe: {  	s7 =	simm.s32 @!p0 $0x28;
	s9 =	smov.u32 @p0 s8;
	(pc) =	sbr.rel .LBB2_1-.Ltmp0, $4  }
0xf: {  	p0 =	seq.s32 s1, $0x1F;
	s10 =	sadd.s32 $0xFFFFFFFE, s7;
	s9 =	smul.u32 $0x300, s9  }
0x10: {  	s11 =	simm.s32 @!p0 $0x0;
	p0 =	sne.s32 s1, $0x1F;
	s8 =	sshrl.u32 s29, $0x3  }
0x11: {  	v2 =	vlaneseq.u32;
	v3 =	vimm.s32 $0x7FFFFFF0;
	v4 =	vimm.s32 $0x4000;
	s31 =	sadd.s32 s3, s28;
	s30 =	sadd.s32 s3, s8;
	s14 =	sor.u32 s11, s9  }
0x12: {  	v5 =	vimm.s32 $0x0;
	v0 =	vmov s28;
	[dreg:$0x4] =	wrdreg s31;
	s11 =	sadd.s32 $0xFFFFFFFD, s7;
	s9 =	sadd.s32 $0x300, s30;
	v1 =	vmov s14  }
.LBB2_24:
0x13: {  	s0 =	simm.s32 $0x60  }
0x14: {  	[hbm4b:s6+s0] =	stream.indirect.scatter [tilespmem:s20], [sflag:$0x3], $0x80, s21, s0, $0xb8;
	[tilespmem:$0x1C180] =	vst v63  }
0x15: {  	_ =	swait.ge [sflag:s25], $0x3000  }
0x16: {  	[sflag:s25] =	ssyncset.done $0x0  }
0x17: {  	s26 =	sadd.s32 $0x1, s26;
	[sflag:s25] =	ssyncadd.s32 $0xFFFFD000  }
0x18: {  	p1 =	sne.s32 s26, s13;
	[tilespmem:$0x1C100] =	vst v4  }
.Ltmp1:
0x19: {  	[tilespmem:$0x1C110] =	vst v4;
	(pc) =	sbr.rel @!p1 .LBB2_25-.Ltmp1, $4  }
0x1a: {  	[tilespmem:$0x1C120] =	vst v4  }
0x1b: {  	[tilespmem:$0x1C130] =	vst v4  }
0x1c: {  	[tilespmem:$0x1C140] =	vst v4  }
0x1d: {  	[tilespmem:$0x1C150] =	vst v4  }
.LBB2_1:
0x1e: {  	s0 =	rddreg [dreg:$0x4];
	s1 =	simm.s32 $0x1800;
	s2 =	simm.s32 $0x7A1400  }
0x1f: {  	[tilespmem:s16], [sflag:$0x1] =	stream.strided.gather [hbm4b:s0+s1], $0x6000, s2, s1, $0x38;
	[tilespmem:$0x1C180] =	vst v63  }
0x20: {  	_ = 	snop  }
0x21: {  	[tilespmem:s17], [sflag:$0x2] =	stream.strided.gather [hbm4b:s9+s1], $0x6000, s2, s1, $0x38;
	[tilespmem:$0x1C180] =	vst v63  }
0x22: {  	s31 =	rddreg [dreg:$0x0]  }
0x23: {  	[tilespmem:s4], [sflag:$0x4] =	stream.linear.gather [hbm4b:s31+s4], $0x4000, $0x38;
	[tilespmem:$0x1C180] =	vst v63  }
0x24: {  	_ =	swait.ge [sflag:s18], $0x4000  }
0x25: {  	[sflag:s18] =	ssyncset.done $0x0  }
0x26: {  	[sflag:s18] =	ssyncadd.s32 $0xFFFFC000  }
0x27: {  	v6 =	vld [tilespmem:s4+$0x0];
	_ =	sdelay $0x4  }
0x28: {  	vm0 =	vge.s32 v6, v0;
	vm1 =	vlt.s32 v6, v1  }
0x29: {  	vm0 =	vmand vm0, vm1  }
0x2a: {  	v8 =	vmpcnt.ones.xlane vm0;
	_ =	sdelay $0x1  }
0x2b: {  	(v2sf) =	vpush v8, $0x0;
	_ =	sdelay $0x3  }
0x2c: {  	v7 =	vor.u32 s4, v2  }
0x2d: {  	[tilespmem:s4+$0x4000] =	vst.msk vm0, v7  }
0x2e: {  	s0 =	simm.s32 $0x10;
	[tilespmem:s4+$0x8080] =	vst.msk vm0, v6  }
0x2f: {  	s14 =	simm.s32 $0x10;
	s2 =	simm.s32 $0x20;
	s1 =	simm.s32 $0x0;
	v6 =	vld [tilespmem:s0+$0x0]  }
.LBB2_2:
0x30: {  	p1 =	sne.s32 s2, $0x3FF0;
	_ =	sdelay $0x3  }
0x31: {  	vm0 =	vge.s32 v6, v0;
	vm1 =	vlt.s32 v6, v1  }
0x32: {  	vm0 =	vmand vm0, vm1  }
0x33: {  	v7 =	vmpcnt.ones.xlane vm0  }
0x34: {  	s24 =	spop (v2sf)  }
0x35: {  	v8 =	vor.u32 s0, v2;
	s0 =	smov.u32 s2;
	(v2sf) =	vpush v7, $0x0;
	s1 =	sadd.s32 s1, s24  }
0x36: {  	[tilespmem:s1+$0x4000] =	vst.msk vm0, v8  }
0x37: {  	[tilespmem:s1+$0x8080] =	vst.msk vm0, v6  }
.Ltmp2:
0x38: {  	(pc) =	sbr.rel @p1 .LBB2_2-.Ltmp2, $3  }
0x39: {  	_ =	sdelay $0x1  }
0x3a: {  	s14 =	sadd.s32 $0x10, s14  }
0x3b: {  	s2 =	sadd.s32 $0x10, s2;
	v6 =	vld [tilespmem:s14+$0x0]  }
0x3c: {  	_ =	sdelay $0x3  }
0x3d: {  	vm0 =	vge.s32 v6, v0;
	vm1 =	vlt.s32 v6, v1  }
0x3e: {  	vm0 =	vmand vm0, vm1  }
0x3f: {  	v7 =	vmpcnt.ones.xlane vm0;
	_ =	sdelay $0x1  }
0x40: {  	(v2sf) =	vpush v7, $0x0;
	_ =	sdelay $0xd  }
0x41: {  	s2 =	spop (v2sf)  }
0x42: {  	v7 =	vor.u32 s0, v2;
	s8 =	sadd.s32 s1, s2;
	s14 =	spop (v2sf)  }
0x43: {  	[tilespmem:s8+$0x4000] =	vst.msk vm0, v7;
	s1 =	sadd.s32 s8, s14  }
0x44: {  	[tilespmem:s8+$0x8080] =	vst.msk vm0, v6;
	s15 =	sadd.s32 $0xF, s1  }
0x45: {  	[tilespmem:s1+$0x8080] =	vst v3;
	s24 =	sand.u32 $0xF, s15  }
0x46: {  	[tilespmem:$0x1C100] =	vst v4;
	s28 =	sshra.s32 s15, $0x1F;
	p1 =	slt.s32 s15, $0x1;
	p2 =	sne.s32 s24, $0x0  }
.Ltmp3:
0x47: {  	[tilespmem:$0x1C110] =	vst v4;
	s31 =	sshrl.u32 s28, $0x1C;
	p1 =	por !p1, !p2;
	(pc) =	sbr.rel .LBB2_4-.Ltmp3, $4  }
0x48: {  	s1 =	simm.s32 $0x1;
	[tilespmem:$0x1C120] =	vst v4;
	s0 =	sadd.s32 s31, s15;
	p1 =	por !p1, !p1  }
0x49: {  	[tilespmem:$0x1C130] =	vst v4;
	s0 =	sshra.s32 s0, $0x4;
	s1 =	simm.s32 @!p1 $0x0  }
0x4a: {  	[tilespmem:$0x1C140] =	vst v4;
	s24 =	ssub.s32 s0, s1  }
0x4b: {  	s29 =	simm.s32 $0x0;
	s30 =	simm.s32 $0x0;
	[tilespmem:$0x1C150] =	vst v4;
	p1 =	slt.s32 s24, $0x1  }
.LBB2_17:
0x4c: {  	p2 =	sge.u32 s31, s11  }
0x4d: {  	s0 =	smul.u32 @!p2 $0x1800, s2;
	_ =	sdelay $0x1  }
0x4e: {  	s0 =	sshrl.u32 @!p2 s0, $0x3  }
0x4f: {  	s1 =	simm.s32 @!p2 $0x1800;
	s0 =	sadd.s32 @!p2 s3, s0  }
0x50: {  	s2 =	simm.s32 @!p2 $0x7A1400;
	s8 =	simm.s32 @!p2 $0x12100;
	s0 =	sadd.s32 @!p2 $0x600, s0  }
0x51: {  	[tilespmem:s8], [sflag:$0x2] =	stream.strided.gather @!p2 [hbm4b:s0+s1], $0x6000, s2, s1, $0x38;
	[tilespmem:$0x1C180] =	vst v63  }
.LBB2_18:
0x52: {  	s30 =	sadd.s32 $0x1, s30  }
0x53: {  	p2 =	sne.s32 s30, $0x15  }
.Ltmp4:
0x54: {  	_ = 	snop;
	(pc) =	sbr.rel @!p2 .LBB2_19-.Ltmp4, $1  }
0x55: {  	_ =	sdelay $0x3  }
.LBB2_4:
0x56: {  	s31 =	sshll.u32 s30, $0x1  }
0x57: {  	p2 =	sge.u32 s31, s7  }
.Ltmp5:
0x58: {  	_ = 	snop;
	(pc) =	sbr.rel @p2 .LBB2_11-.Ltmp5, $1  }
0x59: {  	_ =	sdelay $0x3  }
.Ltmp6:
0x5a: {  	(pc) =	sbr.rel @p1 .LBB2_10-.Ltmp6, $4  }
0x5b: {  	_ = 	snop  }
0x5c: {  	_ =	swait.ge [sflag:s19], $0x6000  }
0x5d: {  	[sflag:s19] =	ssyncset.done $0x0  }
0x5e: {  	s2 =	sadd.s32 s5, s31;
	[sflag:s19] =	ssyncadd.s32 $0xFFFFA000  }
.Ltmp7:
0x5f: {  	(pc) =	sbr.rel .LBB2_7-.Ltmp7, $3  }
0x60: {  	s0 =	smul.u32 $0x300, s2;
	_ =	sdelay $0x1  }
0x61: {  	s1 =	sadd.s32 $0x300, s0  }
0x62: {  	s28 =	smov.u32 s24;
	v6 =	vmov s0;
	s0 =	simm.s32 $0x8080;
	v7 =	vmov s1;
	s1 =	simm.s32 $0x4000  }
.LBB2_9:
0x63: {  	s29 =	sadd.s32 s29, s14  }
0x64: {  	p2 =	slt.s32 s29, $0x50  }
0x65: {  	s14 =	simm.s32 @!p2 $0x60;
	s15 =	simm.s32 @!p2 $0x1C100;
	s8 =	simm.s32 @!p2 $0x19100  }
0x66: {  	[hbm4b:s6+s14] =	stream.indirect.scatter @!p2 [tilespmem:s8], [sflag:$0x3], $0x80, s15, s14, $0xb8;
	[tilespmem:$0x1C180] =	vst v63  }
0x67: {  	s8 =	simm.s32 @!p2 $0x3  }
0x68: {  	_ =	swait.ge @!p2 [sflag:s8], $0x3000  }
0x69: {  	[sflag:s8] =	ssyncset.done @!p2 $0x0  }
0x6a: {  	s28 =	sadd.s32 $0xFFFFFFFF, s28;
	v8 =	vimm.s32 @!p2 $0x4000;
	[sflag:s8] =	ssyncadd.s32 @!p2 $0xFFFFD000  }
0x6b: {  	p4 =	sne.s32 s28, $0x0;
	[tilespmem:$0x1C100] =	vst @!p2 v8  }
.Ltmp8:
0x6c: {  	[tilespmem:$0x1C110] =	vst @!p2 v8;
	(pc) =	sbr.rel @!p4 .LBB2_10-.Ltmp8, $4  }
0x6d: {  	[tilespmem:$0x1C120] =	vst @!p2 v8  }
0x6e: {  	[tilespmem:$0x1C130] =	vst @!p2 v8  }
0x6f: {  	p3 =	sgt.s32 s29, $0x4F;
	[tilespmem:$0x1C140] =	vst @!p2 v8  }
0x70: {  	s0 =	sadd.s32 $0x10, s0;
	s1 =	sadd.s32 $0x10, s1;
	s29 =	simm.s32 @p3 $0x0;
	[tilespmem:$0x1C150] =	vst @!p2 v8  }
.LBB2_7:
0x71: {  	v8 =	vld [tilespmem:s0+$0x0];
	_ =	sdelay $0x4  }
0x72: {  	vm0 =	vge.s32 v8, v6;
	vm1 =	vlt.s32 v8, v7  }
0x73: {  	vm0 =	vmand vm0, vm1  }
0x74: {  	v9 =	vmpcnt.ones.xlane vm0;
	_ =	sdelay $0x1  }
0x75: {  	(v2sf) =	vpush v9, $0x0;
	_ =	sdelay $0xe  }
0x76: {  	s14 =	spop (v2sf)  }
0x77: {  	p2 =	slt.s32 s14, $0x1  }
.Ltmp9:
0x78: {  	_ = 	snop;
	(pc) =	sbr.rel @p2 .LBB2_9-.Ltmp9, $1  }
0x79: {  	_ =	sdelay $0x3  }
0x7a: {  	v9 =	vsel vm0, $0x1, v5;
	v8 =	vsub.s32 v8, v6  }
0x7b: {  	(xrf0) =	vadd.scan.msk.s32 $0xffff, v9;
	v8 =	vnsel vm0, $0x0, v8  }
0x7c: {  	v50 =	vshll.u32 v8, $0x3  }
0x7d: {  	v8 =	vand.u32 $0x7F, v8;
	v9 =	vand.u32 $0xFFFFFC00, v50  }
0x7e: {  	v10 =	vmov s29;
	v9 =	vor.u32 v8, v9  }
0x7f: {  	v8 =	vadd.s32 $0xFFFFFFFF, v10  }
0x80: {  	v8 =	vbroadcast v8, $0x0  }
0x81: {  	v51, _, _ =	vpop (xrf0)  }
0x82: {  	v8 =	vadd.s32 v51, v8  }
0x83: {  	v52 =	vld.idx.msk [tilespmem:v9+s16+$0x0], vm0;
	v11 =	vshll.u32 v8, $0x7  }
0x84: {  	v12 =	vor.u32 $0x80, v9;
	_ =	sdelay $0x3  }
0x85: {  	v13 =	vld [tilespmem:s1+$0x0];
	[tilespmem:v11+s20+$0x0] =	vst.idx.msk vm0, v52  }
0x86: {  	v53 =	vor.u32 $0x1, v11;
	v10 =	vld.idx.msk [tilespmem:v12+s16+$0x0], vm0  }
0x87: {  	v14 =	vor.u32 $0x100, v9;
	_ =	sdelay $0x3  }
0x88: {  	[tilespmem:v53+s20+$0x0] =	vst.idx.msk vm0, v10  }
0x89: {  	v54 =	vor.u32 $0x2, v11;
	v10 =	vld.idx.msk [tilespmem:v14+s16+$0x0], vm0  }
0x8a: {  	v55 =	vor.u32 $0x180, v9;
	_ =	sdelay $0x3  }
0x8b: {  	[tilespmem:v54+s20+$0x0] =	vst.idx.msk vm0, v10  }
0x8c: {  	v56 =	vor.u32 $0x3, v11;
	v10 =	vld.idx.msk [tilespmem:v55+s16+$0x0], vm0  }
0x8d: {  	v57 =	vor.u32 $0x200, v9;
	_ =	sdelay $0x3  }
0x8e: {  	[tilespmem:v56+s20+$0x0] =	vst.idx.msk vm0, v10  }
0x8f: {  	v58 =	vor.u32 $0x4, v11;
	v10 =	vld.idx.msk [tilespmem:v57+s16+$0x0], vm0  }
0x90: {  	v59 =	vor.u32 $0x280, v9;
	_ =	sdelay $0x3  }
0x91: {  	[tilespmem:v58+s20+$0x0] =	vst.idx.msk vm0, v10  }
0x92: {  	v60 =	vor.u32 $0x5, v11;
	v10 =	vld.idx.msk [tilespmem:v59+s16+$0x0], vm0  }
0x93: {  	v61 =	vor.u32 $0x300, v9;
	_ =	sdelay $0x3  }
0x94: {  	[tilespmem:v60+s20+$0x0] =	vst.idx.msk vm0, v10  }
0x95: {  	v62 =	vor.u32 $0x6, v11;
	v10 =	vld.idx.msk [tilespmem:v61+s16+$0x0], vm0  }
0x96: {  	v63 =	vor.u32 $0x380, v9;
	_ =	sdelay $0x3  }
0x97: {  	[tilespmem:v62+s20+$0x0] =	vst.idx.msk vm0, v10  }
0x98: {  	v16 =	vor.u32 $0x7, v11;
	v10 =	vld.idx.msk [tilespmem:v63+s16+$0x0], vm0  }
0x99: {  	v17 =	vadd.s32 $0x1800, v9;
	_ =	sdelay $0x3  }
0x9a: {  	[tilespmem:v16+s20+$0x0] =	vst.idx.msk vm0, v10  }
0x9b: {  	v18 =	vor.u32 $0x8, v11;
	v10 =	vld.idx.msk [tilespmem:v17+s16+$0x0], vm0  }
0x9c: {  	v19 =	vadd.s32 $0x1880, v9;
	_ =	sdelay $0x3  }
0x9d: {  	[tilespmem:v18+s20+$0x0] =	vst.idx.msk vm0, v10  }
0x9e: {  	v20 =	vor.u32 $0x9, v11;
	v10 =	vld.idx.msk [tilespmem:v19+s16+$0x0], vm0  }
0x9f: {  	v21 =	vadd.s32 $0x1900, v9;
	_ =	sdelay $0x3  }
0xa0: {  	[tilespmem:v20+s20+$0x0] =	vst.idx.msk vm0, v10  }
0xa1: {  	v22 =	vor.u32 $0xA, v11;
	v10 =	vld.idx.msk [tilespmem:v21+s16+$0x0], vm0  }
0xa2: {  	v23 =	vadd.s32 $0x1980, v9;
	_ =	sdelay $0x3  }
0xa3: {  	[tilespmem:v22+s20+$0x0] =	vst.idx.msk vm0, v10  }
0xa4: {  	v24 =	vor.u32 $0xB, v11;
	v10 =	vld.idx.msk [tilespmem:v23+s16+$0x0], vm0  }
0xa5: {  	v25 =	vadd.s32 $0x1A00, v9;
	_ =	sdelay $0x3  }
0xa6: {  	[tilespmem:v24+s20+$0x0] =	vst.idx.msk vm0, v10  }
0xa7: {  	v26 =	vor.u32 $0xC, v11;
	v10 =	vld.idx.msk [tilespmem:v25+s16+$0x0], vm0  }
0xa8: {  	v27 =	vadd.s32 $0x1A80, v9;
	_ =	sdelay $0x3  }
0xa9: {  	[tilespmem:v26+s20+$0x0] =	vst.idx.msk vm0, v10  }
0xaa: {  	v28 =	vor.u32 $0xD, v11;
	v10 =	vld.idx.msk [tilespmem:v27+s16+$0x0], vm0  }
0xab: {  	v29 =	vadd.s32 $0x1B00, v9;
	_ =	sdelay $0x3  }
0xac: {  	[tilespmem:v28+s20+$0x0] =	vst.idx.msk vm0, v10  }
0xad: {  	v30 =	vor.u32 $0xE, v11;
	v10 =	vld.idx.msk [tilespmem:v29+s16+$0x0], vm0  }
0xae: {  	v31 =	vadd.s32 $0x1B80, v9;
	_ =	sdelay $0x3  }
0xaf: {  	[tilespmem:v30+s20+$0x0] =	vst.idx.msk vm0, v10  }
0xb0: {  	v32 =	vor.u32 $0xF, v11;
	v10 =	vld.idx.msk [tilespmem:v31+s16+$0x0], vm0  }
0xb1: {  	v33 =	vadd.s32 $0x3000, v9;
	_ =	sdelay $0x3  }
0xb2: {  	[tilespmem:v32+s20+$0x0] =	vst.idx.msk vm0, v10  }
0xb3: {  	v34 =	vor.u32 $0x10, v11;
	v10 =	vld.idx.msk [tilespmem:v33+s16+$0x0], vm0  }
0xb4: {  	v35 =	vadd.s32 $0x3080, v9;
	_ =	sdelay $0x3  }
0xb5: {  	[tilespmem:v34+s20+$0x0] =	vst.idx.msk vm0, v10  }
0xb6: {  	v36 =	vor.u32 $0x11, v11;
	v10 =	vld.idx.msk [tilespmem:v35+s16+$0x0], vm0  }
0xb7: {  	v37 =	vadd.s32 $0x3100, v9;
	_ =	sdelay $0x3  }
0xb8: {  	[tilespmem:v36+s20+$0x0] =	vst.idx.msk vm0, v10  }
0xb9: {  	v38 =	vor.u32 $0x12, v11;
	v10 =	vld.idx.msk [tilespmem:v37+s16+$0x0], vm0  }
0xba: {  	v39 =	vadd.s32 $0x3180, v9;
	_ =	sdelay $0x3  }
0xbb: {  	[tilespmem:v38+s20+$0x0] =	vst.idx.msk vm0, v10  }
0xbc: {  	v40 =	vor.u32 $0x13, v11;
	v10 =	vld.idx.msk [tilespmem:v39+s16+$0x0], vm0  }
0xbd: {  	v41 =	vadd.s32 $0x3200, v9;
	_ =	sdelay $0x3  }
0xbe: {  	[tilespmem:v40+s20+$0x0] =	vst.idx.msk vm0, v10  }
0xbf: {  	v42 =	vor.u32 $0x14, v11;
	v10 =	vld.idx.msk [tilespmem:v41+s16+$0x0], vm0  }
0xc0: {  	v43 =	vadd.s32 $0x3280, v9;
	_ =	sdelay $0x3  }
0xc1: {  	[tilespmem:v42+s20+$0x0] =	vst.idx.msk vm0, v10  }
0xc2: {  	v44 =	vor.u32 $0x15, v11;
	v10 =	vld.idx.msk [tilespmem:v43+s16+$0x0], vm0  }
0xc3: {  	v45 =	vadd.s32 $0x3300, v9;
	_ =	sdelay $0x3  }
0xc4: {  	[tilespmem:v44+s20+$0x0] =	vst.idx.msk vm0, v10  }
0xc5: {  	v46 =	vor.u32 $0x16, v11;
	v10 =	vld.idx.msk [tilespmem:v45+s16+$0x0], vm0  }
0xc6: {  	v47 =	vadd.s32 $0x3380, v9;
	_ =	sdelay $0x3  }
0xc7: {  	[tilespmem:v46+s20+$0x0] =	vst.idx.msk vm0, v10  }
0xc8: {  	v48 =	vor.u32 $0x17, v11;
	v10 =	vld.idx.msk [tilespmem:v47+s16+$0x0], vm0  }
0xc9: {  	v49 =	vadd.s32 $0x4800, v9;
	_ =	sdelay $0x3  }
0xca: {  	[tilespmem:v48+s20+$0x0] =	vst.idx.msk vm0, v10  }
0xcb: {  	v50 =	vor.u32 $0x18, v11;
	v10 =	vld.idx.msk [tilespmem:v49+s16+$0x0], vm0  }
0xcc: {  	v51 =	vadd.s32 $0x4880, v9;
	_ =	sdelay $0x3  }
0xcd: {  	[tilespmem:v50+s20+$0x0] =	vst.idx.msk vm0, v10  }
0xce: {  	v52 =	vor.u32 $0x19, v11;
	v10 =	vld.idx.msk [tilespmem:v51+s16+$0x0], vm0  }
0xcf: {  	v53 =	vadd.s32 $0x4900, v9;
	_ =	sdelay $0x3  }
0xd0: {  	[tilespmem:v52+s20+$0x0] =	vst.idx.msk vm0, v10  }
0xd1: {  	v54 =	vor.u32 $0x1A, v11;
	v10 =	vld.idx.msk [tilespmem:v53+s16+$0x0], vm0  }
0xd2: {  	v55 =	vadd.s32 $0x4980, v9;
	_ =	sdelay $0x3  }
0xd3: {  	[tilespmem:v54+s20+$0x0] =	vst.idx.msk vm0, v10  }
0xd4: {  	v56 =	vor.u32 $0x1B, v11;
	v10 =	vld.idx.msk [tilespmem:v55+s16+$0x0], vm0  }
0xd5: {  	v57 =	vadd.s32 $0x4A00, v9;
	_ =	sdelay $0x3  }
0xd6: {  	[tilespmem:v56+s20+$0x0] =	vst.idx.msk vm0, v10  }
0xd7: {  	v58 =	vor.u32 $0x1C, v11;
	v10 =	vld.idx.msk [tilespmem:v57+s16+$0x0], vm0  }
0xd8: {  	v59 =	vadd.s32 $0x4A80, v9;
	_ =	sdelay $0x3  }
0xd9: {  	[tilespmem:v58+s20+$0x0] =	vst.idx.msk vm0, v10  }
0xda: {  	v60 =	vor.u32 $0x1D, v11;
	v10 =	vld.idx.msk [tilespmem:v59+s16+$0x0], vm0  }
0xdb: {  	v61 =	vadd.s32 $0x4B00, v9;
	_ =	sdelay $0x3  }
0xdc: {  	[tilespmem:v60+s20+$0x0] =	vst.idx.msk vm0, v10  }
0xdd: {  	v62 =	vor.u32 $0x1E, v11;
	v10 =	vld.idx.msk [tilespmem:v61+s16+$0x0], vm0  }
0xde: {  	v9 =	vadd.s32 $0x4B80, v9;
	_ =	sdelay $0x3  }
0xdf: {  	[tilespmem:v62+s20+$0x0] =	vst.idx.msk vm0, v10  }
0xe0: {  	v63 =	vor.u32 $0x1F, v11;
	v9 =	vld.idx.msk [tilespmem:v9+s16+$0x0], vm0;
	_ =	sdelay $0x1  }
.Ltmp10:
0xe1: {  	_ = 	snop;
	(pc) =	sbr.rel .LBB2_9-.Ltmp10, $3  }
0xe2: {  	_ =	sdelay $0x1  }
0xe3: {  	[tilespmem:v63+s20+$0x0] =	vst.idx.msk vm0, v9  }
0xe4: {  	[tilespmem:v8+s21+$0x0] =	vst.idx.msk vm0, v13  }
.LBB2_10:
0xe5: {  	p2 =	sge.u32 s31, s10  }
0xe6: {  	s0 =	smul.u32 @!p2 $0x1800, s2;
	_ =	sdelay $0x1  }
0xe7: {  	s0 =	sshrl.u32 @!p2 s0, $0x3  }
0xe8: {  	s1 =	simm.s32 @!p2 $0x1800;
	s0 =	sadd.s32 @!p2 s3, s0  }
0xe9: {  	s2 =	simm.s32 @!p2 $0x7A1400;
	s8 =	simm.s32 @!p2 $0xC100;
	s0 =	sadd.s32 @!p2 $0x600, s0  }
0xea: {  	[tilespmem:s8], [sflag:$0x1] =	stream.strided.gather @!p2 [hbm4b:s0+s1], $0x6000, s2, s1, $0x38;
	[tilespmem:$0x1C180] =	vst v63  }
.LBB2_11:
0xeb: {  	s0 =	sor.u32 $0x1, s31  }
0xec: {  	p2 =	sge.u32 s0, s7  }
.Ltmp11:
0xed: {  	_ = 	snop;
	(pc) =	sbr.rel @p2 .LBB2_18-.Ltmp11, $1  }
0xee: {  	_ =	sdelay $0x3  }
.Ltmp12:
0xef: {  	(pc) =	sbr.rel @p1 .LBB2_17-.Ltmp12, $4  }
0xf0: {  	_ = 	snop  }
0xf1: {  	_ =	swait.ge [sflag:s22], $0x6000  }
0xf2: {  	[sflag:s22] =	ssyncset.done $0x0  }
0xf3: {  	s2 =	sadd.s32 s5, s0;
	[sflag:s22] =	ssyncadd.s32 $0xFFFFA000  }
.Ltmp13:
0xf4: {  	(pc) =	sbr.rel .LBB2_14-.Ltmp13, $3  }
0xf5: {  	s0 =	smul.u32 $0x300, s2;
	_ =	sdelay $0x1  }
0xf6: {  	s1 =	sadd.s32 $0x300, s0  }
0xf7: {  	s28 =	smov.u32 s24;
	v6 =	vmov s0;
	s0 =	simm.s32 $0x8080;
	v7 =	vmov s1;
	s1 =	simm.s32 $0x4000  }
.LBB2_16:
0xf8: {  	s29 =	sadd.s32 s29, s14  }
0xf9: {  	p2 =	slt.s32 s29, $0x50  }
0xfa: {  	s8 =	simm.s32 @!p2 $0x60;
	s14 =	simm.s32 @!p2 $0x1C100;
	s15 =	simm.s32 @!p2 $0x19100  }
0xfb: {  	[hbm4b:s6+s8] =	stream.indirect.scatter @!p2 [tilespmem:s15], [sflag:$0x3], $0x80, s14, s8, $0xb8;
	[tilespmem:$0x1C180] =	vst v63  }
0xfc: {  	s8 =	simm.s32 @!p2 $0x3  }
0xfd: {  	_ =	swait.ge @!p2 [sflag:s8], $0x3000  }
0xfe: {  	[sflag:s8] =	ssyncset.done @!p2 $0x0  }
0xff: {  	s28 =	sadd.s32 $0xFFFFFFFF, s28;
	v8 =	vimm.s32 @!p2 $0x4000;
	[sflag:s8] =	ssyncadd.s32 @!p2 $0xFFFFD000  }
0x100: {  	p4 =	sne.s32 s28, $0x0;
	[tilespmem:$0x1C100] =	vst @!p2 v8  }
.Ltmp14:
0x101: {  	[tilespmem:$0x1C110] =	vst @!p2 v8;
	(pc) =	sbr.rel @!p4 .LBB2_17-.Ltmp14, $4  }
0x102: {  	[tilespmem:$0x1C120] =	vst @!p2 v8  }
0x103: {  	[tilespmem:$0x1C130] =	vst @!p2 v8  }
0x104: {  	p3 =	sgt.s32 s29, $0x4F;
	[tilespmem:$0x1C140] =	vst @!p2 v8  }
0x105: {  	s0 =	sadd.s32 $0x10, s0;
	s1 =	sadd.s32 $0x10, s1;
	s29 =	simm.s32 @p3 $0x0;
	[tilespmem:$0x1C150] =	vst @!p2 v8  }
.LBB2_14:
0x106: {  	v8 =	vld [tilespmem:s0+$0x0];
	_ =	sdelay $0x4  }
0x107: {  	vm0 =	vge.s32 v8, v6;
	vm1 =	vlt.s32 v8, v7  }
0x108: {  	vm0 =	vmand vm0, vm1  }
0x109: {  	v9 =	vmpcnt.ones.xlane vm0;
	_ =	sdelay $0x1  }
0x10a: {  	(v2sf) =	vpush v9, $0x0;
	_ =	sdelay $0xe  }
0x10b: {  	s14 =	spop (v2sf)  }
0x10c: {  	p2 =	slt.s32 s14, $0x1  }
.Ltmp15:
0x10d: {  	_ = 	snop;
	(pc) =	sbr.rel @p2 .LBB2_16-.Ltmp15, $1  }
0x10e: {  	_ =	sdelay $0x3  }
0x10f: {  	v9 =	vsel vm0, $0x1, v5;
	v8 =	vsub.s32 v8, v6  }
0x110: {  	(xrf0) =	vadd.scan.msk.s32 $0xffff, v9;
	v8 =	vnsel vm0, $0x0, v8  }
0x111: {  	v50 =	vshll.u32 v8, $0x3  }
0x112: {  	v8 =	vand.u32 $0x7F, v8;
	v9 =	vand.u32 $0xFFFFFC00, v50  }
0x113: {  	v10 =	vmov s29;
	v9 =	vor.u32 v8, v9  }
0x114: {  	v8 =	vadd.s32 $0xFFFFFFFF, v10  }
0x115: {  	v8 =	vbroadcast v8, $0x0  }
0x116: {  	v51, _, _ =	vpop (xrf0)  }
0x117: {  	v8 =	vadd.s32 v51, v8  }
0x118: {  	v52 =	vld.idx.msk [tilespmem:v9+s17+$0x0], vm0;
	v11 =	vshll.u32 v8, $0x7  }
0x119: {  	v12 =	vor.u32 $0x80, v9;
	_ =	sdelay $0x3  }
0x11a: {  	v13 =	vld [tilespmem:s1+$0x0];
	[tilespmem:v11+s20+$0x0] =	vst.idx.msk vm0, v52  }
0x11b: {  	v53 =	vor.u32 $0x1, v11;
	v10 =	vld.idx.msk [tilespmem:v12+s17+$0x0], vm0  }
0x11c: {  	v14 =	vor.u32 $0x100, v9;
	_ =	sdelay $0x3  }
0x11d: {  	[tilespmem:v53+s20+$0x0] =	vst.idx.msk vm0, v10  }
0x11e: {  	v54 =	vor.u32 $0x2, v11;
	v10 =	vld.idx.msk [tilespmem:v14+s17+$0x0], vm0  }
0x11f: {  	v55 =	vor.u32 $0x180, v9;
	_ =	sdelay $0x3  }
0x120: {  	[tilespmem:v54+s20+$0x0] =	vst.idx.msk vm0, v10  }
0x121: {  	v56 =	vor.u32 $0x3, v11;
	v10 =	vld.idx.msk [tilespmem:v55+s17+$0x0], vm0  }
0x122: {  	v57 =	vor.u32 $0x200, v9;
	_ =	sdelay $0x3  }
0x123: {  	[tilespmem:v56+s20+$0x0] =	vst.idx.msk vm0, v10  }
0x124: {  	v58 =	vor.u32 $0x4, v11;
	v10 =	vld.idx.msk [tilespmem:v57+s17+$0x0], vm0  }
0x125: {  	v59 =	vor.u32 $0x280, v9;
	_ =	sdelay $0x3  }
0x126: {  	[tilespmem:v58+s20+$0x0] =	vst.idx.msk vm0, v10  }
0x127: {  	v60 =	vor.u32 $0x5, v11;
	v10 =	vld.idx.msk [tilespmem:v59+s17+$0x0], vm0  }
0x128: {  	v61 =	vor.u32 $0x300, v9;
	_ =	sdelay $0x3  }
0x129: {  	[tilespmem:v60+s20+$0x0] =	vst.idx.msk vm0, v10  }
0x12a: {  	v62 =	vor.u32 $0x6, v11;
	v10 =	vld.idx.msk [tilespmem:v61+s17+$0x0], vm0  }
0x12b: {  	v63 =	vor.u32 $0x380, v9;
	_ =	sdelay $0x3  }
0x12c: {  	[tilespmem:v62+s20+$0x0] =	vst.idx.msk vm0, v10  }
0x12d: {  	v16 =	vor.u32 $0x7, v11;
	v10 =	vld.idx.msk [tilespmem:v63+s17+$0x0], vm0  }
0x12e: {  	v17 =	vadd.s32 $0x1800, v9;
	_ =	sdelay $0x3  }
0x12f: {  	[tilespmem:v16+s20+$0x0] =	vst.idx.msk vm0, v10  }
0x130: {  	v18 =	vor.u32 $0x8, v11;
	v10 =	vld.idx.msk [tilespmem:v17+s17+$0x0], vm0  }
0x131: {  	v19 =	vadd.s32 $0x1880, v9;
	_ =	sdelay $0x3  }
0x132: {  	[tilespmem:v18+s20+$0x0] =	vst.idx.msk vm0, v10  }
0x133: {  	v20 =	vor.u32 $0x9, v11;
	v10 =	vld.idx.msk [tilespmem:v19+s17+$0x0], vm0  }
0x134: {  	v21 =	vadd.s32 $0x1900, v9;
	_ =	sdelay $0x3  }
0x135: {  	[tilespmem:v20+s20+$0x0] =	vst.idx.msk vm0, v10  }
0x136: {  	v22 =	vor.u32 $0xA, v11;
	v10 =	vld.idx.msk [tilespmem:v21+s17+$0x0], vm0  }
0x137: {  	v23 =	vadd.s32 $0x1980, v9;
	_ =	sdelay $0x3  }
0x138: {  	[tilespmem:v22+s20+$0x0] =	vst.idx.msk vm0, v10  }
0x139: {  	v24 =	vor.u32 $0xB, v11;
	v10 =	vld.idx.msk [tilespmem:v23+s17+$0x0], vm0  }
0x13a: {  	v25 =	vadd.s32 $0x1A00, v9;
	_ =	sdelay $0x3  }
0x13b: {  	[tilespmem:v24+s20+$0x0] =	vst.idx.msk vm0, v10  }
0x13c: {  	v26 =	vor.u32 $0xC, v11;
	v10 =	vld.idx.msk [tilespmem:v25+s17+$0x0], vm0  }
0x13d: {  	v27 =	vadd.s32 $0x1A80, v9;
	_ =	sdelay $0x3  }
0x13e: {  	[tilespmem:v26+s20+$0x0] =	vst.idx.msk vm0, v10  }
0x13f: {  	v28 =	vor.u32 $0xD, v11;
	v10 =	vld.idx.msk [tilespmem:v27+s17+$0x0], vm0  }
0x140: {  	v29 =	vadd.s32 $0x1B00, v9;
	_ =	sdelay $0x3  }
0x141: {  	[tilespmem:v28+s20+$0x0] =	vst.idx.msk vm0, v10  }
0x142: {  	v30 =	vor.u32 $0xE, v11;
	v10 =	vld.idx.msk [tilespmem:v29+s17+$0x0], vm0  }
0x143: {  	v31 =	vadd.s32 $0x1B80, v9;
	_ =	sdelay $0x3  }
0x144: {  	[tilespmem:v30+s20+$0x0] =	vst.idx.msk vm0, v10  }
0x145: {  	v32 =	vor.u32 $0xF, v11;
	v10 =	vld.idx.msk [tilespmem:v31+s17+$0x0], vm0  }
0x146: {  	v33 =	vadd.s32 $0x3000, v9;
	_ =	sdelay $0x3  }
0x147: {  	[tilespmem:v32+s20+$0x0] =	vst.idx.msk vm0, v10  }
0x148: {  	v34 =	vor.u32 $0x10, v11;
	v10 =	vld.idx.msk [tilespmem:v33+s17+$0x0], vm0  }
0x149: {  	v35 =	vadd.s32 $0x3080, v9;
	_ =	sdelay $0x3  }
0x14a: {  	[tilespmem:v34+s20+$0x0] =	vst.idx.msk vm0, v10  }
0x14b: {  	v36 =	vor.u32 $0x11, v11;
	v10 =	vld.idx.msk [tilespmem:v35+s17+$0x0], vm0  }
0x14c: {  	v37 =	vadd.s32 $0x3100, v9;
	_ =	sdelay $0x3  }
0x14d: {  	[tilespmem:v36+s20+$0x0] =	vst.idx.msk vm0, v10  }
0x14e: {  	v38 =	vor.u32 $0x12, v11;
	v10 =	vld.idx.msk [tilespmem:v37+s17+$0x0], vm0  }
0x14f: {  	v39 =	vadd.s32 $0x3180, v9;
	_ =	sdelay $0x3  }
0x150: {  	[tilespmem:v38+s20+$0x0] =	vst.idx.msk vm0, v10  }
0x151: {  	v40 =	vor.u32 $0x13, v11;
	v10 =	vld.idx.msk [tilespmem:v39+s17+$0x0], vm0  }
0x152: {  	v41 =	vadd.s32 $0x3200, v9;
	_ =	sdelay $0x3  }
0x153: {  	[tilespmem:v40+s20+$0x0] =	vst.idx.msk vm0, v10  }
0x154: {  	v42 =	vor.u32 $0x14, v11;
	v10 =	vld.idx.msk [tilespmem:v41+s17+$0x0], vm0  }
0x155: {  	v43 =	vadd.s32 $0x3280, v9;
	_ =	sdelay $0x3  }
0x156: {  	[tilespmem:v42+s20+$0x0] =	vst.idx.msk vm0, v10  }
0x157: {  	v44 =	vor.u32 $0x15, v11;
	v10 =	vld.idx.msk [tilespmem:v43+s17+$0x0], vm0  }
0x158: {  	v45 =	vadd.s32 $0x3300, v9;
	_ =	sdelay $0x3  }
0x159: {  	[tilespmem:v44+s20+$0x0] =	vst.idx.msk vm0, v10  }
0x15a: {  	v46 =	vor.u32 $0x16, v11;
	v10 =	vld.idx.msk [tilespmem:v45+s17+$0x0], vm0  }
0x15b: {  	v47 =	vadd.s32 $0x3380, v9;
	_ =	sdelay $0x3  }
0x15c: {  	[tilespmem:v46+s20+$0x0] =	vst.idx.msk vm0, v10  }
0x15d: {  	v48 =	vor.u32 $0x17, v11;
	v10 =	vld.idx.msk [tilespmem:v47+s17+$0x0], vm0  }
0x15e: {  	v49 =	vadd.s32 $0x4800, v9;
	_ =	sdelay $0x3  }
0x15f: {  	[tilespmem:v48+s20+$0x0] =	vst.idx.msk vm0, v10  }
0x160: {  	v50 =	vor.u32 $0x18, v11;
	v10 =	vld.idx.msk [tilespmem:v49+s17+$0x0], vm0  }
0x161: {  	v51 =	vadd.s32 $0x4880, v9;
	_ =	sdelay $0x3  }
0x162: {  	[tilespmem:v50+s20+$0x0] =	vst.idx.msk vm0, v10  }
0x163: {  	v52 =	vor.u32 $0x19, v11;
	v10 =	vld.idx.msk [tilespmem:v51+s17+$0x0], vm0  }
0x164: {  	v53 =	vadd.s32 $0x4900, v9;
	_ =	sdelay $0x3  }
0x165: {  	[tilespmem:v52+s20+$0x0] =	vst.idx.msk vm0, v10  }
0x166: {  	v54 =	vor.u32 $0x1A, v11;
	v10 =	vld.idx.msk [tilespmem:v53+s17+$0x0], vm0  }
0x167: {  	v55 =	vadd.s32 $0x4980, v9;
	_ =	sdelay $0x3  }
0x168: {  	[tilespmem:v54+s20+$0x0] =	vst.idx.msk vm0, v10  }
0x169: {  	v56 =	vor.u32 $0x1B, v11;
	v10 =	vld.idx.msk [tilespmem:v55+s17+$0x0], vm0  }
0x16a: {  	v57 =	vadd.s32 $0x4A00, v9;
	_ =	sdelay $0x3  }
0x16b: {  	[tilespmem:v56+s20+$0x0] =	vst.idx.msk vm0, v10  }
0x16c: {  	v58 =	vor.u32 $0x1C, v11;
	v10 =	vld.idx.msk [tilespmem:v57+s17+$0x0], vm0  }
0x16d: {  	v59 =	vadd.s32 $0x4A80, v9;
	_ =	sdelay $0x3  }
0x16e: {  	[tilespmem:v58+s20+$0x0] =	vst.idx.msk vm0, v10  }
0x16f: {  	v60 =	vor.u32 $0x1D, v11;
	v10 =	vld.idx.msk [tilespmem:v59+s17+$0x0], vm0  }
0x170: {  	v61 =	vadd.s32 $0x4B00, v9;
	_ =	sdelay $0x3  }
0x171: {  	[tilespmem:v60+s20+$0x0] =	vst.idx.msk vm0, v10  }
0x172: {  	v62 =	vor.u32 $0x1E, v11;
	v10 =	vld.idx.msk [tilespmem:v61+s17+$0x0], vm0  }
0x173: {  	v9 =	vadd.s32 $0x4B80, v9;
	_ =	sdelay $0x3  }
0x174: {  	[tilespmem:v62+s20+$0x0] =	vst.idx.msk vm0, v10  }
0x175: {  	v63 =	vor.u32 $0x1F, v11;
	v9 =	vld.idx.msk [tilespmem:v9+s17+$0x0], vm0;
	_ =	sdelay $0x1  }
.Ltmp16:
0x176: {  	_ = 	snop;
	(pc) =	sbr.rel .LBB2_16-.Ltmp16, $3  }
0x177: {  	_ =	sdelay $0x1  }
0x178: {  	[tilespmem:v63+s20+$0x0] =	vst.idx.msk vm0, v9  }
0x179: {  	[tilespmem:v8+s21+$0x0] =	vst.idx.msk vm0, v13  }
.LBB2_19:
0x17a: {  	s0 =	simm.s32 @!p0 $0x400  }
0x17b: {  	s1 =	simm.s32 @!p0 $0x7A1400;
	s2 =	simm.s32 @!p0 $0x18100;
	p1 =	slt.s32 @!p0 s24, $0x1  }
0x17c: {  	[tilespmem:s2], [sflag:$0x4] =	stream.strided.gather @!p0 [hbm4b:s12+s0], $0x1000, s1, s0, $0x38;
	[tilespmem:$0x1C180] =	vst v63  }
0x17d: {  	p1 =	por p0, p1  }
.Ltmp17:
0x17e: {  	_ = 	snop;
	(pc) =	sbr.rel @p1 .LBB2_24-.Ltmp17, $4  }
0x17f: {  	s0 =	simm.s32 @!p0 $0x4  }
0x180: {  	_ =	swait.ge @!p0 [sflag:s0], $0x1000  }
0x181: {  	[sflag:s0] =	ssyncset.done @!p0 $0x0  }
0x182: {  	[sflag:s0] =	ssyncadd.s32 @!p0 $0xFFFFF000  }
.Ltmp18:
0x183: {  	(pc) =	sbr.rel .LBB2_21-.Ltmp18, $2  }
0x184: {  	_ =	sdelay $0x2  }
0x185: {  	s0 =	simm.s32 @!p0 $0x8080;
	s1 =	simm.s32 @!p0 $0x4000  }
.LBB2_23:
0x186: {  	s29 =	sadd.s32 s29, s2  }
0x187: {  	p1 =	slt.s32 s29, $0x50  }
0x188: {  	s2 =	simm.s32 @!p1 $0x60;
	s8 =	simm.s32 @!p1 $0x1C100;
	s14 =	simm.s32 @!p1 $0x19100  }
0x189: {  	[hbm4b:s6+s2] =	stream.indirect.scatter @!p1 [tilespmem:s14], [sflag:$0x3], $0x80, s8, s2, $0xb8;
	[tilespmem:$0x1C180] =	vst v63  }
0x18a: {  	s2 =	simm.s32 @!p1 $0x3  }
0x18b: {  	_ =	swait.ge @!p1 [sflag:s2], $0x3000  }
0x18c: {  	[sflag:s2] =	ssyncset.done @!p1 $0x0  }
0x18d: {  	s24 =	sadd.s32 $0xFFFFFFFF, s24;
	v6 =	vimm.s32 @!p1 $0x4000;
	[sflag:s2] =	ssyncadd.s32 @!p1 $0xFFFFD000  }
0x18e: {  	p3 =	sne.s32 s24, $0x0;
	[tilespmem:$0x1C100] =	vst @!p1 v6  }
.Ltmp19:
0x18f: {  	[tilespmem:$0x1C110] =	vst @!p1 v6;
	(pc) =	sbr.rel @!p3 .LBB2_24-.Ltmp19, $4  }
0x190: {  	[tilespmem:$0x1C120] =	vst @!p1 v6  }
0x191: {  	[tilespmem:$0x1C130] =	vst @!p1 v6  }
0x192: {  	p2 =	sgt.s32 s29, $0x4F;
	[tilespmem:$0x1C140] =	vst @!p1 v6  }
0x193: {  	s0 =	sadd.s32 $0x10, s0;
	s1 =	sadd.s32 $0x10, s1;
	s29 =	simm.s32 @p2 $0x0;
	[tilespmem:$0x1C150] =	vst @!p1 v6  }
.LBB2_21:
0x194: {  	v6 =	vld [tilespmem:s0+$0x0];
	_ =	sdelay $0x4  }
0x195: {  	v7 =	vand.u32 $0xFFFFFFC0, v6  }
0x196: {  	vm0 =	veq.s32 v7, $0xF4200  }
0x197: {  	v7 =	vmpcnt.ones.xlane vm0;
	_ =	sdelay $0x1  }
0x198: {  	(v2sf) =	vpush v7, $0x0;
	_ =	sdelay $0xe  }
0x199: {  	s2 =	spop (v2sf)  }
0x19a: {  	p1 =	slt.s32 s2, $0x1  }
.Ltmp20:
0x19b: {  	_ = 	snop;
	(pc) =	sbr.rel @p1 .LBB2_23-.Ltmp20, $1  }
0x19c: {  	_ =	sdelay $0x3  }
0x19d: {  	v7 =	vsel vm0, $0x1, v5  }
0x19e: {  	(xrf0) =	vadd.scan.msk.s32 $0xffff, v7;
	_ =	sdelay $0x1  }
0x19f: {  	v6 =	vadd.s32 $0xFFF0BE00, v6  }
0x1a0: {  	v7 =	vmov s29;
	v8 =	vnsel vm0, $0x0, v6  }
0x1a1: {  	v6 =	vadd.s32 $0xFFFFFFFF, v7  }
0x1a2: {  	v6 =	vbroadcast v6, $0x0  }
0x1a3: {  	v7, _, _ =	vpop (xrf0)  }
0x1a4: {  	v6 =	vadd.s32 v7, v6  }
0x1a5: {  	v7 =	vld.idx.msk [tilespmem:v8+s23+$0x0], vm0;
	v9 =	vshll.u32 v6, $0x7  }
0x1a6: {  	v10 =	vadd.s32 $0x80, v8;
	_ =	sdelay $0x3  }
0x1a7: {  	v11 =	vld [tilespmem:s1+$0x0];
	[tilespmem:v9+s20+$0x0] =	vst.idx.msk vm0, v7  }
0x1a8: {  	v53 =	vor.u32 $0x1, v9;
	v7 =	vld.idx.msk [tilespmem:v10+s23+$0x0], vm0  }
0x1a9: {  	v12 =	vadd.s32 $0x100, v8;
	_ =	sdelay $0x3  }
0x1aa: {  	[tilespmem:v53+s20+$0x0] =	vst.idx.msk vm0, v7  }
0x1ab: {  	v54 =	vor.u32 $0x2, v9;
	v7 =	vld.idx.msk [tilespmem:v12+s23+$0x0], vm0  }
0x1ac: {  	v55 =	vadd.s32 $0x180, v8;
	_ =	sdelay $0x3  }
0x1ad: {  	[tilespmem:v54+s20+$0x0] =	vst.idx.msk vm0, v7  }
0x1ae: {  	v56 =	vor.u32 $0x3, v9;
	v7 =	vld.idx.msk [tilespmem:v55+s23+$0x0], vm0  }
0x1af: {  	v57 =	vadd.s32 $0x200, v8;
	_ =	sdelay $0x3  }
0x1b0: {  	[tilespmem:v56+s20+$0x0] =	vst.idx.msk vm0, v7  }
0x1b1: {  	v58 =	vor.u32 $0x4, v9;
	v7 =	vld.idx.msk [tilespmem:v57+s23+$0x0], vm0  }
0x1b2: {  	v59 =	vadd.s32 $0x280, v8;
	_ =	sdelay $0x3  }
0x1b3: {  	[tilespmem:v58+s20+$0x0] =	vst.idx.msk vm0, v7  }
0x1b4: {  	v60 =	vor.u32 $0x5, v9;
	v7 =	vld.idx.msk [tilespmem:v59+s23+$0x0], vm0  }
0x1b5: {  	v61 =	vadd.s32 $0x300, v8;
	_ =	sdelay $0x3  }
0x1b6: {  	[tilespmem:v60+s20+$0x0] =	vst.idx.msk vm0, v7  }
0x1b7: {  	v62 =	vor.u32 $0x6, v9;
	v7 =	vld.idx.msk [tilespmem:v61+s23+$0x0], vm0  }
0x1b8: {  	v63 =	vadd.s32 $0x380, v8;
	_ =	sdelay $0x3  }
0x1b9: {  	[tilespmem:v62+s20+$0x0] =	vst.idx.msk vm0, v7  }
0x1ba: {  	v16 =	vor.u32 $0x7, v9;
	v7 =	vld.idx.msk [tilespmem:v63+s23+$0x0], vm0  }
0x1bb: {  	v17 =	vadd.s32 $0x400, v8;
	_ =	sdelay $0x3  }
0x1bc: {  	[tilespmem:v16+s20+$0x0] =	vst.idx.msk vm0, v7  }
0x1bd: {  	v18 =	vor.u32 $0x8, v9;
	v7 =	vld.idx.msk [tilespmem:v17+s23+$0x0], vm0  }
0x1be: {  	v19 =	vadd.s32 $0x480, v8;
	_ =	sdelay $0x3  }
0x1bf: {  	[tilespmem:v18+s20+$0x0] =	vst.idx.msk vm0, v7  }
0x1c0: {  	v20 =	vor.u32 $0x9, v9;
	v7 =	vld.idx.msk [tilespmem:v19+s23+$0x0], vm0  }
0x1c1: {  	v21 =	vadd.s32 $0x500, v8;
	_ =	sdelay $0x3  }
0x1c2: {  	[tilespmem:v20+s20+$0x0] =	vst.idx.msk vm0, v7  }
0x1c3: {  	v22 =	vor.u32 $0xA, v9;
	v7 =	vld.idx.msk [tilespmem:v21+s23+$0x0], vm0  }
0x1c4: {  	v23 =	vadd.s32 $0x580, v8;
	_ =	sdelay $0x3  }
0x1c5: {  	[tilespmem:v22+s20+$0x0] =	vst.idx.msk vm0, v7  }
0x1c6: {  	v24 =	vor.u32 $0xB, v9;
	v7 =	vld.idx.msk [tilespmem:v23+s23+$0x0], vm0  }
0x1c7: {  	v25 =	vadd.s32 $0x600, v8;
	_ =	sdelay $0x3  }
0x1c8: {  	[tilespmem:v24+s20+$0x0] =	vst.idx.msk vm0, v7  }
0x1c9: {  	v26 =	vor.u32 $0xC, v9;
	v7 =	vld.idx.msk [tilespmem:v25+s23+$0x0], vm0  }
0x1ca: {  	v27 =	vadd.s32 $0x680, v8;
	_ =	sdelay $0x3  }
0x1cb: {  	[tilespmem:v26+s20+$0x0] =	vst.idx.msk vm0, v7  }
0x1cc: {  	v28 =	vor.u32 $0xD, v9;
	v7 =	vld.idx.msk [tilespmem:v27+s23+$0x0], vm0  }
0x1cd: {  	v29 =	vadd.s32 $0x700, v8;
	_ =	sdelay $0x3  }
0x1ce: {  	[tilespmem:v28+s20+$0x0] =	vst.idx.msk vm0, v7  }
0x1cf: {  	v30 =	vor.u32 $0xE, v9;
	v7 =	vld.idx.msk [tilespmem:v29+s23+$0x0], vm0  }
0x1d0: {  	v31 =	vadd.s32 $0x780, v8;
	_ =	sdelay $0x3  }
0x1d1: {  	[tilespmem:v30+s20+$0x0] =	vst.idx.msk vm0, v7  }
0x1d2: {  	v32 =	vor.u32 $0xF, v9;
	v7 =	vld.idx.msk [tilespmem:v31+s23+$0x0], vm0  }
0x1d3: {  	v33 =	vadd.s32 $0x800, v8;
	_ =	sdelay $0x3  }
0x1d4: {  	[tilespmem:v32+s20+$0x0] =	vst.idx.msk vm0, v7  }
0x1d5: {  	v34 =	vor.u32 $0x10, v9;
	v7 =	vld.idx.msk [tilespmem:v33+s23+$0x0], vm0  }
0x1d6: {  	v35 =	vadd.s32 $0x880, v8;
	_ =	sdelay $0x3  }
0x1d7: {  	[tilespmem:v34+s20+$0x0] =	vst.idx.msk vm0, v7  }
0x1d8: {  	v36 =	vor.u32 $0x11, v9;
	v7 =	vld.idx.msk [tilespmem:v35+s23+$0x0], vm0  }
0x1d9: {  	v37 =	vadd.s32 $0x900, v8;
	_ =	sdelay $0x3  }
0x1da: {  	[tilespmem:v36+s20+$0x0] =	vst.idx.msk vm0, v7  }
0x1db: {  	v38 =	vor.u32 $0x12, v9;
	v7 =	vld.idx.msk [tilespmem:v37+s23+$0x0], vm0  }
0x1dc: {  	v39 =	vadd.s32 $0x980, v8;
	_ =	sdelay $0x3  }
0x1dd: {  	[tilespmem:v38+s20+$0x0] =	vst.idx.msk vm0, v7  }
0x1de: {  	v40 =	vor.u32 $0x13, v9;
	v7 =	vld.idx.msk [tilespmem:v39+s23+$0x0], vm0  }
0x1df: {  	v41 =	vadd.s32 $0xA00, v8;
	_ =	sdelay $0x3  }
0x1e0: {  	[tilespmem:v40+s20+$0x0] =	vst.idx.msk vm0, v7  }
0x1e1: {  	v42 =	vor.u32 $0x14, v9;
	v7 =	vld.idx.msk [tilespmem:v41+s23+$0x0], vm0  }
0x1e2: {  	v43 =	vadd.s32 $0xA80, v8;
	_ =	sdelay $0x3  }
0x1e3: {  	[tilespmem:v42+s20+$0x0] =	vst.idx.msk vm0, v7  }
0x1e4: {  	v44 =	vor.u32 $0x15, v9;
	v7 =	vld.idx.msk [tilespmem:v43+s23+$0x0], vm0  }
0x1e5: {  	v45 =	vadd.s32 $0xB00, v8;
	_ =	sdelay $0x3  }
0x1e6: {  	[tilespmem:v44+s20+$0x0] =	vst.idx.msk vm0, v7  }
0x1e7: {  	v46 =	vor.u32 $0x16, v9;
	v7 =	vld.idx.msk [tilespmem:v45+s23+$0x0], vm0  }
0x1e8: {  	v47 =	vadd.s32 $0xB80, v8;
	_ =	sdelay $0x3  }
0x1e9: {  	[tilespmem:v46+s20+$0x0] =	vst.idx.msk vm0, v7  }
0x1ea: {  	v48 =	vor.u32 $0x17, v9;
	v7 =	vld.idx.msk [tilespmem:v47+s23+$0x0], vm0  }
0x1eb: {  	v49 =	vadd.s32 $0xC00, v8;
	_ =	sdelay $0x3  }
0x1ec: {  	[tilespmem:v48+s20+$0x0] =	vst.idx.msk vm0, v7  }
0x1ed: {  	v50 =	vor.u32 $0x18, v9;
	v7 =	vld.idx.msk [tilespmem:v49+s23+$0x0], vm0  }
0x1ee: {  	v51 =	vadd.s32 $0xC80, v8;
	_ =	sdelay $0x3  }
0x1ef: {  	[tilespmem:v50+s20+$0x0] =	vst.idx.msk vm0, v7  }
0x1f0: {  	v52 =	vor.u32 $0x19, v9;
	v7 =	vld.idx.msk [tilespmem:v51+s23+$0x0], vm0  }
0x1f1: {  	v53 =	vadd.s32 $0xD00, v8;
	_ =	sdelay $0x3  }
0x1f2: {  	[tilespmem:v52+s20+$0x0] =	vst.idx.msk vm0, v7  }
0x1f3: {  	v54 =	vor.u32 $0x1A, v9;
	v7 =	vld.idx.msk [tilespmem:v53+s23+$0x0], vm0  }
0x1f4: {  	v55 =	vadd.s32 $0xD80, v8;
	_ =	sdelay $0x3  }
0x1f5: {  	[tilespmem:v54+s20+$0x0] =	vst.idx.msk vm0, v7  }
0x1f6: {  	v56 =	vor.u32 $0x1B, v9;
	v7 =	vld.idx.msk [tilespmem:v55+s23+$0x0], vm0  }
0x1f7: {  	v57 =	vadd.s32 $0xE00, v8;
	_ =	sdelay $0x3  }
0x1f8: {  	[tilespmem:v56+s20+$0x0] =	vst.idx.msk vm0, v7  }
0x1f9: {  	v58 =	vor.u32 $0x1C, v9;
	v7 =	vld.idx.msk [tilespmem:v57+s23+$0x0], vm0  }
0x1fa: {  	v59 =	vadd.s32 $0xE80, v8;
	_ =	sdelay $0x3  }
0x1fb: {  	[tilespmem:v58+s20+$0x0] =	vst.idx.msk vm0, v7  }
0x1fc: {  	v60 =	vor.u32 $0x1D, v9;
	v7 =	vld.idx.msk [tilespmem:v59+s23+$0x0], vm0  }
0x1fd: {  	v61 =	vadd.s32 $0xF00, v8;
	_ =	sdelay $0x3  }
0x1fe: {  	[tilespmem:v60+s20+$0x0] =	vst.idx.msk vm0, v7  }
0x1ff: {  	v62 =	vor.u32 $0x1E, v9;
	v7 =	vld.idx.msk [tilespmem:v61+s23+$0x0], vm0  }
0x200: {  	v8 =	vadd.s32 $0xF80, v8;
	_ =	sdelay $0x3  }
0x201: {  	[tilespmem:v62+s20+$0x0] =	vst.idx.msk vm0, v7  }
0x202: {  	v63 =	vor.u32 $0x1F, v9;
	v7 =	vld.idx.msk [tilespmem:v8+s23+$0x0], vm0;
	_ =	sdelay $0x1  }
.Ltmp21:
0x203: {  	_ = 	snop;
	(pc) =	sbr.rel .LBB2_23-.Ltmp21, $3  }
0x204: {  	_ =	sdelay $0x1  }
0x205: {  	[tilespmem:v63+s20+$0x0] =	vst.idx.msk vm0, v7  }
0x206: {  	[tilespmem:v6+s21+$0x0] =	vst.idx.msk vm0, v11  }
.LBB2_25:
0x207: {  	_ =	sfence.sel $0x180000  }
0x208: {  	[bflag:$0x0] =	sbarrier.arrive $0xFFFF  }
0x209: {  	_ =	strace $0x9000004A  }
0x20a: {  	s0 =	stileid.u32;
	[bflag:$0x2] =	sbarrier.arrive $0xFFFF  }
0x20b: {  	p0 =	sne.s32 s0, $0x0;
	s0 =	rddreg [dreg:$0x3]  }
0x20c: {  	s0 =	sadd.s32 @!p0 $0x100000, s0  }
0x20d: {  	[sflag:s0] =	ssyncadd.tile.s32 @!p0 $0x1;
	_ =	shalt  }
.Lfunc_end2:
_tile_overlayer_lowered:
.L_overlay_start_2:
0x20e: {  	(tag) =	ssettag $0x2  }
0x20f: {  	s0 =	rddreg [dreg:$0x0];
	s2 =	stileid.u32  }
0x210: {  	s1 =	rddreg [dreg:$0x1];
	p0 =	sne.s32 s2, $0x0  }
0x211: {  	s3 =	rddreg [dreg:$0x2];
	[bflag:$0x3] =	sbarrier.arrive $0xFFFF;
	s2 =	simm.s32 @!p0 $0x1C04  }
0x212: {  	[timem:s3], [sflag:s2] =	dma.local @!p0 [hbm:s0], s1  }
0x213: {  	s0 =	simm.s32 @!p0 $0x4  }
0x214: {  	_ =	swait.ge @!p0 [sflag:s0], s1  }
0x215: {  	s1 =	ssub.s32 @!p0 $0x0, s1;
	[sflag:s0] =	ssyncset.done @!p0 $0x0  }
0x216: {  	[sflag:s0] =	ssyncadd.s32 @!p0 s1  }
0x217: {  	[bflag:$0x3] =	sbarrier.arrive $0xFFFF  }
0x218: {  	_ =	shalt  }

// kernel: kernel.8.cloned.1.call-start
scs
__scs_entry_jumppad:
0x0: {  	(pc) =	sbr.rel $0x88, $3  }
0x1: {  	(tag) =	ssettag $0x0;
	lr =	simm.s32 $0x1  }
0x2: {  	[smem:$0x3F95] =	sst lr;
	_ =	strace $0xD0000000  }
0x3: {  	_ = 	snop  }
0x4: {  	_ = 	snop  }
0x5: {  	_ = 	snop  }
0x6: {  	_ = 	snop  }
0x7: {  	_ = 	snop  }
__scs_overlays_trampoline_lowered:
0x8: {  	[smem:$0x3FA4] =	sst s0  }
0x9: {  	[smem:$0x3FA5] =	sst s1  }
0xa: {  	[smem:$0x3FA6] =	sst s2  }
0xb: {  	[smem:$0x3FA7] =	sst s3  }
0xc: {  	[smem:$0x3FA8] =	sst s4  }
0xd: {  	[smem:$0x3FA9] =	sst s5  }
0xe: {  	[smem:$0x3FAA] =	sst s6  }
0xf: {  	[smem:$0x3FAB] =	sst s7  }
0x10: {  	[smem:$0x3FAC] =	sst s8  }
0x11: {  	[smem:$0x3FAD] =	sst s9;
	s0 =	simm.s32 @!p0 $0x0  }
0x12: {  	s1 =	sld [smem:$0x3F93];
	s0 =	simm.s32 @p0 $0x1  }
0x13: {  	[smem:$0x3FAE] =	sst s0;
	s0 =	simm.s32 @!p1 $0x0  }
0x14: {  	s2 =	sld [smem:$0x3F92];
	s0 =	simm.s32 @p1 $0x1  }
0x15: {  	[smem:$0x3FAF] =	sst s0;
	s0 =	simm.s32 @!p2 $0x0  }
0x16: {  	s3 =	sld [smem:$0x3FDB];
	s0 =	simm.s32 @p2 $0x1  }
0x17: {  	s4 =	simm.s32 $0x1BF5;
	[smem:$0x3FB1] =	sst s0  }
0x18: {  	s0 =	sld [smem:$0x3F94];
	_ =	swait.ge [sflag:s4], $0x0  }
0x19: {  	s7 =	sld [smem:$0x3F95]  }
0x1a: {  	s8 =	sadd.s32 $0xFFFFE003, lr  }
0x1b: {  	s9 =	sadd.s32 $0xFFFFFEF7, lr;
	s5 =	simm.s32 $0xFFFFFFFF;
	p2 =	slt.u32 s8, $0xFFFFF086  }
0x1c: {  	p1 =	slt.u32 s9, $0xF7A;
	s5 =	simm.s32 @!p2 $0x0  }
0x1d: {  	s5 =	simm.s32 @p1 $0x1;
	p0 =	seq.s32 s7, s2  }
0x1e: {  	s7 =	smul.u32 @!p0 $0xF7A, s2;
	p2 =	seq.s32 @!p0 s5, $0x0  }
0x1f: {  	s9 =	smul.u32 $0xF7A, s1;
	s8 =	simm.s32 @!p0 $0x1BF5;
	p2 =	por !p2, p0  }
0x20: {  	[sflag:s8] =	ssyncset.s32 @!p0 $0xFFFFF086;
	s6 =	sadd.s32 @!p0 s3, s7;
	s7 =	simm.s32 @!p0 $0x108  }
0x21: {  	s3 =	sadd.s32 s3, s9;
	s6 =	sadd.s32 @!p0 $0x88, s6;
	s7 =	simm.s32 @p2 $0x1082  }
0x22: {  	[simem:s7], [sflag:s8] =	dma.local @!p0 [hbm:s6], $0xF7A  }
0x23: {  	s9 =	sor.u32 $0xD0000000, s2;
	s6 =	simm.s32 $0x108;
	_ =	swait.ge @!p0 [sflag:s8], $0x0  }
0x24: {  	s3 =	sadd.s32 $0x88, s3;
	s6 =	simm.s32 @!p1 $0x1082;
	[sflag:s4] =	ssyncset.s32 $0xFFFFF086  }
0x25: {  	[simem:s6], [sflag:s4] =	dma.local [hbm:s3], $0xF7A  }
0x26: {  	[smem:$0x3F95] =	sst s1;
	(tag) =	ssettag s2;
	_ =	strace s9  }
0x27: {  	s1 =	sld [smem:$0x3FA5]  }
0x28: {  	s2 =	sld [smem:$0x3FA6]  }
0x29: {  	s4 =	sld [smem:$0x3FA8]  }
0x2a: {  	p0 =	seq.s32 s5, $0x0;
	s5 =	sld [smem:$0x3FA9]  }
0x2b: {  	s6 =	sld [smem:$0x3FAA]  }
0x2c: {  	s7 =	sld [smem:$0x3FAB]  }
0x2d: {  	s3 =	simm.s32 $0x108;
	s8 =	sld [smem:$0x3FAC]  }
0x2e: {  	s3 =	simm.s32 @!p0 $0x1082;
	s9 =	sld [smem:$0x3FAD]  }
0x2f: {  	lr =	sadd.s32 s0, s3;
	s0 =	sld [smem:$0x3FA4]  }
0x30: {  	s3 =	sld [smem:$0x3FA7]  }
0x31: {  	[smem:$0x3FB0] =	sst s10  }
0x32: {  	s10 =	sld [smem:$0x3FAE];
	_ =	sdelay $0x3  }
0x33: {  	p0 =	seq.s32 s10, $0x1;
	s10 =	sld [smem:$0x3FB0];
	_ =	sdelay $0x3  }
0x34: {  	[smem:$0x3FB0] =	sst s10  }
0x35: {  	s10 =	sld [smem:$0x3FAF];
	_ =	sdelay $0x3  }
0x36: {  	p1 =	seq.s32 s10, $0x1;
	s10 =	sld [smem:$0x3FB0];
	_ =	sdelay $0x3  }
0x37: {  	[smem:$0x3FB0] =	sst s10  }
0x38: {  	s10 =	sld [smem:$0x3FB1]  }
0x39: {  	_ = 	snop;
	(pc) =	sbr.ind lr, $3  }
0x3a: {  	_ = 	snop  }
0x3b: {  	_ = 	snop  }
0x3c: {  	p2 =	seq.s32 s10, $0x1;
	s10 =	sld [smem:$0x3FB0]  }
0x3d: {  	_ =	shalt  }
0x3e: {  	_ =	shalt  }
0x3f: {  	_ =	shalt  }
0x40: {  	_ =	shalt  }
0x41: {  	_ =	shalt  }
0x42: {  	_ =	shalt  }
0x43: {  	_ =	shalt  }
0x44: {  	_ =	shalt  }
0x45: {  	_ =	shalt  }
0x46: {  	_ =	shalt  }
0x47: {  	_ =	shalt  }
0x48: {  	_ =	shalt  }
0x49: {  	_ =	shalt  }
0x4a: {  	_ =	shalt  }
0x4b: {  	_ =	shalt  }
0x4c: {  	_ =	shalt  }
0x4d: {  	_ =	shalt  }
0x4e: {  	_ =	shalt  }
0x4f: {  	_ =	shalt  }
0x50: {  	_ =	shalt  }
0x51: {  	_ =	shalt  }
0x52: {  	_ =	shalt  }
0x53: {  	_ =	shalt  }
0x54: {  	_ =	shalt  }
0x55: {  	_ =	shalt  }
0x56: {  	_ =	shalt  }
0x57: {  	_ =	shalt  }
0x58: {  	_ =	shalt  }
0x59: {  	_ =	shalt  }
0x5a: {  	_ =	shalt  }
0x5b: {  	_ =	shalt  }
0x5c: {  	_ =	shalt  }
0x5d: {  	_ =	shalt  }
0x5e: {  	_ =	shalt  }
0x5f: {  	_ =	shalt  }
0x60: {  	_ =	shalt  }
0x61: {  	_ =	shalt  }
0x62: {  	_ =	shalt  }
0x63: {  	_ =	shalt  }
0x64: {  	_ =	shalt  }
0x65: {  	_ =	shalt  }
0x66: {  	_ =	shalt  }
0x67: {  	_ =	shalt  }
0x68: {  	_ =	shalt  }
0x69: {  	_ =	shalt  }
0x6a: {  	_ =	shalt  }
0x6b: {  	_ =	shalt  }
0x6c: {  	_ =	shalt  }
0x6d: {  	_ =	shalt  }
0x6e: {  	_ =	shalt  }
0x6f: {  	_ =	shalt  }
0x70: {  	_ =	shalt  }
0x71: {  	_ =	shalt  }
0x72: {  	_ =	shalt  }
0x73: {  	_ =	shalt  }
0x74: {  	_ =	shalt  }
0x75: {  	_ =	shalt  }
0x76: {  	_ =	shalt  }
0x77: {  	_ =	shalt  }
0x78: {  	_ =	shalt  }
0x79: {  	_ =	shalt  }
0x7a: {  	_ =	shalt  }
0x7b: {  	_ =	shalt  }
0x7c: {  	_ =	shalt  }
0x7d: {  	_ =	shalt  }
0x7e: {  	_ =	shalt  }
0x7f: {  	_ =	shalt  }
0x80: {  	_ =	shalt  }
0x81: {  	_ =	shalt  }
0x82: {  	_ =	shalt  }
0x83: {  	_ =	shalt  }
0x84: {  	_ =	shalt  }
0x85: {  	_ =	shalt  }
0x86: {  	_ =	shalt  }
0x87: {  	_ =	shalt  }
.Lfunc_end0:
.L_simem_size_0:
called_computation.1_lowered:
.L_overlay_start_0:
0x88: {  	s2 =	sld [smem:$0x3FD9]  }
0x89: {  	s3 =	sld [smem:$0x3FFE];
	_ =	sdelay $0x1  }
0x8a: {  	s1 =	srdreg.scid  }
0x8b: {  	s0 =	sand.u32 $0x1, s1  }
0x8c: {  	s17 =	sshll.u32 s0, $0xA;
	s2 =	sadd.s32 s3, s2  }
0x8d: {  	s2 =	sadd.s32 s2, s17  }
0x8e: {  	[smem:$0x3FBC] =	sst s2  }
0x8f: {  	_ = 	snop  }
0x90: {  	s2 =	sld [smem:$0x3FC8]  }
0x91: {  	s18 =	sld [smem:$0x3FC7]  }
0x92: {  	s4 =	sld [smem:$0x3FC6];
	(tm) =	ssettm $0x1  }
0x93: {  	s5 =	sld [smem:$0x3FFB];
	_ =	sdelay $0x3  }
0x94: {  	_ =	strace s5  }
0x95: {  	s5 =	sld [smem:$0x3FFC];
	_ =	sdelay $0x3  }
0x96: {  	_ =	strace s5  }
0x97: {  	s5 =	sld [smem:$0x3FFD];
	_ =	sdelay $0x3  }
0x98: {  	_ =	strace s5  }
0x99: {  	_ =	strace $0x8FFFFFFF  }
0x9a: {  	s19 =	sld [smem:$0x3FDB];
	_ =	sdelay $0x1  }
0x9b: {  	s6 =	simm.s32 $_scs_section_size  }
0x9c: {  	s7 =	simm.s32 $_size__tile_overlayer_lowered;
	s8 =	simm.s32 $_tile_overlayer_lowered  }
0x9d: {  	s22 =	simm.s32 $0x1BFF;
	s21 =	sshll.u32 s8, $0x1;
	s5 =	sadd.s32 s6, s19  }
0x9e: {  	s9 =	simm.s32 $0x0;
	s20 =	sshll.u32 s7, $0x1;
	s7 =	sadd.s32 s21, s5  }
0x9f: {  	[timem:s9], [sflag:s22] =	dma.local [hbm:s7], s20  }
0xa0: {  	_ =	swait.ge [sflag:s22], s20  }
0xa1: {  	s6 =	ssub.s32 $0x0, s20;
	[sflag:s22] =	ssyncset.done $0x0  }
0xa2: {  	[sflag:s22] =	ssyncadd.s32 s6;
	_ =	sdelay $0x1  }
0xa3: {  	s23 =	simm.s32 $0x1B8B  }
0xa4: {  	_ =	swait.ge [sflag:s23], $0x1  }
0xa5: {  	[sflag:s23] =	ssyncset.done $0x0  }
0xa6: {  	s25 =	simm.s32 $0x1B8E;
	s24 =	sld [smem:$0x3FFE];
	[sflag:s23] =	ssyncadd.s32 $0xFFFFFFFF  }
0xa7: {  	s26 =	simm.s32 $execute0_lowered;
	[smem:$0x3FD2] =	sst s25  }
0xa8: {  	s7 =	sshll.u32 s26, $0x1;
	_ =	strace $0x80000046;
	[dreg:$0x1] =	wrdreg $0xFFFFFFFF  }
0xa9: {  	s28 =	simm.s32 $_size_execute0_lowered;
	s5 =	sadd.s32 s5, s7;
	[dreg:$0x0] =	wrdreg $0x0  }
0xaa: {  	s7 =	sshll.u32 s28, $0x1;
	[dreg:$0x2] =	wrdreg s5  }
0xab: {  	[dreg:$0x3] =	wrdreg s7  }
0xac: {  	[dreg:$0x4] =	wrdreg $0xC0  }
0xad: {  	_ =	task [dreg:s9], $0x5FFFF  }
0xae: {  	[dreg:$0x1] =	wrdreg $0xFFFFFFFF  }
0xaf: {  	[dreg:$0x0] =	wrdreg $0x60  }
0xb0: {  	[dreg:$0x2] =	wrdreg s2  }
0xb1: {  	[dreg:$0x3] =	wrdreg s18  }
0xb2: {  	[dreg:$0x4] =	wrdreg s4  }
0xb3: {  	[dreg:$0x5] =	wrdreg s24  }
0xb4: {  	[dreg:$0x6] =	wrdreg $0xA  }
0xb5: {  	_ =	task.clear_ibuf [dreg:s9], $0x7FFFF;
	_ =	strace $0x90000046  }
0xb6: {  	s29 =	simm.s32 $0xA;
	_ =	strace $0x80000048  }
0xb7: {  	_ =	swait.ge [sflag:s29], $0x1  }
0xb8: {  	[sflag:s29] =	ssyncadd.s32 $0xFFFFFFFF  }
0xb9: {  	_ =	strace $0x90000048  }
0xba: {  	_ =	sfence  }
0xbb: {  	s30 =	sld [smem:$0x0];
	_ =	sdelay $0x2  }
0xbc: {  	s31 =	sshll.u32 s1, $0xD;
	s1 =	sshrl.u32 s1, $0x2  }
0xbd: {  	s3 =	sand.u32 $0x4000, s31;
	s1 =	sadd.s32 s1, s30  }
0xbe: {  	s0 =	sor.u32 s3, s0;
	s1 =	sshll.u32 s1, $0x11  }
0xbf: {  	s0 =	sor.u32 s1, s0  }
0xc0: {  	s0 =	sadd.s32 $0x8F2B, s0  }
0xc1: {  	[sflag:s0] =	ssyncadd.remote.s32 $0x1  }
0xc2: {  	_ =	sfence.sel $0xFFFF  }
0xc3: {  	[dreg:$0x0] =	wrdreg $0xFFFFFFFF;
	(pc) =	sbr.abs _section_cstart, $3  }
0xc4: {  	[dreg:$0x1] =	wrdreg $0xFFFFFFFF  }
0xc5: {  	_ =	task.clear_ibuf [dreg:s9], $0x2FFFF;
	_ =	strace $0x9FFFFFFF  }
0xc6: {  	(tm) =	ssettm $0x7FFFFFFF  }
0xc7: {  	_ =	shalt  }
tec
execute0_lowered:
.L_overlay_start_1:
0x0: {  	(tag) =	ssettag $0x1  }
0x1: {  	s3 =	rddreg [dreg:$0x0]  }
0x2: {  	s9 =	rddreg [dreg:$0x1];
	s1 =	srdreg.scid  }
0x3: {  	s12 =	rddreg [dreg:$0x2];
	s0 =	stileid.u32;
	s14 =	sand.u32 $0x1, s1  }
0x4: {  	s13 =	rddreg [dreg:$0x3];
	s4 =	sshll.u32 s0, $0xA;
	s5 =	sshll.u32 s14, $0x9  }
0x5: {  	s2 =	simm.s32 $0x0;
	s1 =	rddreg [dreg:$0x4];
	s8 =	sor.u32 s5, s4  }
0x6: {  	[smem:$0x7FF] =	sst s2;
	s15 =	sshrl.u32 s8, $0x3  }
0x7: {  	_ =	strace $0x80000047;
	s4 =	sadd.s32 s3, s15;
	s3 =	simm.s32 $0x2  }
0x8: {  	[tilespmem:s2], [sflag:$0x2] =	stream.linear.gather [hbm4b:s4+s2], $0x200, $0x38;
	[tilespmem:$0x4200] =	vst v63  }
0x9: {  	_ =	swait.ge [sflag:s3], $0x200  }
0xa: {  	s6 =	simm.s32 $0x200;
	[sflag:s3] =	ssyncset.done $0x0  }
0xb: {  	s7 =	simm.s32 $0x1;
	s5 =	sadd.s32 $0x187A00, s13;
	[sflag:s3] =	ssyncadd.s32 $0xFFFFFE00  }
0xc: {  	[tilespmem:s6], [sflag:$0x1] =	stream.indirect.gather [hbm4b:s5+s6], $0x20, s2, s6, $0xb8;
	[tilespmem:$0x4200] =	vst v63  }
0xd: {  	s8 =	sshll.u32 s8, $0x2;
	_ =	swait.ge [sflag:s7], $0x4000  }
0xe: {  	s16 =	sadd.s32 s8, s13;
	[sflag:s7] =	ssyncset.done $0x0  }
0xf: {  	s8 =	sadd.s32 $0x3000, s16;
	[sflag:s7] =	ssyncadd.s32 $0xFFFFC000  }
0x10: {  	[hbm4b:s8+s2] =	stream.linear.scatter [tilespmem:s6], [sflag:$0x2], $0x4000, $0x38;
	[tilespmem:$0x4200] =	vst v63  }
0x11: {  	_ =	swait.ge [sflag:s3], $0x4000  }
0x12: {  	[sflag:s3] =	ssyncset.done $0x0  }
0x13: {  	s9 =	sadd.s32 s9, s15;
	[sflag:s3] =	ssyncadd.s32 $0xFFFFC000  }
0x14: {  	[tilespmem:s2], [sflag:$0x2] =	stream.linear.gather [hbm4b:s9+s2], $0x200, $0x38;
	[tilespmem:$0x4200] =	vst v63  }
0x15: {  	_ =	swait.ge [sflag:s3], $0x200  }
0x16: {  	[sflag:s3] =	ssyncset.done $0x0  }
0x17: {  	s10 =	sadd.s32 $0x2000, s13;
	[sflag:s3] =	ssyncadd.s32 $0xFFFFFE00  }
0x18: {  	[tilespmem:s6], [sflag:$0x1] =	stream.indirect.gather [hbm4b:s10+s6], $0x20, s2, s6, $0xb8;
	[tilespmem:$0x4200] =	vst v63  }
0x19: {  	_ =	swait.ge [sflag:s7], $0x4000  }
0x1a: {  	[sflag:s7] =	ssyncset.done $0x0  }
0x1b: {  	s11 =	sadd.s32 $0x13000, s16;
	[sflag:s7] =	ssyncadd.s32 $0xFFFFC000  }
0x1c: {  	[hbm4b:s11+s2] =	stream.linear.scatter [tilespmem:s6], [sflag:$0x2], $0x4000, $0x38;
	[tilespmem:$0x4200] =	vst v63  }
0x1d: {  	_ =	swait.ge [sflag:s3], $0x4000  }
0x1e: {  	[sflag:s3] =	ssyncset.done $0x0  }
0x1f: {  	s14 =	ssub.s32 $0x2, s14;
	s12 =	sadd.s32 s12, s15;
	[sflag:s3] =	ssyncadd.s32 $0xFFFFC000  }
0x20: {  	[tilespmem:s2], [sflag:$0x2] =	stream.linear.gather [hbm4b:s12+s2], $0x200, $0x38;
	[tilespmem:$0x4200] =	vst v63  }
0x21: {  	s31 =	sshrl.u32 s14, $0x1;
	_ =	swait.ge [sflag:s3], $0x200  }
0x22: {  	s15 =	ssub.s32 s14, s31;
	[sflag:s3] =	ssyncset.done $0x0  }
0x23: {  	s13 =	sadd.s32 $0x1000, s13;
	s15 =	smax.u32 s15, $0x1;
	[sflag:s3] =	ssyncadd.s32 $0xFFFFFE00  }
0x24: {  	[tilespmem:s6], [sflag:$0x1] =	stream.indirect.gather [hbm4b:s13+s6], $0x20, s2, s6, $0xb8;
	[tilespmem:$0x4200] =	vst v63  }
0x25: {  	p0 =	sne.s32 s15, $0x1;
	_ =	swait.ge [sflag:s7], $0x4000  }
.Ltmp0:
0x26: {  	[sflag:s7] =	ssyncset.done $0x0;
	(pc) =	sbr.rel @!p0 .LBB2_2-.Ltmp0, $4  }
0x27: {  	s14 =	sadd.s32 $0x23000, s16;
	[sflag:s7] =	ssyncadd.s32 $0xFFFFC000  }
0x28: {  	[hbm4b:s14+s2] =	stream.linear.scatter [tilespmem:s6], [sflag:$0x2], $0x4000, $0x38;
	[tilespmem:$0x4200] =	vst v63  }
0x29: {  	_ =	swait.ge [sflag:s3], $0x4000  }
0x2a: {  	s15 =	sadd.s32 $0xFFFFFFFF, s15;
	[sflag:s3] =	ssyncset.done $0x0  }
.LBB2_1:
0x2b: {  	p0 =	sne.s32 s15, $0x1;
	s15 =	sadd.s32 $0xFFFFFFFF, s15;
	[sflag:s3] =	ssyncadd.s32 $0xFFFFC000  }
0x2c: {  	[tilespmem:s2], [sflag:$0x2] =	stream.linear.gather [hbm4b:s4+s2], $0x200, $0x38;
	[tilespmem:$0x4200] =	vst v63  }
0x2d: {  	_ =	swait.ge [sflag:s3], $0x200  }
0x2e: {  	[sflag:s3] =	ssyncset.done $0x0  }
0x2f: {  	[sflag:s3] =	ssyncadd.s32 $0xFFFFFE00  }
0x30: {  	[tilespmem:s6], [sflag:$0x1] =	stream.indirect.gather [hbm4b:s5+s6], $0x20, s2, s6, $0xb8;
	[tilespmem:$0x4200] =	vst v63  }
0x31: {  	_ =	swait.ge [sflag:s7], $0x4000  }
0x32: {  	[sflag:s7] =	ssyncset.done $0x0  }
0x33: {  	[sflag:s7] =	ssyncadd.s32 $0xFFFFC000  }
0x34: {  	[hbm4b:s8+s2] =	stream.linear.scatter [tilespmem:s6], [sflag:$0x2], $0x4000, $0x38;
	[tilespmem:$0x4200] =	vst v63  }
0x35: {  	_ =	swait.ge [sflag:s3], $0x4000  }
0x36: {  	[sflag:s3] =	ssyncset.done $0x0  }
0x37: {  	[sflag:s3] =	ssyncadd.s32 $0xFFFFC000  }
0x38: {  	[tilespmem:s2], [sflag:$0x2] =	stream.linear.gather [hbm4b:s9+s2], $0x200, $0x38;
	[tilespmem:$0x4200] =	vst v63  }
0x39: {  	_ =	swait.ge [sflag:s3], $0x200  }
0x3a: {  	[sflag:s3] =	ssyncset.done $0x0  }
0x3b: {  	[sflag:s3] =	ssyncadd.s32 $0xFFFFFE00  }
0x3c: {  	[tilespmem:s6], [sflag:$0x1] =	stream.indirect.gather [hbm4b:s10+s6], $0x20, s2, s6, $0xb8;
	[tilespmem:$0x4200] =	vst v63  }
0x3d: {  	_ =	swait.ge [sflag:s7], $0x4000  }
0x3e: {  	[sflag:s7] =	ssyncset.done $0x0  }
0x3f: {  	[sflag:s7] =	ssyncadd.s32 $0xFFFFC000  }
0x40: {  	[hbm4b:s11+s2] =	stream.linear.scatter [tilespmem:s6], [sflag:$0x2], $0x4000, $0x38;
	[tilespmem:$0x4200] =	vst v63  }
0x41: {  	_ =	swait.ge [sflag:s3], $0x4000  }
0x42: {  	[sflag:s3] =	ssyncset.done $0x0  }
0x43: {  	[sflag:s3] =	ssyncadd.s32 $0xFFFFC000  }
0x44: {  	[tilespmem:s2], [sflag:$0x2] =	stream.linear.gather [hbm4b:s12+s2], $0x200, $0x38;
	[tilespmem:$0x4200] =	vst v63  }
0x45: {  	_ =	swait.ge [sflag:s3], $0x200  }
0x46: {  	[sflag:s3] =	ssyncset.done $0x0  }
0x47: {  	[sflag:s3] =	ssyncadd.s32 $0xFFFFFE00  }
0x48: {  	[tilespmem:s6], [sflag:$0x1] =	stream.indirect.gather [hbm4b:s13+s6], $0x20, s2, s6, $0xb8;
	[tilespmem:$0x4200] =	vst v63  }
0x49: {  	_ =	swait.ge [sflag:s7], $0x4000  }
.Ltmp1:
0x4a: {  	[sflag:s7] =	ssyncset.done $0x0;
	(pc) =	sbr.rel @p0 .LBB2_1-.Ltmp1, $4  }
0x4b: {  	[sflag:s7] =	ssyncadd.s32 $0xFFFFC000  }
0x4c: {  	[hbm4b:s14+s2] =	stream.linear.scatter [tilespmem:s6], [sflag:$0x2], $0x4000, $0x38;
	[tilespmem:$0x4200] =	vst v63  }
0x4d: {  	_ =	swait.ge [sflag:s3], $0x4000  }
0x4e: {  	[sflag:s3] =	ssyncset.done $0x0  }
.LBB2_2:
0x4f: {  	[sflag:s3] =	ssyncadd.s32 $0xFFFFC000  }
0x50: {  	_ =	sfence.sel $0x180000  }
0x51: {  	[bflag:$0x0] =	sbarrier.arrive $0xFFFF  }
0x52: {  	p0 =	sne.s32 s0, $0x0;
	_ =	strace $0x90000047  }
0x53: {  	s0 =	sadd.s32 @!p0 $0x100000, s1;
	[bflag:$0x2] =	sbarrier.arrive $0xFFFF  }
0x54: {  	[sflag:s0] =	ssyncadd.tile.s32 @!p0 $0x1;
	_ =	shalt  }
.Lfunc_end2:
_tile_overlayer_lowered:
.L_overlay_start_2:
0x55: {  	(tag) =	ssettag $0x2  }
0x56: {  	s0 =	rddreg [dreg:$0x0];
	s2 =	stileid.u32  }
0x57: {  	s1 =	rddreg [dreg:$0x1];
	p0 =	sne.s32 s2, $0x0  }
0x58: {  	s3 =	rddreg [dreg:$0x2];
	[bflag:$0x3] =	sbarrier.arrive $0xFFFF;
	s2 =	simm.s32 @!p0 $0x1C02  }
0x59: {  	[timem:s3], [sflag:s2] =	dma.local @!p0 [hbm:s0], s1  }
0x5a: {  	s0 =	simm.s32 @!p0 $0x2  }
0x5b: {  	_ =	swait.ge @!p0 [sflag:s0], s1  }
0x5c: {  	s1 =	ssub.s32 @!p0 $0x0, s1;
	[sflag:s0] =	ssyncset.done @!p0 $0x0  }
0x5d: {  	[sflag:s0] =	ssyncadd.s32 @!p0 s1  }
0x5e: {  	[bflag:$0x3] =	sbarrier.arrive $0xFFFF  }
0x5f: {  	_ =	shalt  }

</sc_bundles>
